<compile_context>
chip_gen: v7x
topology: tpu7x:2x2x1
jax: 0.10.2.dev20260603
libtpu: 0.0.44.dev20260713+nightly
codegen_flags: <defaults>
</compile_context>

<pallas_src>
import functools

import jax
import jax.numpy as jnp
from jax import lax
from jax.experimental import pallas as pl
from jax.experimental.pallas import tpu as pltpu
from jax.experimental.pallas import tpu_sc as plsc

_EPS = 1e-4
_B = 16
_K = 500
_KP = 512
_HW = 128 * 128
_CWH = 10
_CREG = 2


def _sc_gather_body(wh_hbm, reg_hbm, ct_hbm, idx_hbm,
                    out_wh, out_reg, out_ct,
                    plane_v, idx_v, g_v):
    cid = lax.axis_index("c")
    sid = lax.axis_index("s")
    wid = sid * 2 + cid
    b = wid // 2
    h = wid % 2

    pltpu.sync_copy(idx_hbm.at[b], idx_v)

    def do_plane(src_hbm, src_row, dst_hbm, dst_row):
        pltpu.sync_copy(src_hbm.at[src_row], plane_v)
        for j in range(_KP // 16):
            iv = idx_v[pl.ds(j * 16, 16)]
            g_v[pl.ds(j * 16, 16)] = plsc.load_gather(plane_v, [iv])
        pltpu.sync_copy(g_v, dst_hbm.at[dst_row])

    for j in range(5):
        c = h * 5 + j
        do_plane(wh_hbm, b * _CWH + c, out_wh, b * _CWH + c)
    do_plane(reg_hbm, b * _CREG + h, out_reg, b * _CREG + h)

    @pl.when(h == 0)
    def _():
        do_plane(ct_hbm, b, out_ct, b)


_sc_gather = functools.partial(
    pl.kernel,
    mesh=plsc.VectorSubcoreMesh(core_axis_name="c", subcore_axis_name="s"),
    out_type=(
        jax.ShapeDtypeStruct((_B * _CWH, _KP), jnp.float32),
        jax.ShapeDtypeStruct((_B * _CREG, _KP), jnp.float32),
        jax.ShapeDtypeStruct((_B, _KP), jnp.float32),
    ),
    scratch_types=[
        pltpu.VMEM((_HW,), jnp.float32),
        pltpu.VMEM((_KP,), jnp.int32),
        pltpu.VMEM((_KP,), jnp.float32),
    ],
    compiler_params=pltpu.CompilerParams(needs_layout_passes=False),
)(_sc_gather_body)


def _tc_loss_body(hm_p_ref, hm_g_ref,
                  gwh_ref, whg_ref, mwh_ref,
                  greg_ref, regg_ref, mreg_ref,
                  gct_ref, ctg_ref, mct_ref,
                  out_ref):
    i = pl.program_id(0)

    @pl.when(i == 0)
    def _init():
        def smooth_l1_sum(p, t, m):
            d = jnp.abs(p - t)
            l = jnp.where(d < 1.0, 0.5 * d * d, d - 0.5)
            return jnp.sum(l * m)

        out_ref[0] = 0.0
        out_ref[1] = 0.0
        out_ref[2] = 0.0
        out_ref[3] = smooth_l1_sum(gwh_ref[...], whg_ref[...], mwh_ref[...])
        out_ref[4] = smooth_l1_sum(greg_ref[...], regg_ref[...], mreg_ref[...])
        pc = jnp.clip(gct_ref[...], _EPS, 1.0 - _EPS)
        t = ctg_ref[...]
        bce = -(t * jnp.log(pc) + (1.0 - t) * jnp.log(1.0 - pc))
        out_ref[5] = jnp.sum(bce * mct_ref[...])
        out_ref[6] = jnp.sum(mct_ref[...])
        out_ref[7] = 0.0

    p = hm_p_ref[...]
    g = hm_g_ref[...]
    pos = g == 1.0
    omp = 1.0 - p
    l = jnp.log(jnp.where(pos, p, omp))
    ng = 1.0 - g
    ng2 = ng * ng
    w = jnp.where(pos, omp * omp, p * p * (ng2 * ng2))
    lw = l * w
    posf = pos.astype(jnp.float32)
    s_pos = jnp.sum(lw * posf)
    s_all = jnp.sum(lw)
    n_pos = jnp.sum(posf)
    out_ref[0] += s_pos
    out_ref[1] += s_all - s_pos
    out_ref[2] += n_pos


def _tc_loss(hm_p2, hm_g2, gwh, whg, mwh, greg, regg, mreg, gct, ctg, mct):
    rows = hm_p2.shape[0]
    br = 24
    grid = (rows // br,)
    hm_spec = pl.BlockSpec((br, _HW), lambda i: (i, 0))

    def full(a):
        return pl.BlockSpec(a.shape, lambda i: (0, 0))

    return pl.pallas_call(
        _tc_loss_body,
        grid=grid,
        in_specs=[hm_spec, hm_spec,
                  full(gwh), full(whg), full(mwh),
                  full(greg), full(regg), full(mreg),
                  full(gct), full(ctg), full(mct)],
        out_specs=pl.BlockSpec(memory_space=pltpu.SMEM),
        out_shape=jax.ShapeDtypeStruct((8,), jnp.float32),
        compiler_params=pltpu.CompilerParams(
            dimension_semantics=("arbitrary",)),
    )(hm_p2, hm_g2, gwh, whg, mwh, greg, regg, mreg, gct, ctg, mct)


def kernel(hm_pred, hm_gt, wh_pred, wh_gt, reg_pred, reg_gt,
           cls_theta_pred, cls_theta_gt, reg_mask, ind):
    B, K = ind.shape
    pad = _KP - K

    wh2 = wh_pred.reshape(B * _CWH, _HW)
    reg2 = reg_pred.reshape(B * _CREG, _HW)
    ct2 = cls_theta_pred.reshape(B, _HW)
    hm_p2 = hm_pred.reshape(-1, _HW)
    hm_g2 = hm_gt.reshape(-1, _HW)

    idx_p = jnp.pad(ind, ((0, 0), (0, pad)))
    mask_p = jnp.pad(reg_mask, ((0, 0), (0, pad)))

    whg = jnp.pad(wh_gt, ((0, 0), (0, pad), (0, 0))).transpose(0, 2, 1)
    whg = whg.reshape(B * _CWH, _KP)
    regg = jnp.pad(reg_gt, ((0, 0), (0, pad), (0, 0))).transpose(0, 2, 1)
    regg = regg.reshape(B * _CREG, _KP)
    ctg = jnp.pad(cls_theta_gt, ((0, 0), (0, pad), (0, 0))).transpose(0, 2, 1)
    ctg = ctg.reshape(B, _KP)
    mwh = jnp.repeat(mask_p, _CWH, axis=0)
    mreg = jnp.repeat(mask_p, _CREG, axis=0)

    g_wh, g_reg, g_ct = _sc_gather(wh2, reg2, ct2, idx_p)

    s = _tc_loss(hm_p2, hm_g2, g_wh, whg, mwh, g_reg, regg, mreg,
                 g_ct, ctg, mask_p)

    pos_s, neg_s, n_pos = s[0], s[1], s[2]
    wh_s, reg_s, ct_s, m_s = s[3], s[4], s[5], s[6]
    hm_loss = jnp.where(n_pos == 0, -neg_s,
                        -(pos_s + neg_s) / jnp.maximum(n_pos, 1.0))
    wh_loss = wh_s / jnp.maximum(m_s * _CWH, 1.0)
    off_loss = reg_s / jnp.maximum(m_s * _CREG, 1.0)
    ct_loss = ct_s / jnp.maximum(m_s, 1.0)
    total = hm_loss + wh_loss + off_loss + ct_loss
    return jnp.stack([hm_loss, off_loss, wh_loss, ct_loss, total])

# --- scband reference (transcript-rebuilt; emitter-appended) ---
"""Pipeline reference for scband-loss-all-8323646620569 (READ-ONLY COPY).

The authoritative reference and input builder live on the scoring server;
editing this copy changes nothing except your own understanding.
"""

import jax, jax.numpy as jnp
import numpy as np

EPS = 1e-4


def _gather_feat(feat, ind):
    # feat: [B, C, H, W] -> permute to [B, H*W, C], gather along token dim by ind [B, K]
    B, C, H, W = feat.shape
    f = jnp.transpose(feat, (0, 2, 3, 1)).reshape(B, H * W, C)
    idx = jnp.broadcast_to(ind[:, :, None], (B, ind.shape[1], C))
    return jnp.take_along_axis(f, idx, axis=1)


def _focal_loss(pred, gt):
    pos_inds = (gt == 1.0).astype(pred.dtype)
    neg_inds = (gt < 1.0).astype(pred.dtype)
    neg_weights = jnp.power(1.0 - gt, 4)
    pos_loss = jnp.log(pred) * jnp.power(1.0 - pred, 2) * pos_inds
    neg_loss = jnp.log(1.0 - pred) * jnp.power(pred, 2) * neg_weights * neg_inds
    num_pos = pos_inds.sum()
    pos_s = pos_loss.sum()
    neg_s = neg_loss.sum()
    return jnp.where(num_pos == 0, -neg_s, -(pos_s + neg_s) / jnp.maximum(num_pos, 1.0))


def _smooth_l1_masked(pred, target, mask):
    m = jnp.broadcast_to(mask[:, :, None], pred.shape).astype(pred.dtype)
    diff = jnp.abs(pred - target)
    l = jnp.where(diff < 1.0, 0.5 * diff * diff, diff - 0.5)
    return (l * m).sum() / jnp.maximum(m.sum(), 1.0)


def _bce_masked(pred, target, mask):
    m = jnp.broadcast_to(mask[:, :, None], pred.shape).astype(pred.dtype)
    p = jnp.clip(pred, EPS, 1.0 - EPS)
    l = -(target * jnp.log(p) + (1.0 - target) * jnp.log(1.0 - p))
    return (l * m).sum() / jnp.maximum(m.sum(), 1.0)


def _forward(hm_pred, hm_gt, wh_pred, wh_gt, reg_pred, reg_gt, cls_theta_pred, cls_theta_gt, reg_mask, ind):
    hm_loss = _focal_loss(hm_pred, hm_gt)
    wh_g = _gather_feat(wh_pred, ind)
    wh_loss = _smooth_l1_masked(wh_g, wh_gt, reg_mask)
    reg_g = _gather_feat(reg_pred, ind)
    off_loss = _smooth_l1_masked(reg_g, reg_gt, reg_mask)
    ct_g = _gather_feat(cls_theta_pred, ind)
    cls_theta_loss = _bce_masked(ct_g, cls_theta_gt, reg_mask)
    total = hm_loss + wh_loss + off_loss + cls_theta_loss
    return jnp.stack([hm_loss, off_loss, wh_loss, cls_theta_loss, total])


def setup_inputs(seed: int = 0) -> dict:
    key = jax.random.key(seed)
    ks = jax.random.split(key, 10)
    B, K, H, W = 16, 500, 128, 128
    hm_pred = jnp.clip(jax.random.uniform(ks[0], (B, 15, H, W), dtype=jnp.float32), 1e-4, 1.0 - 1e-4)
    # clip gt strictly below 1 so the num_pos==0 branch is taken deterministically
    hm_gt = jnp.clip(jax.random.uniform(ks[1], (B, 15, H, W), dtype=jnp.float32), 1e-4, 1.0 - 2e-4)
    wh_pred = jax.random.normal(ks[2], (B, 10, H, W), dtype=jnp.float32)
    reg_pred = jax.random.normal(ks[3], (B, 2, H, W), dtype=jnp.float32)
    cls_theta_pred = jnp.clip(jax.random.uniform(ks[4], (B, 1, H, W), dtype=jnp.float32), 1e-4, 1.0 - 1e-4)
    reg_mask = jnp.ones((B, K), dtype=jnp.float32)
    ind = jax.random.randint(ks[5], (B, K), 0, H * W, dtype=jnp.int32)
    wh_gt = jax.random.normal(ks[6], (B, K, 10), dtype=jnp.float32)
    reg_gt = jax.random.normal(ks[7], (B, K, 2), dtype=jnp.float32)
    cls_theta_gt = jax.random.uniform(ks[8], (B, K, 1), dtype=jnp.float32)
    return {"hm_pred": hm_pred, "hm_gt": hm_gt, "wh_pred": wh_pred, "wh_gt": wh_gt, "reg_pred": reg_pred, "reg_gt": reg_gt, "cls_theta_pred": cls_theta_pred, "cls_theta_gt": cls_theta_gt, "reg_mask": reg_mask, "ind": ind}


def reference(hm_pred, hm_gt, wh_pred, wh_gt, reg_pred, reg_gt, cls_theta_pred, cls_theta_gt, reg_mask, ind):
    # returns [hm_loss, off_loss, wh_loss, cls_theta_loss, total]
    return _forward(hm_pred, hm_gt, wh_pred, wh_gt, reg_pred, reg_gt, cls_theta_pred, cls_theta_gt, reg_mask, ind)

if __name__ == "__main__":
    import jax
    _d = setup_inputs()
    print(jax.jit(kernel)(*tuple(_d.values())))

</pallas_src>

<mosaic_0001>
#map = affine_map<(d0, d1) -> (0, 0)>
module attributes {stable_mosaic.version = 14 : i64} {
  func.func @_sc_gather_body(%arg0: i32, %arg1: i32, %arg2: memref<160x16384xf32, #tpu.memory_space<hbm>>, %arg3: memref<32x16384xf32, #tpu.memory_space<hbm>>, %arg4: memref<16x16384xf32, #tpu.memory_space<hbm>>, %arg5: memref<16x512xi32, #tpu.memory_space<hbm>>, %arg6: memref<160x512xf32, #tpu.memory_space<hbm>>, %arg7: memref<32x512xf32, #tpu.memory_space<hbm>>, %arg8: memref<16x512xf32, #tpu.memory_space<hbm>>, %arg9: memref<16384xf32, #tpu.memory_space<vmem>>, %arg10: memref<512xi32, #tpu.memory_space<vmem>>, %arg11: memref<512xf32, #tpu.memory_space<vmem>>) attributes {dimension_semantics = [#tpu.dimension_semantics<core_parallel>, #tpu.dimension_semantics<subcore_parallel>], iteration_bounds = array<i64: 2, 16>, scalar_prefetch = 0 : i64, scratch_operands = 3 : i64, tpu.core_type = #tpu.core_type<sc_vector_subcore>, window_params = [{transform_indices = #map}, {transform_indices = #map}, {transform_indices = #map}, {transform_indices = #map}, {transform_indices = #map}, {transform_indices = #map}, {transform_indices = #map}]} {
    %mul3A = arith.constant 2 : i32
    %mul3A_0 = arith.muli %arg1, %mul3A : i32
    %add3A = arith.addi %mul3A_0, %arg0 : i32
    %jit3A = arith.constant 2 : i32
    %div3A = arith.divsi %add3A, %jit3A : i32
    %sign3A = arith.constant 0 : i32
    %sign3A_1 = arith.cmpi sgt, %add3A, %sign3A : i32
    %sign3A_2 = arith.extui %sign3A_1 : i1 to i32
    %sign3A_3 = arith.constant 0 : i32
    %sign3A_4 = arith.cmpi slt, %add3A, %sign3A_3 : i32
    %sign3A_5 = arith.extui %sign3A_4 : i1 to i32
    %sign3A_6 = arith.subi %sign3A_2, %sign3A_5 : i32
    %sign3A_7 = arith.constant 0 : i32
    %sign3A_8 = arith.cmpi sgt, %jit3A, %sign3A_7 : i32
    %sign3A_9 = arith.extui %sign3A_8 : i1 to i32
    %sign3A_10 = arith.constant 0 : i32
    %sign3A_11 = arith.cmpi slt, %jit3A, %sign3A_10 : i32
    %sign3A_12 = arith.extui %sign3A_11 : i1 to i32
    %sign3A_13 = arith.subi %sign3A_9, %sign3A_12 : i32
    %ne3A = arith.cmpi ne, %sign3A_6, %sign3A_13 : i32
    %rem3A = arith.remsi %add3A, %jit3A : i32
    %ne3A_14 = arith.constant 0 : i32
    %ne3A_15 = arith.cmpi ne, %rem3A, %ne3A_14 : i32
    %and3A = arith.andi %ne3A, %ne3A_15 : i1
    %sub3A = arith.constant 1 : i32
    %sub3A_16 = arith.subi %div3A, %sub3A : i32
    %select_n3A = arith.select %and3A, %sub3A_16, %div3A : i32
    %jit3A_17 = arith.constant 2 : i32
    %eq3A = arith.constant 0 : i32
    %eq3A_18 = arith.cmpi eq, %jit3A_17, %eq3A : i32
    %jit3A_19 = arith.constant 1 : i32
    %select_n3A_20 = arith.select %eq3A_18, %jit3A_19, %jit3A_17 : i32
    %rem3A_21 = arith.remsi %add3A, %select_n3A_20 : i32
    %ne3A_22 = arith.constant 0 : i32
    %ne3A_23 = arith.cmpi ne, %rem3A_21, %ne3A_22 : i32
    %lt3A = arith.constant 0 : i32
    %lt3A_24 = arith.cmpi slt, %rem3A_21, %lt3A : i32
    %lt3A_25 = arith.constant 0 : i32
    %lt3A_26 = arith.cmpi slt, %select_n3A_20, %lt3A_25 : i32
    %ne3A_27 = arith.xori %lt3A_24, %lt3A_26 : i1
    %and3A_28 = arith.andi %ne3A_27, %ne3A_23 : i1
    %add3A_29 = arith.addi %rem3A_21, %select_n3A_20 : i32
    %select_n3A_30 = arith.select %and3A_28, %add3A_29, %rem3A_21 : i32
    "tpu.region"() ({
      %run_scoped3A = tpu.sem_alloc : memref<!tpu.dma_semaphore, #tpu.memory_space<semaphore_mem>>
      %dma_start3A = arith.constant 0 : i32
      %dma_start3A_1047 = tpu.memref_slice %arg5[%select_n3A, %dma_start3A] : memref<16x512xi32, #tpu.memory_space<hbm>> -> memref<1x512xi32, #tpu.memory_space<hbm>>
      %dma_start3A_1048 = tpu.memref_squeeze %dma_start3A_1047 : memref<1x512xi32, #tpu.memory_space<hbm>> -> memref<512xi32, #tpu.memory_space<hbm>>
      %dma_start3A_1049 = arith.constant 0 : i32
      %dma_start3A_1050 = tpu.memref_slice %arg5[%select_n3A, %dma_start3A_1049] : memref<16x512xi32, #tpu.memory_space<hbm>> -> memref<1x512xi32, #tpu.memory_space<hbm>>
      %dma_start3A_1051 = tpu.memref_squeeze %dma_start3A_1050 : memref<1x512xi32, #tpu.memory_space<hbm>> -> memref<512xi32, #tpu.memory_space<hbm>>
      tpu.enqueue_dma source(%dma_start3A_1051 : memref<512xi32, #tpu.memory_space<hbm>>) target(%arg10 : memref<512xi32, #tpu.memory_space<vmem>>) target_semaphore(%run_scoped3A : memref<!tpu.dma_semaphore, #tpu.memory_space<semaphore_mem>>)
      %dma_wait3A = arith.constant 0 : i32
      %dma_wait3A_1052 = tpu.memref_slice %arg5[%select_n3A, %dma_wait3A] : memref<16x512xi32, #tpu.memory_space<hbm>> -> memref<1x512xi32, #tpu.memory_space<hbm>>
      %dma_wait3A_1053 = tpu.memref_squeeze %dma_wait3A_1052 : memref<1x512xi32, #tpu.memory_space<hbm>> -> memref<512xi32, #tpu.memory_space<hbm>>
      %dma_wait3A_1054 = arith.constant 0 : i32
      %dma_wait3A_1055 = tpu.memref_slice %arg5[%select_n3A, %dma_wait3A_1054] : memref<16x512xi32, #tpu.memory_space<hbm>> -> memref<1x512xi32, #tpu.memory_space<hbm>>
      %dma_wait3A_1056 = tpu.memref_squeeze %dma_wait3A_1055 : memref<1x512xi32, #tpu.memory_space<hbm>> -> memref<512xi32, #tpu.memory_space<hbm>>
      tpu.wait_dma2 semaphore(%run_scoped3A : memref<!tpu.dma_semaphore, #tpu.memory_space<semaphore_mem>>) src(%dma_wait3A_1056 : memref<512xi32, #tpu.memory_space<hbm>>) dst(%arg10 : memref<512xi32, #tpu.memory_space<vmem>>)
      tpu.yield
    }) : () -> ()
    %mul3A_31 = arith.constant 5 : i32
    %mul3A_32 = arith.muli %select_n3A_30, %mul3A_31 : i32
    %add3A_33 = arith.constant 0 : i32
    %add3A_34 = arith.addi %mul3A_32, %add3A_33 : i32
    %mul3A_35 = arith.constant 10 : i32
    %mul3A_36 = arith.muli %select_n3A, %mul3A_35 : i32
    %add3A_37 = arith.addi %mul3A_36, %add3A_34 : i32
    %mul3A_38 = arith.constant 10 : i32
    %mul3A_39 = arith.muli %select_n3A, %mul3A_38 : i32
    %add3A_40 = arith.addi %mul3A_39, %add3A_34 : i32
    "tpu.region"() ({
      %run_scoped3A = tpu.sem_alloc : memref<!tpu.dma_semaphore, #tpu.memory_space<semaphore_mem>>
      %dma_start3A = arith.constant 0 : i32
      %dma_start3A_1047 = tpu.memref_slice %arg2[%add3A_37, %dma_start3A] : memref<160x16384xf32, #tpu.memory_space<hbm>> -> memref<1x16384xf32, #tpu.memory_space<hbm>>
      %dma_start3A_1048 = tpu.memref_squeeze %dma_start3A_1047 : memref<1x16384xf32, #tpu.memory_space<hbm>> -> memref<16384xf32, #tpu.memory_space<hbm>>
      %dma_start3A_1049 = arith.constant 0 : i32
      %dma_start3A_1050 = tpu.memref_slice %arg2[%add3A_37, %dma_start3A_1049] : memref<160x16384xf32, #tpu.memory_space<hbm>> -> memref<1x16384xf32, #tpu.memory_space<hbm>>
      %dma_start3A_1051 = tpu.memref_squeeze %dma_start3A_1050 : memref<1x16384xf32, #tpu.memory_space<hbm>> -> memref<16384xf32, #tpu.memory_space<hbm>>
      tpu.enqueue_dma source(%dma_start3A_1051 : memref<16384xf32, #tpu.memory_space<hbm>>) target(%arg9 : memref<16384xf32, #tpu.memory_space<vmem>>) target_semaphore(%run_scoped3A : memref<!tpu.dma_semaphore, #tpu.memory_space<semaphore_mem>>)
      %dma_wait3A = arith.constant 0 : i32
      %dma_wait3A_1052 = tpu.memref_slice %arg2[%add3A_37, %dma_wait3A] : memref<160x16384xf32, #tpu.memory_space<hbm>> -> memref<1x16384xf32, #tpu.memory_space<hbm>>
      %dma_wait3A_1053 = tpu.memref_squeeze %dma_wait3A_1052 : memref<1x16384xf32, #tpu.memory_space<hbm>> -> memref<16384xf32, #tpu.memory_space<hbm>>
      %dma_wait3A_1054 = arith.constant 0 : i32
      %dma_wait3A_1055 = tpu.memref_slice %arg2[%add3A_37, %dma_wait3A_1054] : memref<160x16384xf32, #tpu.memory_space<hbm>> -> memref<1x16384xf32, #tpu.memory_space<hbm>>
      %dma_wait3A_1056 = tpu.memref_squeeze %dma_wait3A_1055 : memref<1x16384xf32, #tpu.memory_space<hbm>> -> memref<16384xf32, #tpu.memory_space<hbm>>
      tpu.wait_dma2 semaphore(%run_scoped3A : memref<!tpu.dma_semaphore, #tpu.memory_space<semaphore_mem>>) src(%dma_wait3A_1056 : memref<16384xf32, #tpu.memory_space<hbm>>) dst(%arg9 : memref<16384xf32, #tpu.memory_space<vmem>>)
      tpu.yield
    }) : () -> ()
    %get3A = arith.constant 0 : index
    %get3A_41 = tpu.vector_load %arg10[%get3A] {strides = array<i32>} : memref<512xi32, #tpu.memory_space<vmem>>, vector<16xi32>,
    %gather3A = tpu.vector_load_idx %arg9[%get3A_41] : memref<16384xf32, #tpu.memory_space<vmem>>[vector<16xi32>], vector<16xf32>,
    %swap3A = arith.constant 0 : index
    %swap3A_42 = tpu.vector_load %arg11[%swap3A] {strides = array<i32>} : memref<512xf32, #tpu.memory_space<vmem>>, vector<16xf32>,
    tpu.vector_store %arg11[%swap3A], %gather3A {strides = array<i32>} : memref<512xf32, #tpu.memory_space<vmem>>, vector<16xf32>,
    %get3A_43 = arith.constant 16 : index
    %get3A_44 = tpu.vector_load %arg10[%get3A_43] {strides = array<i32>} : memref<512xi32, #tpu.memory_space<vmem>>, vector<16xi32>,
    %gather3A_45 = tpu.vector_load_idx %arg9[%get3A_44] : memref<16384xf32, #tpu.memory_space<vmem>>[vector<16xi32>], vector<16xf32>,
    %swap3A_46 = arith.constant 16 : index
    %swap3A_47 = tpu.vector_load %arg11[%swap3A_46] {strides = array<i32>} : memref<512xf32, #tpu.memory_space<vmem>>, vector<16xf32>,
    tpu.vector_store %arg11[%swap3A_46], %gather3A_45 {strides = array<i32>} : memref<512xf32, #tpu.memory_space<vmem>>, vector<16xf32>,
    %get3A_48 = arith.constant 32 : index
    %get3A_49 = tpu.vector_load %arg10[%get3A_48] {strides = array<i32>} : memref<512xi32, #tpu.memory_space<vmem>>, vector<16xi32>,
    %gather3A_50 = tpu.vector_load_idx %arg9[%get3A_49] : memref<16384xf32, #tpu.memory_space<vmem>>[vector<16xi32>], vector<16xf32>,
    %swap3A_51 = arith.constant 32 : index
    %swap3A_52 = tpu.vector_load %arg11[%swap3A_51] {strides = array<i32>} : memref<512xf32, #tpu.memory_space<vmem>>, vector<16xf32>,
    tpu.vector_store %arg11[%swap3A_51], %gather3A_50 {strides = array<i32>} : memref<512xf32, #tpu.memory_space<vmem>>, vector<16xf32>,
    %get3A_53 = arith.constant 48 : index
    %get3A_54 = tpu.vector_load %arg10[%get3A_53] {strides = array<i32>} : memref<512xi32, #tpu.memory_space<vmem>>, vector<16xi32>,
    %gather3A_55 = tpu.vector_load_idx %arg9[%get3A_54] : memref<16384xf32, #tpu.memory_space<vmem>>[vector<16xi32>], vector<16xf32>,
    %swap3A_56 = arith.constant 48 : index
    %swap3A_57 = tpu.vector_load %arg11[%swap3A_56] {strides = array<i32>} : memref<512xf32, #tpu.memory_space<vmem>>, vector<16xf32>,
    tpu.vector_store %arg11[%swap3A_56], %gather3A_55 {strides = array<i32>} : memref<512xf32, #tpu.memory_space<vmem>>, vector<16xf32>,
    %get3A_58 = arith.constant 64 : index
    %get3A_59 = tpu.vector_load %arg10[%get3A_58] {strides = array<i32>} : memref<512xi32, #tpu.memory_space<vmem>>, vector<16xi32>,
    %gather3A_60 = tpu.vector_load_idx %arg9[%get3A_59] : memref<16384xf32, #tpu.memory_space<vmem>>[vector<16xi32>], vector<16xf32>,
    %swap3A_61 = arith.constant 64 : index
    %swap3A_62 = tpu.vector_load %arg11[%swap3A_61] {strides = array<i32>} : memref<512xf32, #tpu.memory_space<vmem>>, vector<16xf32>,
    tpu.vector_store %arg11[%swap3A_61], %gather3A_60 {strides = array<i32>} : memref<512xf32, #tpu.memory_space<vmem>>, vector<16xf32>,
    %get3A_63 = arith.constant 80 : index
    %get3A_64 = tpu.vector_load %arg10[%get3A_63] {strides = array<i32>} : memref<512xi32, #tpu.memory_space<vmem>>, vector<16xi32>,
    %gather3A_65 = tpu.vector_load_idx %arg9[%get3A_64] : memref<16384xf32, #tpu.memory_space<vmem>>[vector<16xi32>], vector<16xf32>,
    %swap3A_66 = arith.constant 80 : index
    %swap3A_67 = tpu.vector_load %arg11[%swap3A_66] {strides = array<i32>} : memref<512xf32, #tpu.memory_space<vmem>>, vector<16xf32>,
    tpu.vector_store %arg11[%swap3A_66], %gather3A_65 {strides = array<i32>} : memref<512xf32, #tpu.memory_space<vmem>>, vector<16xf32>,
    %get3A_68 = arith.constant 96 : index
    %get3A_69 = tpu.vector_load %arg10[%get3A_68] {strides = array<i32>} : memref<512xi32, #tpu.memory_space<vmem>>, vector<16xi32>,
    %gather3A_70 = tpu.vector_load_idx %arg9[%get3A_69] : memref<16384xf32, #tpu.memory_space<vmem>>[vector<16xi32>], vector<16xf32>,
    %swap3A_71 = arith.constant 96 : index
    %swap3A_72 = tpu.vector_load %arg11[%swap3A_71] {strides = array<i32>} : memref<512xf32, #tpu.memory_space<vmem>>, vector<16xf32>,
    tpu.vector_store %arg11[%swap3A_71], %gather3A_70 {strides = array<i32>} : memref<512xf32, #tpu.memory_space<vmem>>, vector<16xf32>,
    %get3A_73 = arith.constant 112 : index
    %get3A_74 = tpu.vector_load %arg10[%get3A_73] {strides = array<i32>} : memref<512xi32, #tpu.memory_space<vmem>>, vector<16xi32>,
    %gather3A_75 = tpu.vector_load_idx %arg9[%get3A_74] : memref<16384xf32, #tpu.memory_space<vmem>>[vector<16xi32>], vector<16xf32>,
    %swap3A_76 = arith.constant 112 : index
    %swap3A_77 = tpu.vector_load %arg11[%swap3A_76] {strides = array<i32>} : memref<512xf32, #tpu.memory_space<vmem>>, vector<16xf32>,
    tpu.vector_store %arg11[%swap3A_76], %gather3A_75 {strides = array<i32>} : memref<512xf32, #tpu.memory_space<vmem>>, vector<16xf32>,
    %get3A_78 = arith.constant 128 : index
    %get3A_79 = tpu.vector_load %arg10[%get3A_78] {strides = array<i32>} : memref<512xi32, #tpu.memory_space<vmem>>, vector<16xi32>,
    %gather3A_80 = tpu.vector_load_idx %arg9[%get3A_79] : memref<16384xf32, #tpu.memory_space<vmem>>[vector<16xi32>], vector<16xf32>,
    %swap3A_81 = arith.constant 128 : index
    %swap3A_82 = tpu.vector_load %arg11[%swap3A_81] {strides = array<i32>} : memref<512xf32, #tpu.memory_space<vmem>>, vector<16xf32>,
    tpu.vector_store %arg11[%swap3A_81], %gather3A_80 {strides = array<i32>} : memref<512xf32, #tpu.memory_space<vmem>>, vector<16xf32>,
    %get3A_83 = arith.constant 144 : index
    %get3A_84 = tpu.vector_load %arg10[%get3A_83] {strides = array<i32>} : memref<512xi32, #tpu.memory_space<vmem>>, vector<16xi32>,
    %gather3A_85 = tpu.vector_load_idx %arg9[%get3A_84] : memref<16384xf32, #tpu.memory_space<vmem>>[vector<16xi32>], vector<16xf32>,
    %swap3A_86 = arith.constant 144 : index
    %swap3A_87 = tpu.vector_load %arg11[%swap3A_86] {strides = array<i32>} : memref<512xf32, #tpu.memory_space<vmem>>, vector<16xf32>,
    tpu.vector_store %arg11[%swap3A_86], %gather3A_85 {strides = array<i32>} : memref<512xf32, #tpu.memory_space<vmem>>, vector<16xf32>,
    %get3A_88 = arith.constant 160 : index
    %get3A_89 = tpu.vector_load %arg10[%get3A_88] {strides = array<i32>} : memref<512xi32, #tpu.memory_space<vmem>>, vector<16xi32>,
    %gather3A_90 = tpu.vector_load_idx %arg9[%get3A_89] : memref<16384xf32, #tpu.memory_space<vmem>>[vector<16xi32>], vector<16xf32>,
    %swap3A_91 = arith.constant 160 : index
    %swap3A_92 = tpu.vector_load %arg11[%swap3A_91] {strides = array<i32>} : memref<512xf32, #tpu.memory_space<vmem>>, vector<16xf32>,
    tpu.vector_store %arg11[%swap3A_91], %gather3A_90 {strides = array<i32>} : memref<512xf32, #tpu.memory_space<vmem>>, vector<16xf32>,
    %get3A_93 = arith.constant 176 : index
    %get3A_94 = tpu.vector_load %arg10[%get3A_93] {strides = array<i32>} : memref<512xi32, #tpu.memory_space<vmem>>, vector<16xi32>,
    %gather3A_95 = tpu.vector_load_idx %arg9[%get3A_94] : memref<16384xf32, #tpu.memory_space<vmem>>[vector<16xi32>], vector<16xf32>,
    %swap3A_96 = arith.constant 176 : index
    %swap3A_97 = tpu.vector_load %arg11[%swap3A_96] {strides = array<i32>} : memref<512xf32, #tpu.memory_space<vmem>>, vector<16xf32>,
    tpu.vector_store %arg11[%swap3A_96], %gather3A_95 {strides = array<i32>} : memref<512xf32, #tpu.memory_space<vmem>>, vector<16xf32>,
    %get3A_98 = arith.constant 192 : index
    %get3A_99 = tpu.vector_load %arg10[%get3A_98] {strides = array<i32>} : memref<512xi32, #tpu.memory_space<vmem>>, vector<16xi32>,
    %gather3A_100 = tpu.vector_load_idx %arg9[%get3A_99] : memref<16384xf32, #tpu.memory_space<vmem>>[vector<16xi32>], vector<16xf32>,
    %swap3A_101 = arith.constant 192 : index
    %swap3A_102 = tpu.vector_load %arg11[%swap3A_101] {strides = array<i32>} : memref<512xf32, #tpu.memory_space<vmem>>, vector<16xf32>,
    tpu.vector_store %arg11[%swap3A_101], %gather3A_100 {strides = array<i32>} : memref<512xf32, #tpu.memory_space<vmem>>, vector<16xf32>,
    %get3A_103 = arith.constant 208 : index
    %get3A_104 = tpu.vector_load %arg10[%get3A_103] {strides = array<i32>} : memref<512xi32, #tpu.memory_space<vmem>>, vector<16xi32>,
    %gather3A_105 = tpu.vector_load_idx %arg9[%get3A_104] : memref<16384xf32, #tpu.memory_space<vmem>>[vector<16xi32>], vector<16xf32>,
    %swap3A_106 = arith.constant 208 : index
    %swap3A_107 = tpu.vector_load %arg11[%swap3A_106] {strides = array<i32>} : memref<512xf32, #tpu.memory_space<vmem>>, vector<16xf32>,
    tpu.vector_store %arg11[%swap3A_106], %gather3A_105 {strides = array<i32>} : memref<512xf32, #tpu.memory_space<vmem>>, vector<16xf32>,
    %get3A_108 = arith.constant 224 : index
    %get3A_109 = tpu.vector_load %arg10[%get3A_108] {strides = array<i32>} : memref<512xi32, #tpu.memory_space<vmem>>, vector<16xi32>,
    %gather3A_110 = tpu.vector_load_idx %arg9[%get3A_109] : memref<16384xf32, #tpu.memory_space<vmem>>[vector<16xi32>], vector<16xf32>,
    %swap3A_111 = arith.constant 224 : index
    %swap3A_112 = tpu.vector_load %arg11[%swap3A_111] {strides = array<i32>} : memref<512xf32, #tpu.memory_space<vmem>>, vector<16xf32>,
    tpu.vector_store %arg11[%swap3A_111], %gather3A_110 {strides = array<i32>} : memref<512xf32, #tpu.memory_space<vmem>>, vector<16xf32>,
    %get3A_113 = arith.constant 240 : index
    %get3A_114 = tpu.vector_load %arg10[%get3A_113] {strides = array<i32>} : memref<512xi32, #tpu.memory_space<vmem>>, vector<16xi32>,
    %gather3A_115 = tpu.vector_load_idx %arg9[%get3A_114] : memref<16384xf32, #tpu.memory_space<vmem>>[vector<16xi32>], vector<16xf32>,
    %swap3A_116 = arith.constant 240 : index
    %swap3A_117 = tpu.vector_load %arg11[%swap3A_116] {strides = array<i32>} : memref<512xf32, #tpu.memory_space<vmem>>, vector<16xf32>,
    tpu.vector_store %arg11[%swap3A_116], %gather3A_115 {strides = array<i32>} : memref<512xf32, #tpu.memory_space<vmem>>, vector<16xf32>,
    %get3A_118 = arith.constant 256 : index
    %get3A_119 = tpu.vector_load %arg10[%get3A_118] {strides = array<i32>} : memref<512xi32, #tpu.memory_space<vmem>>, vector<16xi32>,
    %gather3A_120 = tpu.vector_load_idx %arg9[%get3A_119] : memref<16384xf32, #tpu.memory_space<vmem>>[vector<16xi32>], vector<16xf32>,
    %swap3A_121 = arith.constant 256 : index
    %swap3A_122 = tpu.vector_load %arg11[%swap3A_121] {strides = array<i32>} : memref<512xf32, #tpu.memory_space<vmem>>, vector<16xf32>,
    tpu.vector_store %arg11[%swap3A_121], %gather3A_120 {strides = array<i32>} : memref<512xf32, #tpu.memory_space<vmem>>, vector<16xf32>,
    %get3A_123 = arith.constant 272 : index
    %get3A_124 = tpu.vector_load %arg10[%get3A_123] {strides = array<i32>} : memref<512xi32, #tpu.memory_space<vmem>>, vector<16xi32>,
    %gather3A_125 = tpu.vector_load_idx %arg9[%get3A_124] : memref<16384xf32, #tpu.memory_space<vmem>>[vector<16xi32>], vector<16xf32>,
    %swap3A_126 = arith.constant 272 : index
    %swap3A_127 = tpu.vector_load %arg11[%swap3A_126] {strides = array<i32>} : memref<512xf32, #tpu.memory_space<vmem>>, vector<16xf32>,
    tpu.vector_store %arg11[%swap3A_126], %gather3A_125 {strides = array<i32>} : memref<512xf32, #tpu.memory_space<vmem>>, vector<16xf32>,
    %get3A_128 = arith.constant 288 : index
    %get3A_129 = tpu.vector_load %arg10[%get3A_128] {strides = array<i32>} : memref<512xi32, #tpu.memory_space<vmem>>, vector<16xi32>,
    %gather3A_130 = tpu.vector_load_idx %arg9[%get3A_129] : memref<16384xf32, #tpu.memory_space<vmem>>[vector<16xi32>], vector<16xf32>,
    %swap3A_131 = arith.constant 288 : index
    %swap3A_132 = tpu.vector_load %arg11[%swap3A_131] {strides = array<i32>} : memref<512xf32, #tpu.memory_space<vmem>>, vector<16xf32>,
    tpu.vector_store %arg11[%swap3A_131], %gather3A_130 {strides = array<i32>} : memref<512xf32, #tpu.memory_space<vmem>>, vector<16xf32>,
    %get3A_133 = arith.constant 304 : index
    %get3A_134 = tpu.vector_load %arg10[%get3A_133] {strides = array<i32>} : memref<512xi32, #tpu.memory_space<vmem>>, vector<16xi32>,
    %gather3A_135 = tpu.vector_load_idx %arg9[%get3A_134] : memref<16384xf32, #tpu.memory_space<vmem>>[vector<16xi32>], vector<16xf32>,
    %swap3A_136 = arith.constant 304 : index
    %swap3A_137 = tpu.vector_load %arg11[%swap3A_136] {strides = array<i32>} : memref<512xf32, #tpu.memory_space<vmem>>, vector<16xf32>,
    tpu.vector_store %arg11[%swap3A_136], %gather3A_135 {strides = array<i32>} : memref<512xf32, #tpu.memory_space<vmem>>, vector<16xf32>,
    %get3A_138 = arith.constant 320 : index
    %get3A_139 = tpu.vector_load %arg10[%get3A_138] {strides = array<i32>} : memref<512xi32, #tpu.memory_space<vmem>>, vector<16xi32>,
    %gather3A_140 = tpu.vector_load_idx %arg9[%get3A_139] : memref<16384xf32, #tpu.memory_space<vmem>>[vector<16xi32>], vector<16xf32>,
    %swap3A_141 = arith.constant 320 : index
    %swap3A_142 = tpu.vector_load %arg11[%swap3A_141] {strides = array<i32>} : memref<512xf32, #tpu.memory_space<vmem>>, vector<16xf32>,
    tpu.vector_store %arg11[%swap3A_141], %gather3A_140 {strides = array<i32>} : memref<512xf32, #tpu.memory_space<vmem>>, vector<16xf32>,
    %get3A_143 = arith.constant 336 : index
    %get3A_144 = tpu.vector_load %arg10[%get3A_143] {strides = array<i32>} : memref<512xi32, #tpu.memory_space<vmem>>, vector<16xi32>,
    %gather3A_145 = tpu.vector_load_idx %arg9[%get3A_144] : memref<16384xf32, #tpu.memory_space<vmem>>[vector<16xi32>], vector<16xf32>,
    %swap3A_146 = arith.constant 336 : index
    %swap3A_147 = tpu.vector_load %arg11[%swap3A_146] {strides = array<i32>} : memref<512xf32, #tpu.memory_space<vmem>>, vector<16xf32>,
    tpu.vector_store %arg11[%swap3A_146], %gather3A_145 {strides = array<i32>} : memref<512xf32, #tpu.memory_space<vmem>>, vector<16xf32>,
    %get3A_148 = arith.constant 352 : index
    %get3A_149 = tpu.vector_load %arg10[%get3A_148] {strides = array<i32>} : memref<512xi32, #tpu.memory_space<vmem>>, vector<16xi32>,
    %gather3A_150 = tpu.vector_load_idx %arg9[%get3A_149] : memref<16384xf32, #tpu.memory_space<vmem>>[vector<16xi32>], vector<16xf32>,
    %swap3A_151 = arith.constant 352 : index
    %swap3A_152 = tpu.vector_load %arg11[%swap3A_151] {strides = array<i32>} : memref<512xf32, #tpu.memory_space<vmem>>, vector<16xf32>,
    tpu.vector_store %arg11[%swap3A_151], %gather3A_150 {strides = array<i32>} : memref<512xf32, #tpu.memory_space<vmem>>, vector<16xf32>,
    %get3A_153 = arith.constant 368 : index
    %get3A_154 = tpu.vector_load %arg10[%get3A_153] {strides = array<i32>} : memref<512xi32, #tpu.memory_space<vmem>>, vector<16xi32>,
    %gather3A_155 = tpu.vector_load_idx %arg9[%get3A_154] : memref<16384xf32, #tpu.memory_space<vmem>>[vector<16xi32>], vector<16xf32>,
    %swap3A_156 = arith.constant 368 : index
    %swap3A_157 = tpu.vector_load %arg11[%swap3A_156] {strides = array<i32>} : memref<512xf32, #tpu.memory_space<vmem>>, vector<16xf32>,
    tpu.vector_store %arg11[%swap3A_156], %gather3A_155 {strides = array<i32>} : memref<512xf32, #tpu.memory_space<vmem>>, vector<16xf32>,
    %get3A_158 = arith.constant 384 : index
    %get3A_159 = tpu.vector_load %arg10[%get3A_158] {strides = array<i32>} : memref<512xi32, #tpu.memory_space<vmem>>, vector<16xi32>,
    %gather3A_160 = tpu.vector_load_idx %arg9[%get3A_159] : memref<16384xf32, #tpu.memory_space<vmem>>[vector<16xi32>], vector<16xf32>,
    %swap3A_161 = arith.constant 384 : index
    %swap3A_162 = tpu.vector_load %arg11[%swap3A_161] {strides = array<i32>} : memref<512xf32, #tpu.memory_space<vmem>>, vector<16xf32>,
    tpu.vector_store %arg11[%swap3A_161], %gather3A_160 {strides = array<i32>} : memref<512xf32, #tpu.memory_space<vmem>>, vector<16xf32>,
    %get3A_163 = arith.constant 400 : index
    %get3A_164 = tpu.vector_load %arg10[%get3A_163] {strides = array<i32>} : memref<512xi32, #tpu.memory_space<vmem>>, vector<16xi32>,
    %gather3A_165 = tpu.vector_load_idx %arg9[%get3A_164] : memref<16384xf32, #tpu.memory_space<vmem>>[vector<16xi32>], vector<16xf32>,
    %swap3A_166 = arith.constant 400 : index
    %swap3A_167 = tpu.vector_load %arg11[%swap3A_166] {strides = array<i32>} : memref<512xf32, #tpu.memory_space<vmem>>, vector<16xf32>,
    tpu.vector_store %arg11[%swap3A_166], %gather3A_165 {strides = array<i32>} : memref<512xf32, #tpu.memory_space<vmem>>, vector<16xf32>,
    %get3A_168 = arith.constant 416 : index
    %get3A_169 = tpu.vector_load %arg10[%get3A_168] {strides = array<i32>} : memref<512xi32, #tpu.memory_space<vmem>>, vector<16xi32>,
    %gather3A_170 = tpu.vector_load_idx %arg9[%get3A_169] : memref<16384xf32, #tpu.memory_space<vmem>>[vector<16xi32>], vector<16xf32>,
    %swap3A_171 = arith.constant 416 : index
    %swap3A_172 = tpu.vector_load %arg11[%swap3A_171] {strides = array<i32>} : memref<512xf32, #tpu.memory_space<vmem>>, vector<16xf32>,
    tpu.vector_store %arg11[%swap3A_171], %gather3A_170 {strides = array<i32>} : memref<512xf32, #tpu.memory_space<vmem>>, vector<16xf32>,
    %get3A_173 = arith.constant 432 : index
    %get3A_174 = tpu.vector_load %arg10[%get3A_173] {strides = array<i32>} : memref<512xi32, #tpu.memory_space<vmem>>, vector<16xi32>,
    %gather3A_175 = tpu.vector_load_idx %arg9[%get3A_174] : memref<16384xf32, #tpu.memory_space<vmem>>[vector<16xi32>], vector<16xf32>,
    %swap3A_176 = arith.constant 432 : index
    %swap3A_177 = tpu.vector_load %arg11[%swap3A_176] {strides = array<i32>} : memref<512xf32, #tpu.memory_space<vmem>>, vector<16xf32>,
    tpu.vector_store %arg11[%swap3A_176], %gather3A_175 {strides = array<i32>} : memref<512xf32, #tpu.memory_space<vmem>>, vector<16xf32>,
    %get3A_178 = arith.constant 448 : index
    %get3A_179 = tpu.vector_load %arg10[%get3A_178] {strides = array<i32>} : memref<512xi32, #tpu.memory_space<vmem>>, vector<16xi32>,
    %gather3A_180 = tpu.vector_load_idx %arg9[%get3A_179] : memref<16384xf32, #tpu.memory_space<vmem>>[vector<16xi32>], vector<16xf32>,
    %swap3A_181 = arith.constant 448 : index
    %swap3A_182 = tpu.vector_load %arg11[%swap3A_181] {strides = array<i32>} : memref<512xf32, #tpu.memory_space<vmem>>, vector<16xf32>,
    tpu.vector_store %arg11[%swap3A_181], %gather3A_180 {strides = array<i32>} : memref<512xf32, #tpu.memory_space<vmem>>, vector<16xf32>,
    %get3A_183 = arith.constant 464 : index
    %get3A_184 = tpu.vector_load %arg10[%get3A_183] {strides = array<i32>} : memref<512xi32, #tpu.memory_space<vmem>>, vector<16xi32>,
    %gather3A_185 = tpu.vector_load_idx %arg9[%get3A_184] : memref<16384xf32, #tpu.memory_space<vmem>>[vector<16xi32>], vector<16xf32>,
    %swap3A_186 = arith.constant 464 : index
    %swap3A_187 = tpu.vector_load %arg11[%swap3A_186] {strides = array<i32>} : memref<512xf32, #tpu.memory_space<vmem>>, vector<16xf32>,
    tpu.vector_store %arg11[%swap3A_186], %gather3A_185 {strides = array<i32>} : memref<512xf32, #tpu.memory_space<vmem>>, vector<16xf32>,
    %get3A_188 = arith.constant 480 : index
    %get3A_189 = tpu.vector_load %arg10[%get3A_188] {strides = array<i32>} : memref<512xi32, #tpu.memory_space<vmem>>, vector<16xi32>,
    %gather3A_190 = tpu.vector_load_idx %arg9[%get3A_189] : memref<16384xf32, #tpu.memory_space<vmem>>[vector<16xi32>], vector<16xf32>,
    %swap3A_191 = arith.constant 480 : index
    %swap3A_192 = tpu.vector_load %arg11[%swap3A_191] {strides = array<i32>} : memref<512xf32, #tpu.memory_space<vmem>>, vector<16xf32>,
    tpu.vector_store %arg11[%swap3A_191], %gather3A_190 {strides = array<i32>} : memref<512xf32, #tpu.memory_space<vmem>>, vector<16xf32>,
    %get3A_193 = arith.constant 496 : index
    %get3A_194 = tpu.vector_load %arg10[%get3A_193] {strides = array<i32>} : memref<512xi32, #tpu.memory_space<vmem>>, vector<16xi32>,
    %gather3A_195 = tpu.vector_load_idx %arg9[%get3A_194] : memref<16384xf32, #tpu.memory_space<vmem>>[vector<16xi32>], vector<16xf32>,
    %swap3A_196 = arith.constant 496 : index
    %swap3A_197 = tpu.vector_load %arg11[%swap3A_196] {strides = array<i32>} : memref<512xf32, #tpu.memory_space<vmem>>, vector<16xf32>,
    tpu.vector_store %arg11[%swap3A_196], %gather3A_195 {strides = array<i32>} : memref<512xf32, #tpu.memory_space<vmem>>, vector<16xf32>,
    "tpu.region"() ({
      %run_scoped3A = tpu.sem_alloc : memref<!tpu.dma_semaphore, #tpu.memory_space<semaphore_mem>>
      %dma_start3A = arith.constant 0 : i32
      %dma_start3A_1047 = tpu.memref_slice %arg6[%add3A_40, %dma_start3A] : memref<160x512xf32, #tpu.memory_space<hbm>> -> memref<1x512xf32, #tpu.memory_space<hbm>>
      %dma_start3A_1048 = tpu.memref_squeeze %dma_start3A_1047 : memref<1x512xf32, #tpu.memory_space<hbm>> -> memref<512xf32, #tpu.memory_space<hbm>>
      %dma_start3A_1049 = arith.constant 0 : i32
      %dma_start3A_1050 = tpu.memref_slice %arg6[%add3A_40, %dma_start3A_1049] : memref<160x512xf32, #tpu.memory_space<hbm>> -> memref<1x512xf32, #tpu.memory_space<hbm>>
      %dma_start3A_1051 = tpu.memref_squeeze %dma_start3A_1050 : memref<1x512xf32, #tpu.memory_space<hbm>> -> memref<512xf32, #tpu.memory_space<hbm>>
      tpu.enqueue_dma source(%arg11 : memref<512xf32, #tpu.memory_space<vmem>>) target(%dma_start3A_1051 : memref<512xf32, #tpu.memory_space<hbm>>) target_semaphore(%run_scoped3A : memref<!tpu.dma_semaphore, #tpu.memory_space<semaphore_mem>>)
      %dma_wait3A = arith.constant 0 : i32
      %dma_wait3A_1052 = tpu.memref_slice %arg6[%add3A_40, %dma_wait3A] : memref<160x512xf32, #tpu.memory_space<hbm>> -> memref<1x512xf32, #tpu.memory_space<hbm>>
      %dma_wait3A_1053 = tpu.memref_squeeze %dma_wait3A_1052 : memref<1x512xf32, #tpu.memory_space<hbm>> -> memref<512xf32, #tpu.memory_space<hbm>>
      %dma_wait3A_1054 = arith.constant 0 : i32
      %dma_wait3A_1055 = tpu.memref_slice %arg6[%add3A_40, %dma_wait3A_1054] : memref<160x512xf32, #tpu.memory_space<hbm>> -> memref<1x512xf32, #tpu.memory_space<hbm>>
      %dma_wait3A_1056 = tpu.memref_squeeze %dma_wait3A_1055 : memref<1x512xf32, #tpu.memory_space<hbm>> -> memref<512xf32, #tpu.memory_space<hbm>>
      tpu.wait_dma2 semaphore(%run_scoped3A : memref<!tpu.dma_semaphore, #tpu.memory_space<semaphore_mem>>) src(%arg11 : memref<512xf32, #tpu.memory_space<vmem>>) dst(%dma_wait3A_1056 : memref<512xf32, #tpu.memory_space<hbm>>)
      tpu.yield
    }) : () -> ()
    %mul3A_198 = arith.constant 5 : i32
    %mul3A_199 = arith.muli %select_n3A_30, %mul3A_198 : i32
    %add3A_200 = arith.constant 1 : i32
    %add3A_201 = arith.addi %mul3A_199, %add3A_200 : i32
    %mul3A_202 = arith.constant 10 : i32
    %mul3A_203 = arith.muli %select_n3A, %mul3A_202 : i32
    %add3A_204 = arith.addi %mul3A_203, %add3A_201 : i32
    %mul3A_205 = arith.constant 10 : i32
    %mul3A_206 = arith.muli %select_n3A, %mul3A_205 : i32
    %add3A_207 = arith.addi %mul3A_206, %add3A_201 : i32
    "tpu.region"() ({
      %run_scoped3A = tpu.sem_alloc : memref<!tpu.dma_semaphore, #tpu.memory_space<semaphore_mem>>
      %dma_start3A = arith.constant 0 : i32
      %dma_start3A_1047 = tpu.memref_slice %arg2[%add3A_204, %dma_start3A] : memref<160x16384xf32, #tpu.memory_space<hbm>> -> memref<1x16384xf32, #tpu.memory_space<hbm>>
      %dma_start3A_1048 = tpu.memref_squeeze %dma_start3A_1047 : memref<1x16384xf32, #tpu.memory_space<hbm>> -> memref<16384xf32, #tpu.memory_space<hbm>>
      %dma_start3A_1049 = arith.constant 0 : i32
      %dma_start3A_1050 = tpu.memref_slice %arg2[%add3A_204, %dma_start3A_1049] : memref<160x16384xf32, #tpu.memory_space<hbm>> -> memref<1x16384xf32, #tpu.memory_space<hbm>>
      %dma_start3A_1051 = tpu.memref_squeeze %dma_start3A_1050 : memref<1x16384xf32, #tpu.memory_space<hbm>> -> memref<16384xf32, #tpu.memory_space<hbm>>
      tpu.enqueue_dma source(%dma_start3A_1051 : memref<16384xf32, #tpu.memory_space<hbm>>) target(%arg9 : memref<16384xf32, #tpu.memory_space<vmem>>) target_semaphore(%run_scoped3A : memref<!tpu.dma_semaphore, #tpu.memory_space<semaphore_mem>>)
      %dma_wait3A = arith.constant 0 : i32
      %dma_wait3A_1052 = tpu.memref_slice %arg2[%add3A_204, %dma_wait3A] : memref<160x16384xf32, #tpu.memory_space<hbm>> -> memref<1x16384xf32, #tpu.memory_space<hbm>>
      %dma_wait3A_1053 = tpu.memref_squeeze %dma_wait3A_1052 : memref<1x16384xf32, #tpu.memory_space<hbm>> -> memref<16384xf32, #tpu.memory_space<hbm>>
      %dma_wait3A_1054 = arith.constant 0 : i32
      %dma_wait3A_1055 = tpu.memref_slice %arg2[%add3A_204, %dma_wait3A_1054] : memref<160x16384xf32, #tpu.memory_space<hbm>> -> memref<1x16384xf32, #tpu.memory_space<hbm>>
      %dma_wait3A_1056 = tpu.memref_squeeze %dma_wait3A_1055 : memref<1x16384xf32, #tpu.memory_space<hbm>> -> memref<16384xf32, #tpu.memory_space<hbm>>
      tpu.wait_dma2 semaphore(%run_scoped3A : memref<!tpu.dma_semaphore, #tpu.memory_space<semaphore_mem>>) src(%dma_wait3A_1056 : memref<16384xf32, #tpu.memory_space<hbm>>) dst(%arg9 : memref<16384xf32, #tpu.memory_space<vmem>>)
      tpu.yield
    }) : () -> ()
    %get3A_208 = arith.constant 0 : index
    %get3A_209 = tpu.vector_load %arg10[%get3A_208] {strides = array<i32>} : memref<512xi32, #tpu.memory_space<vmem>>, vector<16xi32>,
    %gather3A_210 = tpu.vector_load_idx %arg9[%get3A_209] : memref<16384xf32, #tpu.memory_space<vmem>>[vector<16xi32>], vector<16xf32>,
    %swap3A_211 = arith.constant 0 : index
    %swap3A_212 = tpu.vector_load %arg11[%swap3A_211] {strides = array<i32>} : memref<512xf32, #tpu.memory_space<vmem>>, vector<16xf32>,
    tpu.vector_store %arg11[%swap3A_211], %gather3A_210 {strides = array<i32>} : memref<512xf32, #tpu.memory_space<vmem>>, vector<16xf32>,
    %get3A_213 = arith.constant 16 : index
    %get3A_214 = tpu.vector_load %arg10[%get3A_213] {strides = array<i32>} : memref<512xi32, #tpu.memory_space<vmem>>, vector<16xi32>,
    %gather3A_215 = tpu.vector_load_idx %arg9[%get3A_214] : memref<16384xf32, #tpu.memory_space<vmem>>[vector<16xi32>], vector<16xf32>,
    %swap3A_216 = arith.constant 16 : index
    %swap3A_217 = tpu.vector_load %arg11[%swap3A_216] {strides = array<i32>} : memref<512xf32, #tpu.memory_space<vmem>>, vector<16xf32>,
    tpu.vector_store %arg11[%swap3A_216], %gather3A_215 {strides = array<i32>} : memref<512xf32, #tpu.memory_space<vmem>>, vector<16xf32>,
    %get3A_218 = arith.constant 32 : index
    %get3A_219 = tpu.vector_load %arg10[%get3A_218] {strides = array<i32>} : memref<512xi32, #tpu.memory_space<vmem>>, vector<16xi32>,
    %gather3A_220 = tpu.vector_load_idx %arg9[%get3A_219] : memref<16384xf32, #tpu.memory_space<vmem>>[vector<16xi32>], vector<16xf32>,
    %swap3A_221 = arith.constant 32 : index
    %swap3A_222 = tpu.vector_load %arg11[%swap3A_221] {strides = array<i32>} : memref<512xf32, #tpu.memory_space<vmem>>, vector<16xf32>,
    tpu.vector_store %arg11[%swap3A_221], %gather3A_220 {strides = array<i32>} : memref<512xf32, #tpu.memory_space<vmem>>, vector<16xf32>,
    %get3A_223 = arith.constant 48 : index
    %get3A_224 = tpu.vector_load %arg10[%get3A_223] {strides = array<i32>} : memref<512xi32, #tpu.memory_space<vmem>>, vector<16xi32>,
    %gather3A_225 = tpu.vector_load_idx %arg9[%get3A_224] : memref<16384xf32, #tpu.memory_space<vmem>>[vector<16xi32>], vector<16xf32>,
    %swap3A_226 = arith.constant 48 : index
    %swap3A_227 = tpu.vector_load %arg11[%swap3A_226] {strides = array<i32>} : memref<512xf32, #tpu.memory_space<vmem>>, vector<16xf32>,
    tpu.vector_store %arg11[%swap3A_226], %gather3A_225 {strides = array<i32>} : memref<512xf32, #tpu.memory_space<vmem>>, vector<16xf32>,
    %get3A_228 = arith.constant 64 : index
    %get3A_229 = tpu.vector_load %arg10[%get3A_228] {strides = array<i32>} : memref<512xi32, #tpu.memory_space<vmem>>, vector<16xi32>,
    %gather3A_230 = tpu.vector_load_idx %arg9[%get3A_229] : memref<16384xf32, #tpu.memory_space<vmem>>[vector<16xi32>], vector<16xf32>,
    %swap3A_231 = arith.constant 64 : index
    %swap3A_232 = tpu.vector_load %arg11[%swap3A_231] {strides = array<i32>} : memref<512xf32, #tpu.memory_space<vmem>>, vector<16xf32>,
    tpu.vector_store %arg11[%swap3A_231], %gather3A_230 {strides = array<i32>} : memref<512xf32, #tpu.memory_space<vmem>>, vector<16xf32>,
    %get3A_233 = arith.constant 80 : index
    %get3A_234 = tpu.vector_load %arg10[%get3A_233] {strides = array<i32>} : memref<512xi32, #tpu.memory_space<vmem>>, vector<16xi32>,
    %gather3A_235 = tpu.vector_load_idx %arg9[%get3A_234] : memref<16384xf32, #tpu.memory_space<vmem>>[vector<16xi32>], vector<16xf32>,
    %swap3A_236 = arith.constant 80 : index
    %swap3A_237 = tpu.vector_load %arg11[%swap3A_236] {strides = array<i32>} : memref<512xf32, #tpu.memory_space<vmem>>, vector<16xf32>,
    tpu.vector_store %arg11[%swap3A_236], %gather3A_235 {strides = array<i32>} : memref<512xf32, #tpu.memory_space<vmem>>, vector<16xf32>,
    %get3A_238 = arith.constant 96 : index
    %get3A_239 = tpu.vector_load %arg10[%get3A_238] {strides = array<i32>} : memref<512xi32, #tpu.memory_space<vmem>>, vector<16xi32>,
    %gather3A_240 = tpu.vector_load_idx %arg9[%get3A_239] : memref<16384xf32, #tpu.memory_space<vmem>>[vector<16xi32>], vector<16xf32>,
    %swap3A_241 = arith.constant 96 : index
    %swap3A_242 = tpu.vector_load %arg11[%swap3A_241] {strides = array<i32>} : memref<512xf32, #tpu.memory_space<vmem>>, vector<16xf32>,
    tpu.vector_store %arg11[%swap3A_241], %gather3A_240 {strides = array<i32>} : memref<512xf32, #tpu.memory_space<vmem>>, vector<16xf32>,
    %get3A_243 = arith.constant 112 : index
    %get3A_244 = tpu.vector_load %arg10[%get3A_243] {strides = array<i32>} : memref<512xi32, #tpu.memory_space<vmem>>, vector<16xi32>,
    %gather3A_245 = tpu.vector_load_idx %arg9[%get3A_244] : memref<16384xf32, #tpu.memory_space<vmem>>[vector<16xi32>], vector<16xf32>,
    %swap3A_246 = arith.constant 112 : index
    %swap3A_247 = tpu.vector_load %arg11[%swap3A_246] {strides = array<i32>} : memref<512xf32, #tpu.memory_space<vmem>>, vector<16xf32>,
    tpu.vector_store %arg11[%swap3A_246], %gather3A_245 {strides = array<i32>} : memref<512xf32, #tpu.memory_space<vmem>>, vector<16xf32>,
    %get3A_248 = arith.constant 128 : index
    %get3A_249 = tpu.vector_load %arg10[%get3A_248] {strides = array<i32>} : memref<512xi32, #tpu.memory_space<vmem>>, vector<16xi32>,
    %gather3A_250 = tpu.vector_load_idx %arg9[%get3A_249] : memref<16384xf32, #tpu.memory_space<vmem>>[vector<16xi32>], vector<16xf32>,
    %swap3A_251 = arith.constant 128 : index
    %swap3A_252 = tpu.vector_load %arg11[%swap3A_251] {strides = array<i32>} : memref<512xf32, #tpu.memory_space<vmem>>, vector<16xf32>,
    tpu.vector_store %arg11[%swap3A_251], %gather3A_250 {strides = array<i32>} : memref<512xf32, #tpu.memory_space<vmem>>, vector<16xf32>,
    %get3A_253 = arith.constant 144 : index
    %get3A_254 = tpu.vector_load %arg10[%get3A_253] {strides = array<i32>} : memref<512xi32, #tpu.memory_space<vmem>>, vector<16xi32>,
    %gather3A_255 = tpu.vector_load_idx %arg9[%get3A_254] : memref<16384xf32, #tpu.memory_space<vmem>>[vector<16xi32>], vector<16xf32>,
    %swap3A_256 = arith.constant 144 : index
    %swap3A_257 = tpu.vector_load %arg11[%swap3A_256] {strides = array<i32>} : memref<512xf32, #tpu.memory_space<vmem>>, vector<16xf32>,
    tpu.vector_store %arg11[%swap3A_256], %gather3A_255 {strides = array<i32>} : memref<512xf32, #tpu.memory_space<vmem>>, vector<16xf32>,
    %get3A_258 = arith.constant 160 : index
    %get3A_259 = tpu.vector_load %arg10[%get3A_258] {strides = array<i32>} : memref<512xi32, #tpu.memory_space<vmem>>, vector<16xi32>,
    %gather3A_260 = tpu.vector_load_idx %arg9[%get3A_259] : memref<16384xf32, #tpu.memory_space<vmem>>[vector<16xi32>], vector<16xf32>,
    %swap3A_261 = arith.constant 160 : index
    %swap3A_262 = tpu.vector_load %arg11[%swap3A_261] {strides = array<i32>} : memref<512xf32, #tpu.memory_space<vmem>>, vector<16xf32>,
    tpu.vector_store %arg11[%swap3A_261], %gather3A_260 {strides = array<i32>} : memref<512xf32, #tpu.memory_space<vmem>>, vector<16xf32>,
    %get3A_263 = arith.constant 176 : index
    %get3A_264 = tpu.vector_load %arg10[%get3A_263] {strides = array<i32>} : memref<512xi32, #tpu.memory_space<vmem>>, vector<16xi32>,
    %gather3A_265 = tpu.vector_load_idx %arg9[%get3A_264] : memref<16384xf32, #tpu.memory_space<vmem>>[vector<16xi32>], vector<16xf32>,
    %swap3A_266 = arith.constant 176 : index
    %swap3A_267 = tpu.vector_load %arg11[%swap3A_266] {strides = array<i32>} : memref<512xf32, #tpu.memory_space<vmem>>, vector<16xf32>,
    tpu.vector_store %arg11[%swap3A_266], %gather3A_265 {strides = array<i32>} : memref<512xf32, #tpu.memory_space<vmem>>, vector<16xf32>,
    %get3A_268 = arith.constant 192 : index
    %get3A_269 = tpu.vector_load %arg10[%get3A_268] {strides = array<i32>} : memref<512xi32, #tpu.memory_space<vmem>>, vector<16xi32>,
    %gather3A_270 = tpu.vector_load_idx %arg9[%get3A_269] : memref<16384xf32, #tpu.memory_space<vmem>>[vector<16xi32>], vector<16xf32>,
    %swap3A_271 = arith.constant 192 : index
    %swap3A_272 = tpu.vector_load %arg11[%swap3A_271] {strides = array<i32>} : memref<512xf32, #tpu.memory_space<vmem>>, vector<16xf32>,
    tpu.vector_store %arg11[%swap3A_271], %gather3A_270 {strides = array<i32>} : memref<512xf32, #tpu.memory_space<vmem>>, vector<16xf32>,
    %get3A_273 = arith.constant 208 : index
    %get3A_274 = tpu.vector_load %arg10[%get3A_273] {strides = array<i32>} : memref<512xi32, #tpu.memory_space<vmem>>, vector<16xi32>,
    %gather3A_275 = tpu.vector_load_idx %arg9[%get3A_274] : memref<16384xf32, #tpu.memory_space<vmem>>[vector<16xi32>], vector<16xf32>,
    %swap3A_276 = arith.constant 208 : index
    %swap3A_277 = tpu.vector_load %arg11[%swap3A_276] {strides = array<i32>} : memref<512xf32, #tpu.memory_space<vmem>>, vector<16xf32>,
    tpu.vector_store %arg11[%swap3A_276], %gather3A_275 {strides = array<i32>} : memref<512xf32, #tpu.memory_space<vmem>>, vector<16xf32>,
    %get3A_278 = arith.constant 224 : index
    %get3A_279 = tpu.vector_load %arg10[%get3A_278] {strides = array<i32>} : memref<512xi32, #tpu.memory_space<vmem>>, vector<16xi32>,
    %gather3A_280 = tpu.vector_load_idx %arg9[%get3A_279] : memref<16384xf32, #tpu.memory_space<vmem>>[vector<16xi32>], vector<16xf32>,
    %swap3A_281 = arith.constant 224 : index
    %swap3A_282 = tpu.vector_load %arg11[%swap3A_281] {strides = array<i32>} : memref<512xf32, #tpu.memory_space<vmem>>, vector<16xf32>,
    tpu.vector_store %arg11[%swap3A_281], %gather3A_280 {strides = array<i32>} : memref<512xf32, #tpu.memory_space<vmem>>, vector<16xf32>,
    %get3A_283 = arith.constant 240 : index
    %get3A_284 = tpu.vector_load %arg10[%get3A_283] {strides = array<i32>} : memref<512xi32, #tpu.memory_space<vmem>>, vector<16xi32>,
    %gather3A_285 = tpu.vector_load_idx %arg9[%get3A_284] : memref<16384xf32, #tpu.memory_space<vmem>>[vector<16xi32>], vector<16xf32>,
    %swap3A_286 = arith.constant 240 : index
    %swap3A_287 = tpu.vector_load %arg11[%swap3A_286] {strides = array<i32>} : memref<512xf32, #tpu.memory_space<vmem>>, vector<16xf32>,
    tpu.vector_store %arg11[%swap3A_286], %gather3A_285 {strides = array<i32>} : memref<512xf32, #tpu.memory_space<vmem>>, vector<16xf32>,
    %get3A_288 = arith.constant 256 : index
    %get3A_289 = tpu.vector_load %arg10[%get3A_288] {strides = array<i32>} : memref<512xi32, #tpu.memory_space<vmem>>, vector<16xi32>,
    %gather3A_290 = tpu.vector_load_idx %arg9[%get3A_289] : memref<16384xf32, #tpu.memory_space<vmem>>[vector<16xi32>], vector<16xf32>,
    %swap3A_291 = arith.constant 256 : index
    %swap3A_292 = tpu.vector_load %arg11[%swap3A_291] {strides = array<i32>} : memref<512xf32, #tpu.memory_space<vmem>>, vector<16xf32>,
    tpu.vector_store %arg11[%swap3A_291], %gather3A_290 {strides = array<i32>} : memref<512xf32, #tpu.memory_space<vmem>>, vector<16xf32>,
    %get3A_293 = arith.constant 272 : index
    %get3A_294 = tpu.vector_load %arg10[%get3A_293] {strides = array<i32>} : memref<512xi32, #tpu.memory_space<vmem>>, vector<16xi32>,
    %gather3A_295 = tpu.vector_load_idx %arg9[%get3A_294] : memref<16384xf32, #tpu.memory_space<vmem>>[vector<16xi32>], vector<16xf32>,
    %swap3A_296 = arith.constant 272 : index
    %swap3A_297 = tpu.vector_load %arg11[%swap3A_296] {strides = array<i32>} : memref<512xf32, #tpu.memory_space<vmem>>, vector<16xf32>,
    tpu.vector_store %arg11[%swap3A_296], %gather3A_295 {strides = array<i32>} : memref<512xf32, #tpu.memory_space<vmem>>, vector<16xf32>,
    %get3A_298 = arith.constant 288 : index
    %get3A_299 = tpu.vector_load %arg10[%get3A_298] {strides = array<i32>} : memref<512xi32, #tpu.memory_space<vmem>>, vector<16xi32>,
    %gather3A_300 = tpu.vector_load_idx %arg9[%get3A_299] : memref<16384xf32, #tpu.memory_space<vmem>>[vector<16xi32>], vector<16xf32>,
    %swap3A_301 = arith.constant 288 : index
    %swap3A_302 = tpu.vector_load %arg11[%swap3A_301] {strides = array<i32>} : memref<512xf32, #tpu.memory_space<vmem>>, vector<16xf32>,
    tpu.vector_store %arg11[%swap3A_301], %gather3A_300 {strides = array<i32>} : memref<512xf32, #tpu.memory_space<vmem>>, vector<16xf32>,
    %get3A_303 = arith.constant 304 : index
    %get3A_304 = tpu.vector_load %arg10[%get3A_303] {strides = array<i32>} : memref<512xi32, #tpu.memory_space<vmem>>, vector<16xi32>,
    %gather3A_305 = tpu.vector_load_idx %arg9[%get3A_304] : memref<16384xf32, #tpu.memory_space<vmem>>[vector<16xi32>], vector<16xf32>,
    %swap3A_306 = arith.constant 304 : index
    %swap3A_307 = tpu.vector_load %arg11[%swap3A_306] {strides = array<i32>} : memref<512xf32, #tpu.memory_space<vmem>>, vector<16xf32>,
    tpu.vector_store %arg11[%swap3A_306], %gather3A_305 {strides = array<i32>} : memref<512xf32, #tpu.memory_space<vmem>>, vector<16xf32>,
    %get3A_308 = arith.constant 320 : index
    %get3A_309 = tpu.vector_load %arg10[%get3A_308] {strides = array<i32>} : memref<512xi32, #tpu.memory_space<vmem>>, vector<16xi32>,
    %gather3A_310 = tpu.vector_load_idx %arg9[%get3A_309] : memref<16384xf32, #tpu.memory_space<vmem>>[vector<16xi32>], vector<16xf32>,
    %swap3A_311 = arith.constant 320 : index
    %swap3A_312 = tpu.vector_load %arg11[%swap3A_311] {strides = array<i32>} : memref<512xf32, #tpu.memory_space<vmem>>, vector<16xf32>,
    tpu.vector_store %arg11[%swap3A_311], %gather3A_310 {strides = array<i32>} : memref<512xf32, #tpu.memory_space<vmem>>, vector<16xf32>,
    %get3A_313 = arith.constant 336 : index
    %get3A_314 = tpu.vector_load %arg10[%get3A_313] {strides = array<i32>} : memref<512xi32, #tpu.memory_space<vmem>>, vector<16xi32>,
    %gather3A_315 = tpu.vector_load_idx %arg9[%get3A_314] : memref<16384xf32, #tpu.memory_space<vmem>>[vector<16xi32>], vector<16xf32>,
    %swap3A_316 = arith.constant 336 : index
    %swap3A_317 = tpu.vector_load %arg11[%swap3A_316] {strides = array<i32>} : memref<512xf32, #tpu.memory_space<vmem>>, vector<16xf32>,
    tpu.vector_store %arg11[%swap3A_316], %gather3A_315 {strides = array<i32>} : memref<512xf32, #tpu.memory_space<vmem>>, vector<16xf32>,
    %get3A_318 = arith.constant 352 : index
    %get3A_319 = tpu.vector_load %arg10[%get3A_318] {strides = array<i32>} : memref<512xi32, #tpu.memory_space<vmem>>, vector<16xi32>,
    %gather3A_320 = tpu.vector_load_idx %arg9[%get3A_319] : memref<16384xf32, #tpu.memory_space<vmem>>[vector<16xi32>], vector<16xf32>,
    %swap3A_321 = arith.constant 352 : index
    %swap3A_322 = tpu.vector_load %arg11[%swap3A_321] {strides = array<i32>} : memref<512xf32, #tpu.memory_space<vmem>>, vector<16xf32>,
    tpu.vector_store %arg11[%swap3A_321], %gather3A_320 {strides = array<i32>} : memref<512xf32, #tpu.memory_space<vmem>>, vector<16xf32>,
    %get3A_323 = arith.constant 368 : index
    %get3A_324 = tpu.vector_load %arg10[%get3A_323] {strides = array<i32>} : memref<512xi32, #tpu.memory_space<vmem>>, vector<16xi32>,
    %gather3A_325 = tpu.vector_load_idx %arg9[%get3A_324] : memref<16384xf32, #tpu.memory_space<vmem>>[vector<16xi32>], vector<16xf32>,
    %swap3A_326 = arith.constant 368 : index
    %swap3A_327 = tpu.vector_load %arg11[%swap3A_326] {strides = array<i32>} : memref<512xf32, #tpu.memory_space<vmem>>, vector<16xf32>,
    tpu.vector_store %arg11[%swap3A_326], %gather3A_325 {strides = array<i32>} : memref<512xf32, #tpu.memory_space<vmem>>, vector<16xf32>,
    %get3A_328 = arith.constant 384 : index
    %get3A_329 = tpu.vector_load %arg10[%get3A_328] {strides = array<i32>} : memref<512xi32, #tpu.memory_space<vmem>>, vector<16xi32>,
    %gather3A_330 = tpu.vector_load_idx %arg9[%get3A_329] : memref<16384xf32, #tpu.memory_space<vmem>>[vector<16xi32>], vector<16xf32>,
    %swap3A_331 = arith.constant 384 : index
    %swap3A_332 = tpu.vector_load %arg11[%swap3A_331] {strides = array<i32>} : memref<512xf32, #tpu.memory_space<vmem>>, vector<16xf32>,
    tpu.vector_store %arg11[%swap3A_331], %gather3A_330 {strides = array<i32>} : memref<512xf32, #tpu.memory_space<vmem>>, vector<16xf32>,
    %get3A_333 = arith.constant 400 : index
    %get3A_334 = tpu.vector_load %arg10[%get3A_333] {strides = array<i32>} : memref<512xi32, #tpu.memory_space<vmem>>, vector<16xi32>,
    %gather3A_335 = tpu.vector_load_idx %arg9[%get3A_334] : memref<16384xf32, #tpu.memory_space<vmem>>[vector<16xi32>], vector<16xf32>,
    %swap3A_336 = arith.constant 400 : index
    %swap3A_337 = tpu.vector_load %arg11[%swap3A_336] {strides = array<i32>} : memref<512xf32, #tpu.memory_space<vmem>>, vector<16xf32>,
    tpu.vector_store %arg11[%swap3A_336], %gather3A_335 {strides = array<i32>} : memref<512xf32, #tpu.memory_space<vmem>>, vector<16xf32>,
    %get3A_338 = arith.constant 416 : index
    %get3A_339 = tpu.vector_load %arg10[%get3A_338] {strides = array<i32>} : memref<512xi32, #tpu.memory_space<vmem>>, vector<16xi32>,
    %gather3A_340 = tpu.vector_load_idx %arg9[%get3A_339] : memref<16384xf32, #tpu.memory_space<vmem>>[vector<16xi32>], vector<16xf32>,
    %swap3A_341 = arith.constant 416 : index
    %swap3A_342 = tpu.vector_load %arg11[%swap3A_341] {strides = array<i32>} : memref<512xf32, #tpu.memory_space<vmem>>, vector<16xf32>,
    tpu.vector_store %arg11[%swap3A_341], %gather3A_340 {strides = array<i32>} : memref<512xf32, #tpu.memory_space<vmem>>, vector<16xf32>,
    %get3A_343 = arith.constant 432 : index
    %get3A_344 = tpu.vector_load %arg10[%get3A_343] {strides = array<i32>} : memref<512xi32, #tpu.memory_space<vmem>>, vector<16xi32>,
    %gather3A_345 = tpu.vector_load_idx %arg9[%get3A_344] : memref<16384xf32, #tpu.memory_space<vmem>>[vector<16xi32>], vector<16xf32>,
    %swap3A_346 = arith.constant 432 : index
    %swap3A_347 = tpu.vector_load %arg11[%swap3A_346] {strides = array<i32>} : memref<512xf32, #tpu.memory_space<vmem>>, vector<16xf32>,
    tpu.vector_store %arg11[%swap3A_346], %gather3A_345 {strides = array<i32>} : memref<512xf32, #tpu.memory_space<vmem>>, vector<16xf32>,
    %get3A_348 = arith.constant 448 : index
    %get3A_349 = tpu.vector_load %arg10[%get3A_348] {strides = array<i32>} : memref<512xi32, #tpu.memory_space<vmem>>, vector<16xi32>,
    %gather3A_350 = tpu.vector_load_idx %arg9[%get3A_349] : memref<16384xf32, #tpu.memory_space<vmem>>[vector<16xi32>], vector<16xf32>,
    %swap3A_351 = arith.constant 448 : index
    %swap3A_352 = tpu.vector_load %arg11[%swap3A_351] {strides = array<i32>} : memref<512xf32, #tpu.memory_space<vmem>>, vector<16xf32>,
    tpu.vector_store %arg11[%swap3A_351], %gather3A_350 {strides = array<i32>} : memref<512xf32, #tpu.memory_space<vmem>>, vector<16xf32>,
    %get3A_353 = arith.constant 464 : index
    %get3A_354 = tpu.vector_load %arg10[%get3A_353] {strides = array<i32>} : memref<512xi32, #tpu.memory_space<vmem>>, vector<16xi32>,
    %gather3A_355 = tpu.vector_load_idx %arg9[%get3A_354] : memref<16384xf32, #tpu.memory_space<vmem>>[vector<16xi32>], vector<16xf32>,
    %swap3A_356 = arith.constant 464 : index
    %swap3A_357 = tpu.vector_load %arg11[%swap3A_356] {strides = array<i32>} : memref<512xf32, #tpu.memory_space<vmem>>, vector<16xf32>,
    tpu.vector_store %arg11[%swap3A_356], %gather3A_355 {strides = array<i32>} : memref<512xf32, #tpu.memory_space<vmem>>, vector<16xf32>,
    %get3A_358 = arith.constant 480 : index
    %get3A_359 = tpu.vector_load %arg10[%get3A_358] {strides = array<i32>} : memref<512xi32, #tpu.memory_space<vmem>>, vector<16xi32>,
    %gather3A_360 = tpu.vector_load_idx %arg9[%get3A_359] : memref<16384xf32, #tpu.memory_space<vmem>>[vector<16xi32>], vector<16xf32>,
    %swap3A_361 = arith.constant 480 : index
    %swap3A_362 = tpu.vector_load %arg11[%swap3A_361] {strides = array<i32>} : memref<512xf32, #tpu.memory_space<vmem>>, vector<16xf32>,
    tpu.vector_store %arg11[%swap3A_361], %gather3A_360 {strides = array<i32>} : memref<512xf32, #tpu.memory_space<vmem>>, vector<16xf32>,
    %get3A_363 = arith.constant 496 : index
    %get3A_364 = tpu.vector_load %arg10[%get3A_363] {strides = array<i32>} : memref<512xi32, #tpu.memory_space<vmem>>, vector<16xi32>,
    %gather3A_365 = tpu.vector_load_idx %arg9[%get3A_364] : memref<16384xf32, #tpu.memory_space<vmem>>[vector<16xi32>], vector<16xf32>,
    %swap3A_366 = arith.constant 496 : index
    %swap3A_367 = tpu.vector_load %arg11[%swap3A_366] {strides = array<i32>} : memref<512xf32, #tpu.memory_space<vmem>>, vector<16xf32>,
    tpu.vector_store %arg11[%swap3A_366], %gather3A_365 {strides = array<i32>} : memref<512xf32, #tpu.memory_space<vmem>>, vector<16xf32>,
    "tpu.region"() ({
      %run_scoped3A = tpu.sem_alloc : memref<!tpu.dma_semaphore, #tpu.memory_space<semaphore_mem>>
      %dma_start3A = arith.constant 0 : i32
      %dma_start3A_1047 = tpu.memref_slice %arg6[%add3A_207, %dma_start3A] : memref<160x512xf32, #tpu.memory_space<hbm>> -> memref<1x512xf32, #tpu.memory_space<hbm>>
      %dma_start3A_1048 = tpu.memref_squeeze %dma_start3A_1047 : memref<1x512xf32, #tpu.memory_space<hbm>> -> memref<512xf32, #tpu.memory_space<hbm>>
      %dma_start3A_1049 = arith.constant 0 : i32
      %dma_start3A_1050 = tpu.memref_slice %arg6[%add3A_207, %dma_start3A_1049] : memref<160x512xf32, #tpu.memory_space<hbm>> -> memref<1x512xf32, #tpu.memory_space<hbm>>
      %dma_start3A_1051 = tpu.memref_squeeze %dma_start3A_1050 : memref<1x512xf32, #tpu.memory_space<hbm>> -> memref<512xf32, #tpu.memory_space<hbm>>
      tpu.enqueue_dma source(%arg11 : memref<512xf32, #tpu.memory_space<vmem>>) target(%dma_start3A_1051 : memref<512xf32, #tpu.memory_space<hbm>>) target_semaphore(%run_scoped3A : memref<!tpu.dma_semaphore, #tpu.memory_space<semaphore_mem>>)
      %dma_wait3A = arith.constant 0 : i32
      %dma_wait3A_1052 = tpu.memref_slice %arg6[%add3A_207, %dma_wait3A] : memref<160x512xf32, #tpu.memory_space<hbm>> -> memref<1x512xf32, #tpu.memory_space<hbm>>
      %dma_wait3A_1053 = tpu.memref_squeeze %dma_wait3A_1052 : memref<1x512xf32, #tpu.memory_space<hbm>> -> memref<512xf32, #tpu.memory_space<hbm>>
      %dma_wait3A_1054 = arith.constant 0 : i32
      %dma_wait3A_1055 = tpu.memref_slice %arg6[%add3A_207, %dma_wait3A_1054] : memref<160x512xf32, #tpu.memory_space<hbm>> -> memref<1x512xf32, #tpu.memory_space<hbm>>
      %dma_wait3A_1056 = tpu.memref_squeeze %dma_wait3A_1055 : memref<1x512xf32, #tpu.memory_space<hbm>> -> memref<512xf32, #tpu.memory_space<hbm>>
      tpu.wait_dma2 semaphore(%run_scoped3A : memref<!tpu.dma_semaphore, #tpu.memory_space<semaphore_mem>>) src(%arg11 : memref<512xf32, #tpu.memory_space<vmem>>) dst(%dma_wait3A_1056 : memref<512xf32, #tpu.memory_space<hbm>>)
      tpu.yield
    }) : () -> ()
    %mul3A_368 = arith.constant 5 : i32
    %mul3A_369 = arith.muli %select_n3A_30, %mul3A_368 : i32
    %add3A_370 = arith.constant 2 : i32
    %add3A_371 = arith.addi %mul3A_369, %add3A_370 : i32
    %mul3A_372 = arith.constant 10 : i32
    %mul3A_373 = arith.muli %select_n3A, %mul3A_372 : i32
    %add3A_374 = arith.addi %mul3A_373, %add3A_371 : i32
    %mul3A_375 = arith.constant 10 : i32
    %mul3A_376 = arith.muli %select_n3A, %mul3A_375 : i32
    %add3A_377 = arith.addi %mul3A_376, %add3A_371 : i32
    "tpu.region"() ({
      %run_scoped3A = tpu.sem_alloc : memref<!tpu.dma_semaphore, #tpu.memory_space<semaphore_mem>>
      %dma_start3A = arith.constant 0 : i32
      %dma_start3A_1047 = tpu.memref_slice %arg2[%add3A_374, %dma_start3A] : memref<160x16384xf32, #tpu.memory_space<hbm>> -> memref<1x16384xf32, #tpu.memory_space<hbm>>
      %dma_start3A_1048 = tpu.memref_squeeze %dma_start3A_1047 : memref<1x16384xf32, #tpu.memory_space<hbm>> -> memref<16384xf32, #tpu.memory_space<hbm>>
      %dma_start3A_1049 = arith.constant 0 : i32
      %dma_start3A_1050 = tpu.memref_slice %arg2[%add3A_374, %dma_start3A_1049] : memref<160x16384xf32, #tpu.memory_space<hbm>> -> memref<1x16384xf32, #tpu.memory_space<hbm>>
      %dma_start3A_1051 = tpu.memref_squeeze %dma_start3A_1050 : memref<1x16384xf32, #tpu.memory_space<hbm>> -> memref<16384xf32, #tpu.memory_space<hbm>>
      tpu.enqueue_dma source(%dma_start3A_1051 : memref<16384xf32, #tpu.memory_space<hbm>>) target(%arg9 : memref<16384xf32, #tpu.memory_space<vmem>>) target_semaphore(%run_scoped3A : memref<!tpu.dma_semaphore, #tpu.memory_space<semaphore_mem>>)
      %dma_wait3A = arith.constant 0 : i32
      %dma_wait3A_1052 = tpu.memref_slice %arg2[%add3A_374, %dma_wait3A] : memref<160x16384xf32, #tpu.memory_space<hbm>> -> memref<1x16384xf32, #tpu.memory_space<hbm>>
      %dma_wait3A_1053 = tpu.memref_squeeze %dma_wait3A_1052 : memref<1x16384xf32, #tpu.memory_space<hbm>> -> memref<16384xf32, #tpu.memory_space<hbm>>
      %dma_wait3A_1054 = arith.constant 0 : i32
      %dma_wait3A_1055 = tpu.memref_slice %arg2[%add3A_374, %dma_wait3A_1054] : memref<160x16384xf32, #tpu.memory_space<hbm>> -> memref<1x16384xf32, #tpu.memory_space<hbm>>
      %dma_wait3A_1056 = tpu.memref_squeeze %dma_wait3A_1055 : memref<1x16384xf32, #tpu.memory_space<hbm>> -> memref<16384xf32, #tpu.memory_space<hbm>>
      tpu.wait_dma2 semaphore(%run_scoped3A : memref<!tpu.dma_semaphore, #tpu.memory_space<semaphore_mem>>) src(%dma_wait3A_1056 : memref<16384xf32, #tpu.memory_space<hbm>>) dst(%arg9 : memref<16384xf32, #tpu.memory_space<vmem>>)
      tpu.yield
    }) : () -> ()
    %get3A_378 = arith.constant 0 : index
    %get3A_379 = tpu.vector_load %arg10[%get3A_378] {strides = array<i32>} : memref<512xi32, #tpu.memory_space<vmem>>, vector<16xi32>,
    %gather3A_380 = tpu.vector_load_idx %arg9[%get3A_379] : memref<16384xf32, #tpu.memory_space<vmem>>[vector<16xi32>], vector<16xf32>,
    %swap3A_381 = arith.constant 0 : index
    %swap3A_382 = tpu.vector_load %arg11[%swap3A_381] {strides = array<i32>} : memref<512xf32, #tpu.memory_space<vmem>>, vector<16xf32>,
    tpu.vector_store %arg11[%swap3A_381], %gather3A_380 {strides = array<i32>} : memref<512xf32, #tpu.memory_space<vmem>>, vector<16xf32>,
    %get3A_383 = arith.constant 16 : index
    %get3A_384 = tpu.vector_load %arg10[%get3A_383] {strides = array<i32>} : memref<512xi32, #tpu.memory_space<vmem>>, vector<16xi32>,
    %gather3A_385 = tpu.vector_load_idx %arg9[%get3A_384] : memref<16384xf32, #tpu.memory_space<vmem>>[vector<16xi32>], vector<16xf32>,
    %swap3A_386 = arith.constant 16 : index
    %swap3A_387 = tpu.vector_load %arg11[%swap3A_386] {strides = array<i32>} : memref<512xf32, #tpu.memory_space<vmem>>, vector<16xf32>,
    tpu.vector_store %arg11[%swap3A_386], %gather3A_385 {strides = array<i32>} : memref<512xf32, #tpu.memory_space<vmem>>, vector<16xf32>,
    %get3A_388 = arith.constant 32 : index
    %get3A_389 = tpu.vector_load %arg10[%get3A_388] {strides = array<i32>} : memref<512xi32, #tpu.memory_space<vmem>>, vector<16xi32>,
    %gather3A_390 = tpu.vector_load_idx %arg9[%get3A_389] : memref<16384xf32, #tpu.memory_space<vmem>>[vector<16xi32>], vector<16xf32>,
    %swap3A_391 = arith.constant 32 : index
    %swap3A_392 = tpu.vector_load %arg11[%swap3A_391] {strides = array<i32>} : memref<512xf32, #tpu.memory_space<vmem>>, vector<16xf32>,
    tpu.vector_store %arg11[%swap3A_391], %gather3A_390 {strides = array<i32>} : memref<512xf32, #tpu.memory_space<vmem>>, vector<16xf32>,
    %get3A_393 = arith.constant 48 : index
    %get3A_394 = tpu.vector_load %arg10[%get3A_393] {strides = array<i32>} : memref<512xi32, #tpu.memory_space<vmem>>, vector<16xi32>,
    %gather3A_395 = tpu.vector_load_idx %arg9[%get3A_394] : memref<16384xf32, #tpu.memory_space<vmem>>[vector<16xi32>], vector<16xf32>,
    %swap3A_396 = arith.constant 48 : index
    %swap3A_397 = tpu.vector_load %arg11[%swap3A_396] {strides = array<i32>} : memref<512xf32, #tpu.memory_space<vmem>>, vector<16xf32>,
    tpu.vector_store %arg11[%swap3A_396], %gather3A_395 {strides = array<i32>} : memref<512xf32, #tpu.memory_space<vmem>>, vector<16xf32>,
    %get3A_398 = arith.constant 64 : index
    %get3A_399 = tpu.vector_load %arg10[%get3A_398] {strides = array<i32>} : memref<512xi32, #tpu.memory_space<vmem>>, vector<16xi32>,
    %gather3A_400 = tpu.vector_load_idx %arg9[%get3A_399] : memref<16384xf32, #tpu.memory_space<vmem>>[vector<16xi32>], vector<16xf32>,
    %swap3A_401 = arith.constant 64 : index
    %swap3A_402 = tpu.vector_load %arg11[%swap3A_401] {strides = array<i32>} : memref<512xf32, #tpu.memory_space<vmem>>, vector<16xf32>,
    tpu.vector_store %arg11[%swap3A_401], %gather3A_400 {strides = array<i32>} : memref<512xf32, #tpu.memory_space<vmem>>, vector<16xf32>,
    %get3A_403 = arith.constant 80 : index
    %get3A_404 = tpu.vector_load %arg10[%get3A_403] {strides = array<i32>} : memref<512xi32, #tpu.memory_space<vmem>>, vector<16xi32>,
    %gather3A_405 = tpu.vector_load_idx %arg9[%get3A_404] : memref<16384xf32, #tpu.memory_space<vmem>>[vector<16xi32>], vector<16xf32>,
    %swap3A_406 = arith.constant 80 : index
    %swap3A_407 = tpu.vector_load %arg11[%swap3A_406] {strides = array<i32>} : memref<512xf32, #tpu.memory_space<vmem>>, vector<16xf32>,
    tpu.vector_store %arg11[%swap3A_406], %gather3A_405 {strides = array<i32>} : memref<512xf32, #tpu.memory_space<vmem>>, vector<16xf32>,
    %get3A_408 = arith.constant 96 : index
    %get3A_409 = tpu.vector_load %arg10[%get3A_408] {strides = array<i32>} : memref<512xi32, #tpu.memory_space<vmem>>, vector<16xi32>,
    %gather3A_410 = tpu.vector_load_idx %arg9[%get3A_409] : memref<16384xf32, #tpu.memory_space<vmem>>[vector<16xi32>], vector<16xf32>,
    %swap3A_411 = arith.constant 96 : index
    %swap3A_412 = tpu.vector_load %arg11[%swap3A_411] {strides = array<i32>} : memref<512xf32, #tpu.memory_space<vmem>>, vector<16xf32>,
    tpu.vector_store %arg11[%swap3A_411], %gather3A_410 {strides = array<i32>} : memref<512xf32, #tpu.memory_space<vmem>>, vector<16xf32>,
    %get3A_413 = arith.constant 112 : index
    %get3A_414 = tpu.vector_load %arg10[%get3A_413] {strides = array<i32>} : memref<512xi32, #tpu.memory_space<vmem>>, vector<16xi32>,
    %gather3A_415 = tpu.vector_load_idx %arg9[%get3A_414] : memref<16384xf32, #tpu.memory_space<vmem>>[vector<16xi32>], vector<16xf32>,
    %swap3A_416 = arith.constant 112 : index
    %swap3A_417 = tpu.vector_load %arg11[%swap3A_416] {strides = array<i32>} : memref<512xf32, #tpu.memory_space<vmem>>, vector<16xf32>,
    tpu.vector_store %arg11[%swap3A_416], %gather3A_415 {strides = array<i32>} : memref<512xf32, #tpu.memory_space<vmem>>, vector<16xf32>,
    %get3A_418 = arith.constant 128 : index
    %get3A_419 = tpu.vector_load %arg10[%get3A_418] {strides = array<i32>} : memref<512xi32, #tpu.memory_space<vmem>>, vector<16xi32>,
    %gather3A_420 = tpu.vector_load_idx %arg9[%get3A_419] : memref<16384xf32, #tpu.memory_space<vmem>>[vector<16xi32>], vector<16xf32>,
    %swap3A_421 = arith.constant 128 : index
    %swap3A_422 = tpu.vector_load %arg11[%swap3A_421] {strides = array<i32>} : memref<512xf32, #tpu.memory_space<vmem>>, vector<16xf32>,
    tpu.vector_store %arg11[%swap3A_421], %gather3A_420 {strides = array<i32>} : memref<512xf32, #tpu.memory_space<vmem>>, vector<16xf32>,
    %get3A_423 = arith.constant 144 : index
    %get3A_424 = tpu.vector_load %arg10[%get3A_423] {strides = array<i32>} : memref<512xi32, #tpu.memory_space<vmem>>, vector<16xi32>,
    %gather3A_425 = tpu.vector_load_idx %arg9[%get3A_424] : memref<16384xf32, #tpu.memory_space<vmem>>[vector<16xi32>], vector<16xf32>,
    %swap3A_426 = arith.constant 144 : index
    %swap3A_427 = tpu.vector_load %arg11[%swap3A_426] {strides = array<i32>} : memref<512xf32, #tpu.memory_space<vmem>>, vector<16xf32>,
    tpu.vector_store %arg11[%swap3A_426], %gather3A_425 {strides = array<i32>} : memref<512xf32, #tpu.memory_space<vmem>>, vector<16xf32>,
    %get3A_428 = arith.constant 160 : index
    %get3A_429 = tpu.vector_load %arg10[%get3A_428] {strides = array<i32>} : memref<512xi32, #tpu.memory_space<vmem>>, vector<16xi32>,
    %gather3A_430 = tpu.vector_load_idx %arg9[%get3A_429] : memref<16384xf32, #tpu.memory_space<vmem>>[vector<16xi32>], vector<16xf32>,
    %swap3A_431 = arith.constant 160 : index
    %swap3A_432 = tpu.vector_load %arg11[%swap3A_431] {strides = array<i32>} : memref<512xf32, #tpu.memory_space<vmem>>, vector<16xf32>,
    tpu.vector_store %arg11[%swap3A_431], %gather3A_430 {strides = array<i32>} : memref<512xf32, #tpu.memory_space<vmem>>, vector<16xf32>,
    %get3A_433 = arith.constant 176 : index
    %get3A_434 = tpu.vector_load %arg10[%get3A_433] {strides = array<i32>} : memref<512xi32, #tpu.memory_space<vmem>>, vector<16xi32>,
    %gather3A_435 = tpu.vector_load_idx %arg9[%get3A_434] : memref<16384xf32, #tpu.memory_space<vmem>>[vector<16xi32>], vector<16xf32>,
    %swap3A_436 = arith.constant 176 : index
    %swap3A_437 = tpu.vector_load %arg11[%swap3A_436] {strides = array<i32>} : memref<512xf32, #tpu.memory_space<vmem>>, vector<16xf32>,
    tpu.vector_store %arg11[%swap3A_436], %gather3A_435 {strides = array<i32>} : memref<512xf32, #tpu.memory_space<vmem>>, vector<16xf32>,
    %get3A_438 = arith.constant 192 : index
    %get3A_439 = tpu.vector_load %arg10[%get3A_438] {strides = array<i32>} : memref<512xi32, #tpu.memory_space<vmem>>, vector<16xi32>,
    %gather3A_440 = tpu.vector_load_idx %arg9[%get3A_439] : memref<16384xf32, #tpu.memory_space<vmem>>[vector<16xi32>], vector<16xf32>,
    %swap3A_441 = arith.constant 192 : index
    %swap3A_442 = tpu.vector_load %arg11[%swap3A_441] {strides = array<i32>} : memref<512xf32, #tpu.memory_space<vmem>>, vector<16xf32>,
    tpu.vector_store %arg11[%swap3A_441], %gather3A_440 {strides = array<i32>} : memref<512xf32, #tpu.memory_space<vmem>>, vector<16xf32>,
    %get3A_443 = arith.constant 208 : index
    %get3A_444 = tpu.vector_load %arg10[%get3A_443] {strides = array<i32>} : memref<512xi32, #tpu.memory_space<vmem>>, vector<16xi32>,
    %gather3A_445 = tpu.vector_load_idx %arg9[%get3A_444] : memref<16384xf32, #tpu.memory_space<vmem>>[vector<16xi32>], vector<16xf32>,
    %swap3A_446 = arith.constant 208 : index
    %swap3A_447 = tpu.vector_load %arg11[%swap3A_446] {strides = array<i32>} : memref<512xf32, #tpu.memory_space<vmem>>, vector<16xf32>,
    tpu.vector_store %arg11[%swap3A_446], %gather3A_445 {strides = array<i32>} : memref<512xf32, #tpu.memory_space<vmem>>, vector<16xf32>,
    %get3A_448 = arith.constant 224 : index
    %get3A_449 = tpu.vector_load %arg10[%get3A_448] {strides = array<i32>} : memref<512xi32, #tpu.memory_space<vmem>>, vector<16xi32>,
    %gather3A_450 = tpu.vector_load_idx %arg9[%get3A_449] : memref<16384xf32, #tpu.memory_space<vmem>>[vector<16xi32>], vector<16xf32>,
    %swap3A_451 = arith.constant 224 : index
    %swap3A_452 = tpu.vector_load %arg11[%swap3A_451] {strides = array<i32>} : memref<512xf32, #tpu.memory_space<vmem>>, vector<16xf32>,
    tpu.vector_store %arg11[%swap3A_451], %gather3A_450 {strides = array<i32>} : memref<512xf32, #tpu.memory_space<vmem>>, vector<16xf32>,
    %get3A_453 = arith.constant 240 : index
    %get3A_454 = tpu.vector_load %arg10[%get3A_453] {strides = array<i32>} : memref<512xi32, #tpu.memory_space<vmem>>, vector<16xi32>,
    %gather3A_455 = tpu.vector_load_idx %arg9[%get3A_454] : memref<16384xf32, #tpu.memory_space<vmem>>[vector<16xi32>], vector<16xf32>,
    %swap3A_456 = arith.constant 240 : index
    %swap3A_457 = tpu.vector_load %arg11[%swap3A_456] {strides = array<i32>} : memref<512xf32, #tpu.memory_space<vmem>>, vector<16xf32>,
    tpu.vector_store %arg11[%swap3A_456], %gather3A_455 {strides = array<i32>} : memref<512xf32, #tpu.memory_space<vmem>>, vector<16xf32>,
    %get3A_458 = arith.constant 256 : index
    %get3A_459 = tpu.vector_load %arg10[%get3A_458] {strides = array<i32>} : memref<512xi32, #tpu.memory_space<vmem>>, vector<16xi32>,
    %gather3A_460 = tpu.vector_load_idx %arg9[%get3A_459] : memref<16384xf32, #tpu.memory_space<vmem>>[vector<16xi32>], vector<16xf32>,
    %swap3A_461 = arith.constant 256 : index
    %swap3A_462 = tpu.vector_load %arg11[%swap3A_461] {strides = array<i32>} : memref<512xf32, #tpu.memory_space<vmem>>, vector<16xf32>,
    tpu.vector_store %arg11[%swap3A_461], %gather3A_460 {strides = array<i32>} : memref<512xf32, #tpu.memory_space<vmem>>, vector<16xf32>,
    %get3A_463 = arith.constant 272 : index
    %get3A_464 = tpu.vector_load %arg10[%get3A_463] {strides = array<i32>} : memref<512xi32, #tpu.memory_space<vmem>>, vector<16xi32>,
    %gather3A_465 = tpu.vector_load_idx %arg9[%get3A_464] : memref<16384xf32, #tpu.memory_space<vmem>>[vector<16xi32>], vector<16xf32>,
    %swap3A_466 = arith.constant 272 : index
    %swap3A_467 = tpu.vector_load %arg11[%swap3A_466] {strides = array<i32>} : memref<512xf32, #tpu.memory_space<vmem>>, vector<16xf32>,
    tpu.vector_store %arg11[%swap3A_466], %gather3A_465 {strides = array<i32>} : memref<512xf32, #tpu.memory_space<vmem>>, vector<16xf32>,
    %get3A_468 = arith.constant 288 : index
    %get3A_469 = tpu.vector_load %arg10[%get3A_468] {strides = array<i32>} : memref<512xi32, #tpu.memory_space<vmem>>, vector<16xi32>,
    %gather3A_470 = tpu.vector_load_idx %arg9[%get3A_469] : memref<16384xf32, #tpu.memory_space<vmem>>[vector<16xi32>], vector<16xf32>,
    %swap3A_471 = arith.constant 288 : index
    %swap3A_472 = tpu.vector_load %arg11[%swap3A_471] {strides = array<i32>} : memref<512xf32, #tpu.memory_space<vmem>>, vector<16xf32>,
    tpu.vector_store %arg11[%swap3A_471], %gather3A_470 {strides = array<i32>} : memref<512xf32, #tpu.memory_space<vmem>>, vector<16xf32>,
    %get3A_473 = arith.constant 304 : index
    %get3A_474 = tpu.vector_load %arg10[%get3A_473] {strides = array<i32>} : memref<512xi32, #tpu.memory_space<vmem>>, vector<16xi32>,
    %gather3A_475 = tpu.vector_load_idx %arg9[%get3A_474] : memref<16384xf32, #tpu.memory_space<vmem>>[vector<16xi32>], vector<16xf32>,
    %swap3A_476 = arith.constant 304 : index
    %swap3A_477 = tpu.vector_load %arg11[%swap3A_476] {strides = array<i32>} : memref<512xf32, #tpu.memory_space<vmem>>, vector<16xf32>,
    tpu.vector_store %arg11[%swap3A_476], %gather3A_475 {strides = array<i32>} : memref<512xf32, #tpu.memory_space<vmem>>, vector<16xf32>,
    %get3A_478 = arith.constant 320 : index
    %get3A_479 = tpu.vector_load %arg10[%get3A_478] {strides = array<i32>} : memref<512xi32, #tpu.memory_space<vmem>>, vector<16xi32>,
    %gather3A_480 = tpu.vector_load_idx %arg9[%get3A_479] : memref<16384xf32, #tpu.memory_space<vmem>>[vector<16xi32>], vector<16xf32>,
    %swap3A_481 = arith.constant 320 : index
    %swap3A_482 = tpu.vector_load %arg11[%swap3A_481] {strides = array<i32>} : memref<512xf32, #tpu.memory_space<vmem>>, vector<16xf32>,
    tpu.vector_store %arg11[%swap3A_481], %gather3A_480 {strides = array<i32>} : memref<512xf32, #tpu.memory_space<vmem>>, vector<16xf32>,
    %get3A_483 = arith.constant 336 : index
    %get3A_484 = tpu.vector_load %arg10[%get3A_483] {strides = array<i32>} : memref<512xi32, #tpu.memory_space<vmem>>, vector<16xi32>,
    %gather3A_485 = tpu.vector_load_idx %arg9[%get3A_484] : memref<16384xf32, #tpu.memory_space<vmem>>[vector<16xi32>], vector<16xf32>,
    %swap3A_486 = arith.constant 336 : index
    %swap3A_487 = tpu.vector_load %arg11[%swap3A_486] {strides = array<i32>} : memref<512xf32, #tpu.memory_space<vmem>>, vector<16xf32>,
    tpu.vector_store %arg11[%swap3A_486], %gather3A_485 {strides = array<i32>} : memref<512xf32, #tpu.memory_space<vmem>>, vector<16xf32>,
    %get3A_488 = arith.constant 352 : index
    %get3A_489 = tpu.vector_load %arg10[%get3A_488] {strides = array<i32>} : memref<512xi32, #tpu.memory_space<vmem>>, vector<16xi32>,
    %gather3A_490 = tpu.vector_load_idx %arg9[%get3A_489] : memref<16384xf32, #tpu.memory_space<vmem>>[vector<16xi32>], vector<16xf32>,
    %swap3A_491 = arith.constant 352 : index
    %swap3A_492 = tpu.vector_load %arg11[%swap3A_491] {strides = array<i32>} : memref<512xf32, #tpu.memory_space<vmem>>, vector<16xf32>,
    tpu.vector_store %arg11[%swap3A_491], %gather3A_490 {strides = array<i32>} : memref<512xf32, #tpu.memory_space<vmem>>, vector<16xf32>,
    %get3A_493 = arith.constant 368 : index
    %get3A_494 = tpu.vector_load %arg10[%get3A_493] {strides = array<i32>} : memref<512xi32, #tpu.memory_space<vmem>>, vector<16xi32>,
    %gather3A_495 = tpu.vector_load_idx %arg9[%get3A_494] : memref<16384xf32, #tpu.memory_space<vmem>>[vector<16xi32>], vector<16xf32>,
    %swap3A_496 = arith.constant 368 : index
    %swap3A_497 = tpu.vector_load %arg11[%swap3A_496] {strides = array<i32>} : memref<512xf32, #tpu.memory_space<vmem>>, vector<16xf32>,
    tpu.vector_store %arg11[%swap3A_496], %gather3A_495 {strides = array<i32>} : memref<512xf32, #tpu.memory_space<vmem>>, vector<16xf32>,
    %get3A_498 = arith.constant 384 : index
    %get3A_499 = tpu.vector_load %arg10[%get3A_498] {strides = array<i32>} : memref<512xi32, #tpu.memory_space<vmem>>, vector<16xi32>,
    %gather3A_500 = tpu.vector_load_idx %arg9[%get3A_499] : memref<16384xf32, #tpu.memory_space<vmem>>[vector<16xi32>], vector<16xf32>,
    %swap3A_501 = arith.constant 384 : index
    %swap3A_502 = tpu.vector_load %arg11[%swap3A_501] {strides = array<i32>} : memref<512xf32, #tpu.memory_space<vmem>>, vector<16xf32>,
    tpu.vector_store %arg11[%swap3A_501], %gather3A_500 {strides = array<i32>} : memref<512xf32, #tpu.memory_space<vmem>>, vector<16xf32>,
    %get3A_503 = arith.constant 400 : index
    %get3A_504 = tpu.vector_load %arg10[%get3A_503] {strides = array<i32>} : memref<512xi32, #tpu.memory_space<vmem>>, vector<16xi32>,
    %gather3A_505 = tpu.vector_load_idx %arg9[%get3A_504] : memref<16384xf32, #tpu.memory_space<vmem>>[vector<16xi32>], vector<16xf32>,
    %swap3A_506 = arith.constant 400 : index
    %swap3A_507 = tpu.vector_load %arg11[%swap3A_506] {strides = array<i32>} : memref<512xf32, #tpu.memory_space<vmem>>, vector<16xf32>,
    tpu.vector_store %arg11[%swap3A_506], %gather3A_505 {strides = array<i32>} : memref<512xf32, #tpu.memory_space<vmem>>, vector<16xf32>,
    %get3A_508 = arith.constant 416 : index
    %get3A_509 = tpu.vector_load %arg10[%get3A_508] {strides = array<i32>} : memref<512xi32, #tpu.memory_space<vmem>>, vector<16xi32>,
    %gather3A_510 = tpu.vector_load_idx %arg9[%get3A_509] : memref<16384xf32, #tpu.memory_space<vmem>>[vector<16xi32>], vector<16xf32>,
    %swap3A_511 = arith.constant 416 : index
    %swap3A_512 = tpu.vector_load %arg11[%swap3A_511] {strides = array<i32>} : memref<512xf32, #tpu.memory_space<vmem>>, vector<16xf32>,
    tpu.vector_store %arg11[%swap3A_511], %gather3A_510 {strides = array<i32>} : memref<512xf32, #tpu.memory_space<vmem>>, vector<16xf32>,
    %get3A_513 = arith.constant 432 : index
    %get3A_514 = tpu.vector_load %arg10[%get3A_513] {strides = array<i32>} : memref<512xi32, #tpu.memory_space<vmem>>, vector<16xi32>,
    %gather3A_515 = tpu.vector_load_idx %arg9[%get3A_514] : memref<16384xf32, #tpu.memory_space<vmem>>[vector<16xi32>], vector<16xf32>,
    %swap3A_516 = arith.constant 432 : index
    %swap3A_517 = tpu.vector_load %arg11[%swap3A_516] {strides = array<i32>} : memref<512xf32, #tpu.memory_space<vmem>>, vector<16xf32>,
    tpu.vector_store %arg11[%swap3A_516], %gather3A_515 {strides = array<i32>} : memref<512xf32, #tpu.memory_space<vmem>>, vector<16xf32>,
    %get3A_518 = arith.constant 448 : index
    %get3A_519 = tpu.vector_load %arg10[%get3A_518] {strides = array<i32>} : memref<512xi32, #tpu.memory_space<vmem>>, vector<16xi32>,
    %gather3A_520 = tpu.vector_load_idx %arg9[%get3A_519] : memref<16384xf32, #tpu.memory_space<vmem>>[vector<16xi32>], vector<16xf32>,
    %swap3A_521 = arith.constant 448 : index
    %swap3A_522 = tpu.vector_load %arg11[%swap3A_521] {strides = array<i32>} : memref<512xf32, #tpu.memory_space<vmem>>, vector<16xf32>,
    tpu.vector_store %arg11[%swap3A_521], %gather3A_520 {strides = array<i32>} : memref<512xf32, #tpu.memory_space<vmem>>, vector<16xf32>,
    %get3A_523 = arith.constant 464 : index
    %get3A_524 = tpu.vector_load %arg10[%get3A_523] {strides = array<i32>} : memref<512xi32, #tpu.memory_space<vmem>>, vector<16xi32>,
    %gather3A_525 = tpu.vector_load_idx %arg9[%get3A_524] : memref<16384xf32, #tpu.memory_space<vmem>>[vector<16xi32>], vector<16xf32>,
    %swap3A_526 = arith.constant 464 : index
    %swap3A_527 = tpu.vector_load %arg11[%swap3A_526] {strides = array<i32>} : memref<512xf32, #tpu.memory_space<vmem>>, vector<16xf32>,
    tpu.vector_store %arg11[%swap3A_526], %gather3A_525 {strides = array<i32>} : memref<512xf32, #tpu.memory_space<vmem>>, vector<16xf32>,
    %get3A_528 = arith.constant 480 : index
    %get3A_529 = tpu.vector_load %arg10[%get3A_528] {strides = array<i32>} : memref<512xi32, #tpu.memory_space<vmem>>, vector<16xi32>,
    %gather3A_530 = tpu.vector_load_idx %arg9[%get3A_529] : memref<16384xf32, #tpu.memory_space<vmem>>[vector<16xi32>], vector<16xf32>,
    %swap3A_531 = arith.constant 480 : index
    %swap3A_532 = tpu.vector_load %arg11[%swap3A_531] {strides = array<i32>} : memref<512xf32, #tpu.memory_space<vmem>>, vector<16xf32>,
    tpu.vector_store %arg11[%swap3A_531], %gather3A_530 {strides = array<i32>} : memref<512xf32, #tpu.memory_space<vmem>>, vector<16xf32>,
    %get3A_533 = arith.constant 496 : index
    %get3A_534 = tpu.vector_load %arg10[%get3A_533] {strides = array<i32>} : memref<512xi32, #tpu.memory_space<vmem>>, vector<16xi32>,
    %gather3A_535 = tpu.vector_load_idx %arg9[%get3A_534] : memref<16384xf32, #tpu.memory_space<vmem>>[vector<16xi32>], vector<16xf32>,
    %swap3A_536 = arith.constant 496 : index
    %swap3A_537 = tpu.vector_load %arg11[%swap3A_536] {strides = array<i32>} : memref<512xf32, #tpu.memory_space<vmem>>, vector<16xf32>,
    tpu.vector_store %arg11[%swap3A_536], %gather3A_535 {strides = array<i32>} : memref<512xf32, #tpu.memory_space<vmem>>, vector<16xf32>,
    "tpu.region"() ({
      %run_scoped3A = tpu.sem_alloc : memref<!tpu.dma_semaphore, #tpu.memory_space<semaphore_mem>>
      %dma_start3A = arith.constant 0 : i32
      %dma_start3A_1047 = tpu.memref_slice %arg6[%add3A_377, %dma_start3A] : memref<160x512xf32, #tpu.memory_space<hbm>> -> memref<1x512xf32, #tpu.memory_space<hbm>>
      %dma_start3A_1048 = tpu.memref_squeeze %dma_start3A_1047 : memref<1x512xf32, #tpu.memory_space<hbm>> -> memref<512xf32, #tpu.memory_space<hbm>>
      %dma_start3A_1049 = arith.constant 0 : i32
      %dma_start3A_1050 = tpu.memref_slice %arg6[%add3A_377, %dma_start3A_1049] : memref<160x512xf32, #tpu.memory_space<hbm>> -> memref<1x512xf32, #tpu.memory_space<hbm>>
      %dma_start3A_1051 = tpu.memref_squeeze %dma_start3A_1050 : memref<1x512xf32, #tpu.memory_space<hbm>> -> memref<512xf32, #tpu.memory_space<hbm>>
      tpu.enqueue_dma source(%arg11 : memref<512xf32, #tpu.memory_space<vmem>>) target(%dma_start3A_1051 : memref<512xf32, #tpu.memory_space<hbm>>) target_semaphore(%run_scoped3A : memref<!tpu.dma_semaphore, #tpu.memory_space<semaphore_mem>>)
      %dma_wait3A = arith.constant 0 : i32
      %dma_wait3A_1052 = tpu.memref_slice %arg6[%add3A_377, %dma_wait3A] : memref<160x512xf32, #tpu.memory_space<hbm>> -> memref<1x512xf32, #tpu.memory_space<hbm>>
      %dma_wait3A_1053 = tpu.memref_squeeze %dma_wait3A_1052 : memref<1x512xf32, #tpu.memory_space<hbm>> -> memref<512xf32, #tpu.memory_space<hbm>>
      %dma_wait3A_1054 = arith.constant 0 : i32
      %dma_wait3A_1055 = tpu.memref_slice %arg6[%add3A_377, %dma_wait3A_1054] : memref<160x512xf32, #tpu.memory_space<hbm>> -> memref<1x512xf32, #tpu.memory_space<hbm>>
      %dma_wait3A_1056 = tpu.memref_squeeze %dma_wait3A_1055 : memref<1x512xf32, #tpu.memory_space<hbm>> -> memref<512xf32, #tpu.memory_space<hbm>>
      tpu.wait_dma2 semaphore(%run_scoped3A : memref<!tpu.dma_semaphore, #tpu.memory_space<semaphore_mem>>) src(%arg11 : memref<512xf32, #tpu.memory_space<vmem>>) dst(%dma_wait3A_1056 : memref<512xf32, #tpu.memory_space<hbm>>)
      tpu.yield
    }) : () -> ()
    %mul3A_538 = arith.constant 5 : i32
    %mul3A_539 = arith.muli %select_n3A_30, %mul3A_538 : i32
    %add3A_540 = arith.constant 3 : i32
    %add3A_541 = arith.addi %mul3A_539, %add3A_540 : i32
    %mul3A_542 = arith.constant 10 : i32
    %mul3A_543 = arith.muli %select_n3A, %mul3A_542 : i32
    %add3A_544 = arith.addi %mul3A_543, %add3A_541 : i32
    %mul3A_545 = arith.constant 10 : i32
    %mul3A_546 = arith.muli %select_n3A, %mul3A_545 : i32
    %add3A_547 = arith.addi %mul3A_546, %add3A_541 : i32
    "tpu.region"() ({
      %run_scoped3A = tpu.sem_alloc : memref<!tpu.dma_semaphore, #tpu.memory_space<semaphore_mem>>
      %dma_start3A = arith.constant 0 : i32
      %dma_start3A_1047 = tpu.memref_slice %arg2[%add3A_544, %dma_start3A] : memref<160x16384xf32, #tpu.memory_space<hbm>> -> memref<1x16384xf32, #tpu.memory_space<hbm>>
      %dma_start3A_1048 = tpu.memref_squeeze %dma_start3A_1047 : memref<1x16384xf32, #tpu.memory_space<hbm>> -> memref<16384xf32, #tpu.memory_space<hbm>>
      %dma_start3A_1049 = arith.constant 0 : i32
      %dma_start3A_1050 = tpu.memref_slice %arg2[%add3A_544, %dma_start3A_1049] : memref<160x16384xf32, #tpu.memory_space<hbm>> -> memref<1x16384xf32, #tpu.memory_space<hbm>>
      %dma_start3A_1051 = tpu.memref_squeeze %dma_start3A_1050 : memref<1x16384xf32, #tpu.memory_space<hbm>> -> memref<16384xf32, #tpu.memory_space<hbm>>
      tpu.enqueue_dma source(%dma_start3A_1051 : memref<16384xf32, #tpu.memory_space<hbm>>) target(%arg9 : memref<16384xf32, #tpu.memory_space<vmem>>) target_semaphore(%run_scoped3A : memref<!tpu.dma_semaphore, #tpu.memory_space<semaphore_mem>>)
      %dma_wait3A = arith.constant 0 : i32
      %dma_wait3A_1052 = tpu.memref_slice %arg2[%add3A_544, %dma_wait3A] : memref<160x16384xf32, #tpu.memory_space<hbm>> -> memref<1x16384xf32, #tpu.memory_space<hbm>>
      %dma_wait3A_1053 = tpu.memref_squeeze %dma_wait3A_1052 : memref<1x16384xf32, #tpu.memory_space<hbm>> -> memref<16384xf32, #tpu.memory_space<hbm>>
      %dma_wait3A_1054 = arith.constant 0 : i32
      %dma_wait3A_1055 = tpu.memref_slice %arg2[%add3A_544, %dma_wait3A_1054] : memref<160x16384xf32, #tpu.memory_space<hbm>> -> memref<1x16384xf32, #tpu.memory_space<hbm>>
      %dma_wait3A_1056 = tpu.memref_squeeze %dma_wait3A_1055 : memref<1x16384xf32, #tpu.memory_space<hbm>> -> memref<16384xf32, #tpu.memory_space<hbm>>
      tpu.wait_dma2 semaphore(%run_scoped3A : memref<!tpu.dma_semaphore, #tpu.memory_space<semaphore_mem>>) src(%dma_wait3A_1056 : memref<16384xf32, #tpu.memory_space<hbm>>) dst(%arg9 : memref<16384xf32, #tpu.memory_space<vmem>>)
      tpu.yield
    }) : () -> ()
    %get3A_548 = arith.constant 0 : index
    %get3A_549 = tpu.vector_load %arg10[%get3A_548] {strides = array<i32>} : memref<512xi32, #tpu.memory_space<vmem>>, vector<16xi32>,
    %gather3A_550 = tpu.vector_load_idx %arg9[%get3A_549] : memref<16384xf32, #tpu.memory_space<vmem>>[vector<16xi32>], vector<16xf32>,
    %swap3A_551 = arith.constant 0 : index
    %swap3A_552 = tpu.vector_load %arg11[%swap3A_551] {strides = array<i32>} : memref<512xf32, #tpu.memory_space<vmem>>, vector<16xf32>,
    tpu.vector_store %arg11[%swap3A_551], %gather3A_550 {strides = array<i32>} : memref<512xf32, #tpu.memory_space<vmem>>, vector<16xf32>,
    %get3A_553 = arith.constant 16 : index
    %get3A_554 = tpu.vector_load %arg10[%get3A_553] {strides = array<i32>} : memref<512xi32, #tpu.memory_space<vmem>>, vector<16xi32>,
    %gather3A_555 = tpu.vector_load_idx %arg9[%get3A_554] : memref<16384xf32, #tpu.memory_space<vmem>>[vector<16xi32>], vector<16xf32>,
    %swap3A_556 = arith.constant 16 : index
    %swap3A_557 = tpu.vector_load %arg11[%swap3A_556] {strides = array<i32>} : memref<512xf32, #tpu.memory_space<vmem>>, vector<16xf32>,
    tpu.vector_store %arg11[%swap3A_556], %gather3A_555 {strides = array<i32>} : memref<512xf32, #tpu.memory_space<vmem>>, vector<16xf32>,
    %get3A_558 = arith.constant 32 : index
    %get3A_559 = tpu.vector_load %arg10[%get3A_558] {strides = array<i32>} : memref<512xi32, #tpu.memory_space<vmem>>, vector<16xi32>,
    %gather3A_560 = tpu.vector_load_idx %arg9[%get3A_559] : memref<16384xf32, #tpu.memory_space<vmem>>[vector<16xi32>], vector<16xf32>,
    %swap3A_561 = arith.constant 32 : index
    %swap3A_562 = tpu.vector_load %arg11[%swap3A_561] {strides = array<i32>} : memref<512xf32, #tpu.memory_space<vmem>>, vector<16xf32>,
    tpu.vector_store %arg11[%swap3A_561], %gather3A_560 {strides = array<i32>} : memref<512xf32, #tpu.memory_space<vmem>>, vector<16xf32>,
    %get3A_563 = arith.constant 48 : index
    %get3A_564 = tpu.vector_load %arg10[%get3A_563] {strides = array<i32>} : memref<512xi32, #tpu.memory_space<vmem>>, vector<16xi32>,
    %gather3A_565 = tpu.vector_load_idx %arg9[%get3A_564] : memref<16384xf32, #tpu.memory_space<vmem>>[vector<16xi32>], vector<16xf32>,
    %swap3A_566 = arith.constant 48 : index
    %swap3A_567 = tpu.vector_load %arg11[%swap3A_566] {strides = array<i32>} : memref<512xf32, #tpu.memory_space<vmem>>, vector<16xf32>,
    tpu.vector_store %arg11[%swap3A_566], %gather3A_565 {strides = array<i32>} : memref<512xf32, #tpu.memory_space<vmem>>, vector<16xf32>,
    %get3A_568 = arith.constant 64 : index
    %get3A_569 = tpu.vector_load %arg10[%get3A_568] {strides = array<i32>} : memref<512xi32, #tpu.memory_space<vmem>>, vector<16xi32>,
    %gather3A_570 = tpu.vector_load_idx %arg9[%get3A_569] : memref<16384xf32, #tpu.memory_space<vmem>>[vector<16xi32>], vector<16xf32>,
    %swap3A_571 = arith.constant 64 : index
    %swap3A_572 = tpu.vector_load %arg11[%swap3A_571] {strides = array<i32>} : memref<512xf32, #tpu.memory_space<vmem>>, vector<16xf32>,
    tpu.vector_store %arg11[%swap3A_571], %gather3A_570 {strides = array<i32>} : memref<512xf32, #tpu.memory_space<vmem>>, vector<16xf32>,
    %get3A_573 = arith.constant 80 : index
    %get3A_574 = tpu.vector_load %arg10[%get3A_573] {strides = array<i32>} : memref<512xi32, #tpu.memory_space<vmem>>, vector<16xi32>,
    %gather3A_575 = tpu.vector_load_idx %arg9[%get3A_574] : memref<16384xf32, #tpu.memory_space<vmem>>[vector<16xi32>], vector<16xf32>,
    %swap3A_576 = arith.constant 80 : index
    %swap3A_577 = tpu.vector_load %arg11[%swap3A_576] {strides = array<i32>} : memref<512xf32, #tpu.memory_space<vmem>>, vector<16xf32>,
    tpu.vector_store %arg11[%swap3A_576], %gather3A_575 {strides = array<i32>} : memref<512xf32, #tpu.memory_space<vmem>>, vector<16xf32>,
    %get3A_578 = arith.constant 96 : index
    %get3A_579 = tpu.vector_load %arg10[%get3A_578] {strides = array<i32>} : memref<512xi32, #tpu.memory_space<vmem>>, vector<16xi32>,
    %gather3A_580 = tpu.vector_load_idx %arg9[%get3A_579] : memref<16384xf32, #tpu.memory_space<vmem>>[vector<16xi32>], vector<16xf32>,
    %swap3A_581 = arith.constant 96 : index
    %swap3A_582 = tpu.vector_load %arg11[%swap3A_581] {strides = array<i32>} : memref<512xf32, #tpu.memory_space<vmem>>, vector<16xf32>,
    tpu.vector_store %arg11[%swap3A_581], %gather3A_580 {strides = array<i32>} : memref<512xf32, #tpu.memory_space<vmem>>, vector<16xf32>,
    %get3A_583 = arith.constant 112 : index
    %get3A_584 = tpu.vector_load %arg10[%get3A_583] {strides = array<i32>} : memref<512xi32, #tpu.memory_space<vmem>>, vector<16xi32>,
    %gather3A_585 = tpu.vector_load_idx %arg9[%get3A_584] : memref<16384xf32, #tpu.memory_space<vmem>>[vector<16xi32>], vector<16xf32>,
    %swap3A_586 = arith.constant 112 : index
    %swap3A_587 = tpu.vector_load %arg11[%swap3A_586] {strides = array<i32>} : memref<512xf32, #tpu.memory_space<vmem>>, vector<16xf32>,
    tpu.vector_store %arg11[%swap3A_586], %gather3A_585 {strides = array<i32>} : memref<512xf32, #tpu.memory_space<vmem>>, vector<16xf32>,
    %get3A_588 = arith.constant 128 : index
    %get3A_589 = tpu.vector_load %arg10[%get3A_588] {strides = array<i32>} : memref<512xi32, #tpu.memory_space<vmem>>, vector<16xi32>,
    %gather3A_590 = tpu.vector_load_idx %arg9[%get3A_589] : memref<16384xf32, #tpu.memory_space<vmem>>[vector<16xi32>], vector<16xf32>,
    %swap3A_591 = arith.constant 128 : index
    %swap3A_592 = tpu.vector_load %arg11[%swap3A_591] {strides = array<i32>} : memref<512xf32, #tpu.memory_space<vmem>>, vector<16xf32>,
    tpu.vector_store %arg11[%swap3A_591], %gather3A_590 {strides = array<i32>} : memref<512xf32, #tpu.memory_space<vmem>>, vector<16xf32>,
    %get3A_593 = arith.constant 144 : index
    %get3A_594 = tpu.vector_load %arg10[%get3A_593] {strides = array<i32>} : memref<512xi32, #tpu.memory_space<vmem>>, vector<16xi32>,
    %gather3A_595 = tpu.vector_load_idx %arg9[%get3A_594] : memref<16384xf32, #tpu.memory_space<vmem>>[vector<16xi32>], vector<16xf32>,
    %swap3A_596 = arith.constant 144 : index
    %swap3A_597 = tpu.vector_load %arg11[%swap3A_596] {strides = array<i32>} : memref<512xf32, #tpu.memory_space<vmem>>, vector<16xf32>,
    tpu.vector_store %arg11[%swap3A_596], %gather3A_595 {strides = array<i32>} : memref<512xf32, #tpu.memory_space<vmem>>, vector<16xf32>,
    %get3A_598 = arith.constant 160 : index
    %get3A_599 = tpu.vector_load %arg10[%get3A_598] {strides = array<i32>} : memref<512xi32, #tpu.memory_space<vmem>>, vector<16xi32>,
    %gather3A_600 = tpu.vector_load_idx %arg9[%get3A_599] : memref<16384xf32, #tpu.memory_space<vmem>>[vector<16xi32>], vector<16xf32>,
    %swap3A_601 = arith.constant 160 : index
    %swap3A_602 = tpu.vector_load %arg11[%swap3A_601] {strides = array<i32>} : memref<512xf32, #tpu.memory_space<vmem>>, vector<16xf32>,
    tpu.vector_store %arg11[%swap3A_601], %gather3A_600 {strides = array<i32>} : memref<512xf32, #tpu.memory_space<vmem>>, vector<16xf32>,
    %get3A_603 = arith.constant 176 : index
    %get3A_604 = tpu.vector_load %arg10[%get3A_603] {strides = array<i32>} : memref<512xi32, #tpu.memory_space<vmem>>, vector<16xi32>,
    %gather3A_605 = tpu.vector_load_idx %arg9[%get3A_604] : memref<16384xf32, #tpu.memory_space<vmem>>[vector<16xi32>], vector<16xf32>,
    %swap3A_606 = arith.constant 176 : index
    %swap3A_607 = tpu.vector_load %arg11[%swap3A_606] {strides = array<i32>} : memref<512xf32, #tpu.memory_space<vmem>>, vector<16xf32>,
    tpu.vector_store %arg11[%swap3A_606], %gather3A_605 {strides = array<i32>} : memref<512xf32, #tpu.memory_space<vmem>>, vector<16xf32>,
    %get3A_608 = arith.constant 192 : index
    %get3A_609 = tpu.vector_load %arg10[%get3A_608] {strides = array<i32>} : memref<512xi32, #tpu.memory_space<vmem>>, vector<16xi32>,
    %gather3A_610 = tpu.vector_load_idx %arg9[%get3A_609] : memref<16384xf32, #tpu.memory_space<vmem>>[vector<16xi32>], vector<16xf32>,
    %swap3A_611 = arith.constant 192 : index
    %swap3A_612 = tpu.vector_load %arg11[%swap3A_611] {strides = array<i32>} : memref<512xf32, #tpu.memory_space<vmem>>, vector<16xf32>,
    tpu.vector_store %arg11[%swap3A_611], %gather3A_610 {strides = array<i32>} : memref<512xf32, #tpu.memory_space<vmem>>, vector<16xf32>,
    %get3A_613 = arith.constant 208 : index
    %get3A_614 = tpu.vector_load %arg10[%get3A_613] {strides = array<i32>} : memref<512xi32, #tpu.memory_space<vmem>>, vector<16xi32>,
    %gather3A_615 = tpu.vector_load_idx %arg9[%get3A_614] : memref<16384xf32, #tpu.memory_space<vmem>>[vector<16xi32>], vector<16xf32>,
    %swap3A_616 = arith.constant 208 : index
    %swap3A_617 = tpu.vector_load %arg11[%swap3A_616] {strides = array<i32>} : memref<512xf32, #tpu.memory_space<vmem>>, vector<16xf32>,
    tpu.vector_store %arg11[%swap3A_616], %gather3A_615 {strides = array<i32>} : memref<512xf32, #tpu.memory_space<vmem>>, vector<16xf32>,
    %get3A_618 = arith.constant 224 : index
    %get3A_619 = tpu.vector_load %arg10[%get3A_618] {strides = array<i32>} : memref<512xi32, #tpu.memory_space<vmem>>, vector<16xi32>,
    %gather3A_620 = tpu.vector_load_idx %arg9[%get3A_619] : memref<16384xf32, #tpu.memory_space<vmem>>[vector<16xi32>], vector<16xf32>,
    %swap3A_621 = arith.constant 224 : index
    %swap3A_622 = tpu.vector_load %arg11[%swap3A_621] {strides = array<i32>} : memref<512xf32, #tpu.memory_space<vmem>>, vector<16xf32>,
    tpu.vector_store %arg11[%swap3A_621], %gather3A_620 {strides = array<i32>} : memref<512xf32, #tpu.memory_space<vmem>>, vector<16xf32>,
    %get3A_623 = arith.constant 240 : index
    %get3A_624 = tpu.vector_load %arg10[%get3A_623] {strides = array<i32>} : memref<512xi32, #tpu.memory_space<vmem>>, vector<16xi32>,
    %gather3A_625 = tpu.vector_load_idx %arg9[%get3A_624] : memref<16384xf32, #tpu.memory_space<vmem>>[vector<16xi32>], vector<16xf32>,
    %swap3A_626 = arith.constant 240 : index
    %swap3A_627 = tpu.vector_load %arg11[%swap3A_626] {strides = array<i32>} : memref<512xf32, #tpu.memory_space<vmem>>, vector<16xf32>,
    tpu.vector_store %arg11[%swap3A_626], %gather3A_625 {strides = array<i32>} : memref<512xf32, #tpu.memory_space<vmem>>, vector<16xf32>,
    %get3A_628 = arith.constant 256 : index
    %get3A_629 = tpu.vector_load %arg10[%get3A_628] {strides = array<i32>} : memref<512xi32, #tpu.memory_space<vmem>>, vector<16xi32>,
    %gather3A_630 = tpu.vector_load_idx %arg9[%get3A_629] : memref<16384xf32, #tpu.memory_space<vmem>>[vector<16xi32>], vector<16xf32>,
    %swap3A_631 = arith.constant 256 : index
    %swap3A_632 = tpu.vector_load %arg11[%swap3A_631] {strides = array<i32>} : memref<512xf32, #tpu.memory_space<vmem>>, vector<16xf32>,
    tpu.vector_store %arg11[%swap3A_631], %gather3A_630 {strides = array<i32>} : memref<512xf32, #tpu.memory_space<vmem>>, vector<16xf32>,
    %get3A_633 = arith.constant 272 : index
    %get3A_634 = tpu.vector_load %arg10[%get3A_633] {strides = array<i32>} : memref<512xi32, #tpu.memory_space<vmem>>, vector<16xi32>,
    %gather3A_635 = tpu.vector_load_idx %arg9[%get3A_634] : memref<16384xf32, #tpu.memory_space<vmem>>[vector<16xi32>], vector<16xf32>,
    %swap3A_636 = arith.constant 272 : index
    %swap3A_637 = tpu.vector_load %arg11[%swap3A_636] {strides = array<i32>} : memref<512xf32, #tpu.memory_space<vmem>>, vector<16xf32>,
    tpu.vector_store %arg11[%swap3A_636], %gather3A_635 {strides = array<i32>} : memref<512xf32, #tpu.memory_space<vmem>>, vector<16xf32>,
    %get3A_638 = arith.constant 288 : index
    %get3A_639 = tpu.vector_load %arg10[%get3A_638] {strides = array<i32>} : memref<512xi32, #tpu.memory_space<vmem>>, vector<16xi32>,
    %gather3A_640 = tpu.vector_load_idx %arg9[%get3A_639] : memref<16384xf32, #tpu.memory_space<vmem>>[vector<16xi32>], vector<16xf32>,
    %swap3A_641 = arith.constant 288 : index
    %swap3A_642 = tpu.vector_load %arg11[%swap3A_641] {strides = array<i32>} : memref<512xf32, #tpu.memory_space<vmem>>, vector<16xf32>,
    tpu.vector_store %arg11[%swap3A_641], %gather3A_640 {strides = array<i32>} : memref<512xf32, #tpu.memory_space<vmem>>, vector<16xf32>,
    %get3A_643 = arith.constant 304 : index
    %get3A_644 = tpu.vector_load %arg10[%get3A_643] {strides = array<i32>} : memref<512xi32, #tpu.memory_space<vmem>>, vector<16xi32>,
    %gather3A_645 = tpu.vector_load_idx %arg9[%get3A_644] : memref<16384xf32, #tpu.memory_space<vmem>>[vector<16xi32>], vector<16xf32>,
    %swap3A_646 = arith.constant 304 : index
    %swap3A_647 = tpu.vector_load %arg11[%swap3A_646] {strides = array<i32>} : memref<512xf32, #tpu.memory_space<vmem>>, vector<16xf32>,
    tpu.vector_store %arg11[%swap3A_646], %gather3A_645 {strides = array<i32>} : memref<512xf32, #tpu.memory_space<vmem>>, vector<16xf32>,
    %get3A_648 = arith.constant 320 : index
    %get3A_649 = tpu.vector_load %arg10[%get3A_648] {strides = array<i32>} : memref<512xi32, #tpu.memory_space<vmem>>, vector<16xi32>,
    %gather3A_650 = tpu.vector_load_idx %arg9[%get3A_649] : memref<16384xf32, #tpu.memory_space<vmem>>[vector<16xi32>], vector<16xf32>,
    %swap3A_651 = arith.constant 320 : index
    %swap3A_652 = tpu.vector_load %arg11[%swap3A_651] {strides = array<i32>} : memref<512xf32, #tpu.memory_space<vmem>>, vector<16xf32>,
    tpu.vector_store %arg11[%swap3A_651], %gather3A_650 {strides = array<i32>} : memref<512xf32, #tpu.memory_space<vmem>>, vector<16xf32>,
    %get3A_653 = arith.constant 336 : index
    %get3A_654 = tpu.vector_load %arg10[%get3A_653] {strides = array<i32>} : memref<512xi32, #tpu.memory_space<vmem>>, vector<16xi32>,
    %gather3A_655 = tpu.vector_load_idx %arg9[%get3A_654] : memref<16384xf32, #tpu.memory_space<vmem>>[vector<16xi32>], vector<16xf32>,
    %swap3A_656 = arith.constant 336 : index
    %swap3A_657 = tpu.vector_load %arg11[%swap3A_656] {strides = array<i32>} : memref<512xf32, #tpu.memory_space<vmem>>, vector<16xf32>,
    tpu.vector_store %arg11[%swap3A_656], %gather3A_655 {strides = array<i32>} : memref<512xf32, #tpu.memory_space<vmem>>, vector<16xf32>,
    %get3A_658 = arith.constant 352 : index
    %get3A_659 = tpu.vector_load %arg10[%get3A_658] {strides = array<i32>} : memref<512xi32, #tpu.memory_space<vmem>>, vector<16xi32>,
    %gather3A_660 = tpu.vector_load_idx %arg9[%get3A_659] : memref<16384xf32, #tpu.memory_space<vmem>>[vector<16xi32>], vector<16xf32>,
    %swap3A_661 = arith.constant 352 : index
    %swap3A_662 = tpu.vector_load %arg11[%swap3A_661] {strides = array<i32>} : memref<512xf32, #tpu.memory_space<vmem>>, vector<16xf32>,
    tpu.vector_store %arg11[%swap3A_661], %gather3A_660 {strides = array<i32>} : memref<512xf32, #tpu.memory_space<vmem>>, vector<16xf32>,
    %get3A_663 = arith.constant 368 : index
    %get3A_664 = tpu.vector_load %arg10[%get3A_663] {strides = array<i32>} : memref<512xi32, #tpu.memory_space<vmem>>, vector<16xi32>,
    %gather3A_665 = tpu.vector_load_idx %arg9[%get3A_664] : memref<16384xf32, #tpu.memory_space<vmem>>[vector<16xi32>], vector<16xf32>,
    %swap3A_666 = arith.constant 368 : index
    %swap3A_667 = tpu.vector_load %arg11[%swap3A_666] {strides = array<i32>} : memref<512xf32, #tpu.memory_space<vmem>>, vector<16xf32>,
    tpu.vector_store %arg11[%swap3A_666], %gather3A_665 {strides = array<i32>} : memref<512xf32, #tpu.memory_space<vmem>>, vector<16xf32>,
    %get3A_668 = arith.constant 384 : index
    %get3A_669 = tpu.vector_load %arg10[%get3A_668] {strides = array<i32>} : memref<512xi32, #tpu.memory_space<vmem>>, vector<16xi32>,
    %gather3A_670 = tpu.vector_load_idx %arg9[%get3A_669] : memref<16384xf32, #tpu.memory_space<vmem>>[vector<16xi32>], vector<16xf32>,
    %swap3A_671 = arith.constant 384 : index
    %swap3A_672 = tpu.vector_load %arg11[%swap3A_671] {strides = array<i32>} : memref<512xf32, #tpu.memory_space<vmem>>, vector<16xf32>,
    tpu.vector_store %arg11[%swap3A_671], %gather3A_670 {strides = array<i32>} : memref<512xf32, #tpu.memory_space<vmem>>, vector<16xf32>,
    %get3A_673 = arith.constant 400 : index
    %get3A_674 = tpu.vector_load %arg10[%get3A_673] {strides = array<i32>} : memref<512xi32, #tpu.memory_space<vmem>>, vector<16xi32>,
    %gather3A_675 = tpu.vector_load_idx %arg9[%get3A_674] : memref<16384xf32, #tpu.memory_space<vmem>>[vector<16xi32>], vector<16xf32>,
    %swap3A_676 = arith.constant 400 : index
    %swap3A_677 = tpu.vector_load %arg11[%swap3A_676] {strides = array<i32>} : memref<512xf32, #tpu.memory_space<vmem>>, vector<16xf32>,
    tpu.vector_store %arg11[%swap3A_676], %gather3A_675 {strides = array<i32>} : memref<512xf32, #tpu.memory_space<vmem>>, vector<16xf32>,
    %get3A_678 = arith.constant 416 : index
    %get3A_679 = tpu.vector_load %arg10[%get3A_678] {strides = array<i32>} : memref<512xi32, #tpu.memory_space<vmem>>, vector<16xi32>,
    %gather3A_680 = tpu.vector_load_idx %arg9[%get3A_679] : memref<16384xf32, #tpu.memory_space<vmem>>[vector<16xi32>], vector<16xf32>,
    %swap3A_681 = arith.constant 416 : index
    %swap3A_682 = tpu.vector_load %arg11[%swap3A_681] {strides = array<i32>} : memref<512xf32, #tpu.memory_space<vmem>>, vector<16xf32>,
    tpu.vector_store %arg11[%swap3A_681], %gather3A_680 {strides = array<i32>} : memref<512xf32, #tpu.memory_space<vmem>>, vector<16xf32>,
    %get3A_683 = arith.constant 432 : index
    %get3A_684 = tpu.vector_load %arg10[%get3A_683] {strides = array<i32>} : memref<512xi32, #tpu.memory_space<vmem>>, vector<16xi32>,
    %gather3A_685 = tpu.vector_load_idx %arg9[%get3A_684] : memref<16384xf32, #tpu.memory_space<vmem>>[vector<16xi32>], vector<16xf32>,
    %swap3A_686 = arith.constant 432 : index
    %swap3A_687 = tpu.vector_load %arg11[%swap3A_686] {strides = array<i32>} : memref<512xf32, #tpu.memory_space<vmem>>, vector<16xf32>,
    tpu.vector_store %arg11[%swap3A_686], %gather3A_685 {strides = array<i32>} : memref<512xf32, #tpu.memory_space<vmem>>, vector<16xf32>,
    %get3A_688 = arith.constant 448 : index
    %get3A_689 = tpu.vector_load %arg10[%get3A_688] {strides = array<i32>} : memref<512xi32, #tpu.memory_space<vmem>>, vector<16xi32>,
    %gather3A_690 = tpu.vector_load_idx %arg9[%get3A_689] : memref<16384xf32, #tpu.memory_space<vmem>>[vector<16xi32>], vector<16xf32>,
    %swap3A_691 = arith.constant 448 : index
    %swap3A_692 = tpu.vector_load %arg11[%swap3A_691] {strides = array<i32>} : memref<512xf32, #tpu.memory_space<vmem>>, vector<16xf32>,
    tpu.vector_store %arg11[%swap3A_691], %gather3A_690 {strides = array<i32>} : memref<512xf32, #tpu.memory_space<vmem>>, vector<16xf32>,
    %get3A_693 = arith.constant 464 : index
    %get3A_694 = tpu.vector_load %arg10[%get3A_693] {strides = array<i32>} : memref<512xi32, #tpu.memory_space<vmem>>, vector<16xi32>,
    %gather3A_695 = tpu.vector_load_idx %arg9[%get3A_694] : memref<16384xf32, #tpu.memory_space<vmem>>[vector<16xi32>], vector<16xf32>,
    %swap3A_696 = arith.constant 464 : index
    %swap3A_697 = tpu.vector_load %arg11[%swap3A_696] {strides = array<i32>} : memref<512xf32, #tpu.memory_space<vmem>>, vector<16xf32>,
    tpu.vector_store %arg11[%swap3A_696], %gather3A_695 {strides = array<i32>} : memref<512xf32, #tpu.memory_space<vmem>>, vector<16xf32>,
    %get3A_698 = arith.constant 480 : index
    %get3A_699 = tpu.vector_load %arg10[%get3A_698] {strides = array<i32>} : memref<512xi32, #tpu.memory_space<vmem>>, vector<16xi32>,
    %gather3A_700 = tpu.vector_load_idx %arg9[%get3A_699] : memref<16384xf32, #tpu.memory_space<vmem>>[vector<16xi32>], vector<16xf32>,
    %swap3A_701 = arith.constant 480 : index
    %swap3A_702 = tpu.vector_load %arg11[%swap3A_701] {strides = array<i32>} : memref<512xf32, #tpu.memory_space<vmem>>, vector<16xf32>,
    tpu.vector_store %arg11[%swap3A_701], %gather3A_700 {strides = array<i32>} : memref<512xf32, #tpu.memory_space<vmem>>, vector<16xf32>,
    %get3A_703 = arith.constant 496 : index
    %get3A_704 = tpu.vector_load %arg10[%get3A_703] {strides = array<i32>} : memref<512xi32, #tpu.memory_space<vmem>>, vector<16xi32>,
    %gather3A_705 = tpu.vector_load_idx %arg9[%get3A_704] : memref<16384xf32, #tpu.memory_space<vmem>>[vector<16xi32>], vector<16xf32>,
    %swap3A_706 = arith.constant 496 : index
    %swap3A_707 = tpu.vector_load %arg11[%swap3A_706] {strides = array<i32>} : memref<512xf32, #tpu.memory_space<vmem>>, vector<16xf32>,
    tpu.vector_store %arg11[%swap3A_706], %gather3A_705 {strides = array<i32>} : memref<512xf32, #tpu.memory_space<vmem>>, vector<16xf32>,
    "tpu.region"() ({
      %run_scoped3A = tpu.sem_alloc : memref<!tpu.dma_semaphore, #tpu.memory_space<semaphore_mem>>
      %dma_start3A = arith.constant 0 : i32
      %dma_start3A_1047 = tpu.memref_slice %arg6[%add3A_547, %dma_start3A] : memref<160x512xf32, #tpu.memory_space<hbm>> -> memref<1x512xf32, #tpu.memory_space<hbm>>
      %dma_start3A_1048 = tpu.memref_squeeze %dma_start3A_1047 : memref<1x512xf32, #tpu.memory_space<hbm>> -> memref<512xf32, #tpu.memory_space<hbm>>
      %dma_start3A_1049 = arith.constant 0 : i32
      %dma_start3A_1050 = tpu.memref_slice %arg6[%add3A_547, %dma_start3A_1049] : memref<160x512xf32, #tpu.memory_space<hbm>> -> memref<1x512xf32, #tpu.memory_space<hbm>>
      %dma_start3A_1051 = tpu.memref_squeeze %dma_start3A_1050 : memref<1x512xf32, #tpu.memory_space<hbm>> -> memref<512xf32, #tpu.memory_space<hbm>>
      tpu.enqueue_dma source(%arg11 : memref<512xf32, #tpu.memory_space<vmem>>) target(%dma_start3A_1051 : memref<512xf32, #tpu.memory_space<hbm>>) target_semaphore(%run_scoped3A : memref<!tpu.dma_semaphore, #tpu.memory_space<semaphore_mem>>)
      %dma_wait3A = arith.constant 0 : i32
      %dma_wait3A_1052 = tpu.memref_slice %arg6[%add3A_547, %dma_wait3A] : memref<160x512xf32, #tpu.memory_space<hbm>> -> memref<1x512xf32, #tpu.memory_space<hbm>>
      %dma_wait3A_1053 = tpu.memref_squeeze %dma_wait3A_1052 : memref<1x512xf32, #tpu.memory_space<hbm>> -> memref<512xf32, #tpu.memory_space<hbm>>
      %dma_wait3A_1054 = arith.constant 0 : i32
      %dma_wait3A_1055 = tpu.memref_slice %arg6[%add3A_547, %dma_wait3A_1054] : memref<160x512xf32, #tpu.memory_space<hbm>> -> memref<1x512xf32, #tpu.memory_space<hbm>>
      %dma_wait3A_1056 = tpu.memref_squeeze %dma_wait3A_1055 : memref<1x512xf32, #tpu.memory_space<hbm>> -> memref<512xf32, #tpu.memory_space<hbm>>
      tpu.wait_dma2 semaphore(%run_scoped3A : memref<!tpu.dma_semaphore, #tpu.memory_space<semaphore_mem>>) src(%arg11 : memref<512xf32, #tpu.memory_space<vmem>>) dst(%dma_wait3A_1056 : memref<512xf32, #tpu.memory_space<hbm>>)
      tpu.yield
    }) : () -> ()
    %mul3A_708 = arith.constant 5 : i32
    %mul3A_709 = arith.muli %select_n3A_30, %mul3A_708 : i32
    %add3A_710 = arith.constant 4 : i32
    %add3A_711 = arith.addi %mul3A_709, %add3A_710 : i32
    %mul3A_712 = arith.constant 10 : i32
    %mul3A_713 = arith.muli %select_n3A, %mul3A_712 : i32
    %add3A_714 = arith.addi %mul3A_713, %add3A_711 : i32
    %mul3A_715 = arith.constant 10 : i32
    %mul3A_716 = arith.muli %select_n3A, %mul3A_715 : i32
    %add3A_717 = arith.addi %mul3A_716, %add3A_711 : i32
    "tpu.region"() ({
      %run_scoped3A = tpu.sem_alloc : memref<!tpu.dma_semaphore, #tpu.memory_space<semaphore_mem>>
      %dma_start3A = arith.constant 0 : i32
      %dma_start3A_1047 = tpu.memref_slice %arg2[%add3A_714, %dma_start3A] : memref<160x16384xf32, #tpu.memory_space<hbm>> -> memref<1x16384xf32, #tpu.memory_space<hbm>>
      %dma_start3A_1048 = tpu.memref_squeeze %dma_start3A_1047 : memref<1x16384xf32, #tpu.memory_space<hbm>> -> memref<16384xf32, #tpu.memory_space<hbm>>
      %dma_start3A_1049 = arith.constant 0 : i32
      %dma_start3A_1050 = tpu.memref_slice %arg2[%add3A_714, %dma_start3A_1049] : memref<160x16384xf32, #tpu.memory_space<hbm>> -> memref<1x16384xf32, #tpu.memory_space<hbm>>
      %dma_start3A_1051 = tpu.memref_squeeze %dma_start3A_1050 : memref<1x16384xf32, #tpu.memory_space<hbm>> -> memref<16384xf32, #tpu.memory_space<hbm>>
      tpu.enqueue_dma source(%dma_start3A_1051 : memref<16384xf32, #tpu.memory_space<hbm>>) target(%arg9 : memref<16384xf32, #tpu.memory_space<vmem>>) target_semaphore(%run_scoped3A : memref<!tpu.dma_semaphore, #tpu.memory_space<semaphore_mem>>)
      %dma_wait3A = arith.constant 0 : i32
      %dma_wait3A_1052 = tpu.memref_slice %arg2[%add3A_714, %dma_wait3A] : memref<160x16384xf32, #tpu.memory_space<hbm>> -> memref<1x16384xf32, #tpu.memory_space<hbm>>
      %dma_wait3A_1053 = tpu.memref_squeeze %dma_wait3A_1052 : memref<1x16384xf32, #tpu.memory_space<hbm>> -> memref<16384xf32, #tpu.memory_space<hbm>>
      %dma_wait3A_1054 = arith.constant 0 : i32
      %dma_wait3A_1055 = tpu.memref_slice %arg2[%add3A_714, %dma_wait3A_1054] : memref<160x16384xf32, #tpu.memory_space<hbm>> -> memref<1x16384xf32, #tpu.memory_space<hbm>>
      %dma_wait3A_1056 = tpu.memref_squeeze %dma_wait3A_1055 : memref<1x16384xf32, #tpu.memory_space<hbm>> -> memref<16384xf32, #tpu.memory_space<hbm>>
      tpu.wait_dma2 semaphore(%run_scoped3A : memref<!tpu.dma_semaphore, #tpu.memory_space<semaphore_mem>>) src(%dma_wait3A_1056 : memref<16384xf32, #tpu.memory_space<hbm>>) dst(%arg9 : memref<16384xf32, #tpu.memory_space<vmem>>)
      tpu.yield
    }) : () -> ()
    %get3A_718 = arith.constant 0 : index
    %get3A_719 = tpu.vector_load %arg10[%get3A_718] {strides = array<i32>} : memref<512xi32, #tpu.memory_space<vmem>>, vector<16xi32>,
    %gather3A_720 = tpu.vector_load_idx %arg9[%get3A_719] : memref<16384xf32, #tpu.memory_space<vmem>>[vector<16xi32>], vector<16xf32>,
    %swap3A_721 = arith.constant 0 : index
    %swap3A_722 = tpu.vector_load %arg11[%swap3A_721] {strides = array<i32>} : memref<512xf32, #tpu.memory_space<vmem>>, vector<16xf32>,
    tpu.vector_store %arg11[%swap3A_721], %gather3A_720 {strides = array<i32>} : memref<512xf32, #tpu.memory_space<vmem>>, vector<16xf32>,
    %get3A_723 = arith.constant 16 : index
    %get3A_724 = tpu.vector_load %arg10[%get3A_723] {strides = array<i32>} : memref<512xi32, #tpu.memory_space<vmem>>, vector<16xi32>,
    %gather3A_725 = tpu.vector_load_idx %arg9[%get3A_724] : memref<16384xf32, #tpu.memory_space<vmem>>[vector<16xi32>], vector<16xf32>,
    %swap3A_726 = arith.constant 16 : index
    %swap3A_727 = tpu.vector_load %arg11[%swap3A_726] {strides = array<i32>} : memref<512xf32, #tpu.memory_space<vmem>>, vector<16xf32>,
    tpu.vector_store %arg11[%swap3A_726], %gather3A_725 {strides = array<i32>} : memref<512xf32, #tpu.memory_space<vmem>>, vector<16xf32>,
    %get3A_728 = arith.constant 32 : index
    %get3A_729 = tpu.vector_load %arg10[%get3A_728] {strides = array<i32>} : memref<512xi32, #tpu.memory_space<vmem>>, vector<16xi32>,
    %gather3A_730 = tpu.vector_load_idx %arg9[%get3A_729] : memref<16384xf32, #tpu.memory_space<vmem>>[vector<16xi32>], vector<16xf32>,
    %swap3A_731 = arith.constant 32 : index
    %swap3A_732 = tpu.vector_load %arg11[%swap3A_731] {strides = array<i32>} : memref<512xf32, #tpu.memory_space<vmem>>, vector<16xf32>,
    tpu.vector_store %arg11[%swap3A_731], %gather3A_730 {strides = array<i32>} : memref<512xf32, #tpu.memory_space<vmem>>, vector<16xf32>,
    %get3A_733 = arith.constant 48 : index
    %get3A_734 = tpu.vector_load %arg10[%get3A_733] {strides = array<i32>} : memref<512xi32, #tpu.memory_space<vmem>>, vector<16xi32>,
    %gather3A_735 = tpu.vector_load_idx %arg9[%get3A_734] : memref<16384xf32, #tpu.memory_space<vmem>>[vector<16xi32>], vector<16xf32>,
    %swap3A_736 = arith.constant 48 : index
    %swap3A_737 = tpu.vector_load %arg11[%swap3A_736] {strides = array<i32>} : memref<512xf32, #tpu.memory_space<vmem>>, vector<16xf32>,
    tpu.vector_store %arg11[%swap3A_736], %gather3A_735 {strides = array<i32>} : memref<512xf32, #tpu.memory_space<vmem>>, vector<16xf32>,
    %get3A_738 = arith.constant 64 : index
    %get3A_739 = tpu.vector_load %arg10[%get3A_738] {strides = array<i32>} : memref<512xi32, #tpu.memory_space<vmem>>, vector<16xi32>,
    %gather3A_740 = tpu.vector_load_idx %arg9[%get3A_739] : memref<16384xf32, #tpu.memory_space<vmem>>[vector<16xi32>], vector<16xf32>,
    %swap3A_741 = arith.constant 64 : index
    %swap3A_742 = tpu.vector_load %arg11[%swap3A_741] {strides = array<i32>} : memref<512xf32, #tpu.memory_space<vmem>>, vector<16xf32>,
    tpu.vector_store %arg11[%swap3A_741], %gather3A_740 {strides = array<i32>} : memref<512xf32, #tpu.memory_space<vmem>>, vector<16xf32>,
    %get3A_743 = arith.constant 80 : index
    %get3A_744 = tpu.vector_load %arg10[%get3A_743] {strides = array<i32>} : memref<512xi32, #tpu.memory_space<vmem>>, vector<16xi32>,
    %gather3A_745 = tpu.vector_load_idx %arg9[%get3A_744] : memref<16384xf32, #tpu.memory_space<vmem>>[vector<16xi32>], vector<16xf32>,
    %swap3A_746 = arith.constant 80 : index
    %swap3A_747 = tpu.vector_load %arg11[%swap3A_746] {strides = array<i32>} : memref<512xf32, #tpu.memory_space<vmem>>, vector<16xf32>,
    tpu.vector_store %arg11[%swap3A_746], %gather3A_745 {strides = array<i32>} : memref<512xf32, #tpu.memory_space<vmem>>, vector<16xf32>,
    %get3A_748 = arith.constant 96 : index
    %get3A_749 = tpu.vector_load %arg10[%get3A_748] {strides = array<i32>} : memref<512xi32, #tpu.memory_space<vmem>>, vector<16xi32>,
    %gather3A_750 = tpu.vector_load_idx %arg9[%get3A_749] : memref<16384xf32, #tpu.memory_space<vmem>>[vector<16xi32>], vector<16xf32>,
    %swap3A_751 = arith.constant 96 : index
    %swap3A_752 = tpu.vector_load %arg11[%swap3A_751] {strides = array<i32>} : memref<512xf32, #tpu.memory_space<vmem>>, vector<16xf32>,
    tpu.vector_store %arg11[%swap3A_751], %gather3A_750 {strides = array<i32>} : memref<512xf32, #tpu.memory_space<vmem>>, vector<16xf32>,
    %get3A_753 = arith.constant 112 : index
    %get3A_754 = tpu.vector_load %arg10[%get3A_753] {strides = array<i32>} : memref<512xi32, #tpu.memory_space<vmem>>, vector<16xi32>,
    %gather3A_755 = tpu.vector_load_idx %arg9[%get3A_754] : memref<16384xf32, #tpu.memory_space<vmem>>[vector<16xi32>], vector<16xf32>,
    %swap3A_756 = arith.constant 112 : index
    %swap3A_757 = tpu.vector_load %arg11[%swap3A_756] {strides = array<i32>} : memref<512xf32, #tpu.memory_space<vmem>>, vector<16xf32>,
    tpu.vector_store %arg11[%swap3A_756], %gather3A_755 {strides = array<i32>} : memref<512xf32, #tpu.memory_space<vmem>>, vector<16xf32>,
    %get3A_758 = arith.constant 128 : index
    %get3A_759 = tpu.vector_load %arg10[%get3A_758] {strides = array<i32>} : memref<512xi32, #tpu.memory_space<vmem>>, vector<16xi32>,
    %gather3A_760 = tpu.vector_load_idx %arg9[%get3A_759] : memref<16384xf32, #tpu.memory_space<vmem>>[vector<16xi32>], vector<16xf32>,
    %swap3A_761 = arith.constant 128 : index
    %swap3A_762 = tpu.vector_load %arg11[%swap3A_761] {strides = array<i32>} : memref<512xf32, #tpu.memory_space<vmem>>, vector<16xf32>,
    tpu.vector_store %arg11[%swap3A_761], %gather3A_760 {strides = array<i32>} : memref<512xf32, #tpu.memory_space<vmem>>, vector<16xf32>,
    %get3A_763 = arith.constant 144 : index
    %get3A_764 = tpu.vector_load %arg10[%get3A_763] {strides = array<i32>} : memref<512xi32, #tpu.memory_space<vmem>>, vector<16xi32>,
    %gather3A_765 = tpu.vector_load_idx %arg9[%get3A_764] : memref<16384xf32, #tpu.memory_space<vmem>>[vector<16xi32>], vector<16xf32>,
    %swap3A_766 = arith.constant 144 : index
    %swap3A_767 = tpu.vector_load %arg11[%swap3A_766] {strides = array<i32>} : memref<512xf32, #tpu.memory_space<vmem>>, vector<16xf32>,
    tpu.vector_store %arg11[%swap3A_766], %gather3A_765 {strides = array<i32>} : memref<512xf32, #tpu.memory_space<vmem>>, vector<16xf32>,
    %get3A_768 = arith.constant 160 : index
    %get3A_769 = tpu.vector_load %arg10[%get3A_768] {strides = array<i32>} : memref<512xi32, #tpu.memory_space<vmem>>, vector<16xi32>,
    %gather3A_770 = tpu.vector_load_idx %arg9[%get3A_769] : memref<16384xf32, #tpu.memory_space<vmem>>[vector<16xi32>], vector<16xf32>,
    %swap3A_771 = arith.constant 160 : index
    %swap3A_772 = tpu.vector_load %arg11[%swap3A_771] {strides = array<i32>} : memref<512xf32, #tpu.memory_space<vmem>>, vector<16xf32>,
    tpu.vector_store %arg11[%swap3A_771], %gather3A_770 {strides = array<i32>} : memref<512xf32, #tpu.memory_space<vmem>>, vector<16xf32>,
    %get3A_773 = arith.constant 176 : index
    %get3A_774 = tpu.vector_load %arg10[%get3A_773] {strides = array<i32>} : memref<512xi32, #tpu.memory_space<vmem>>, vector<16xi32>,
    %gather3A_775 = tpu.vector_load_idx %arg9[%get3A_774] : memref<16384xf32, #tpu.memory_space<vmem>>[vector<16xi32>], vector<16xf32>,
    %swap3A_776 = arith.constant 176 : index
    %swap3A_777 = tpu.vector_load %arg11[%swap3A_776] {strides = array<i32>} : memref<512xf32, #tpu.memory_space<vmem>>, vector<16xf32>,
    tpu.vector_store %arg11[%swap3A_776], %gather3A_775 {strides = array<i32>} : memref<512xf32, #tpu.memory_space<vmem>>, vector<16xf32>,
    %get3A_778 = arith.constant 192 : index
    %get3A_779 = tpu.vector_load %arg10[%get3A_778] {strides = array<i32>} : memref<512xi32, #tpu.memory_space<vmem>>, vector<16xi32>,
    %gather3A_780 = tpu.vector_load_idx %arg9[%get3A_779] : memref<16384xf32, #tpu.memory_space<vmem>>[vector<16xi32>], vector<16xf32>,
    %swap3A_781 = arith.constant 192 : index
    %swap3A_782 = tpu.vector_load %arg11[%swap3A_781] {strides = array<i32>} : memref<512xf32, #tpu.memory_space<vmem>>, vector<16xf32>,
    tpu.vector_store %arg11[%swap3A_781], %gather3A_780 {strides = array<i32>} : memref<512xf32, #tpu.memory_space<vmem>>, vector<16xf32>,
    %get3A_783 = arith.constant 208 : index
    %get3A_784 = tpu.vector_load %arg10[%get3A_783] {strides = array<i32>} : memref<512xi32, #tpu.memory_space<vmem>>, vector<16xi32>,
    %gather3A_785 = tpu.vector_load_idx %arg9[%get3A_784] : memref<16384xf32, #tpu.memory_space<vmem>>[vector<16xi32>], vector<16xf32>,
    %swap3A_786 = arith.constant 208 : index
    %swap3A_787 = tpu.vector_load %arg11[%swap3A_786] {strides = array<i32>} : memref<512xf32, #tpu.memory_space<vmem>>, vector<16xf32>,
    tpu.vector_store %arg11[%swap3A_786], %gather3A_785 {strides = array<i32>} : memref<512xf32, #tpu.memory_space<vmem>>, vector<16xf32>,
    %get3A_788 = arith.constant 224 : index
    %get3A_789 = tpu.vector_load %arg10[%get3A_788] {strides = array<i32>} : memref<512xi32, #tpu.memory_space<vmem>>, vector<16xi32>,
    %gather3A_790 = tpu.vector_load_idx %arg9[%get3A_789] : memref<16384xf32, #tpu.memory_space<vmem>>[vector<16xi32>], vector<16xf32>,
    %swap3A_791 = arith.constant 224 : index
    %swap3A_792 = tpu.vector_load %arg11[%swap3A_791] {strides = array<i32>} : memref<512xf32, #tpu.memory_space<vmem>>, vector<16xf32>,
    tpu.vector_store %arg11[%swap3A_791], %gather3A_790 {strides = array<i32>} : memref<512xf32, #tpu.memory_space<vmem>>, vector<16xf32>,
    %get3A_793 = arith.constant 240 : index
    %get3A_794 = tpu.vector_load %arg10[%get3A_793] {strides = array<i32>} : memref<512xi32, #tpu.memory_space<vmem>>, vector<16xi32>,
    %gather3A_795 = tpu.vector_load_idx %arg9[%get3A_794] : memref<16384xf32, #tpu.memory_space<vmem>>[vector<16xi32>], vector<16xf32>,
    %swap3A_796 = arith.constant 240 : index
    %swap3A_797 = tpu.vector_load %arg11[%swap3A_796] {strides = array<i32>} : memref<512xf32, #tpu.memory_space<vmem>>, vector<16xf32>,
    tpu.vector_store %arg11[%swap3A_796], %gather3A_795 {strides = array<i32>} : memref<512xf32, #tpu.memory_space<vmem>>, vector<16xf32>,
    %get3A_798 = arith.constant 256 : index
    %get3A_799 = tpu.vector_load %arg10[%get3A_798] {strides = array<i32>} : memref<512xi32, #tpu.memory_space<vmem>>, vector<16xi32>,
    %gather3A_800 = tpu.vector_load_idx %arg9[%get3A_799] : memref<16384xf32, #tpu.memory_space<vmem>>[vector<16xi32>], vector<16xf32>,
    %swap3A_801 = arith.constant 256 : index
    %swap3A_802 = tpu.vector_load %arg11[%swap3A_801] {strides = array<i32>} : memref<512xf32, #tpu.memory_space<vmem>>, vector<16xf32>,
    tpu.vector_store %arg11[%swap3A_801], %gather3A_800 {strides = array<i32>} : memref<512xf32, #tpu.memory_space<vmem>>, vector<16xf32>,
    %get3A_803 = arith.constant 272 : index
    %get3A_804 = tpu.vector_load %arg10[%get3A_803] {strides = array<i32>} : memref<512xi32, #tpu.memory_space<vmem>>, vector<16xi32>,
    %gather3A_805 = tpu.vector_load_idx %arg9[%get3A_804] : memref<16384xf32, #tpu.memory_space<vmem>>[vector<16xi32>], vector<16xf32>,
    %swap3A_806 = arith.constant 272 : index
    %swap3A_807 = tpu.vector_load %arg11[%swap3A_806] {strides = array<i32>} : memref<512xf32, #tpu.memory_space<vmem>>, vector<16xf32>,
    tpu.vector_store %arg11[%swap3A_806], %gather3A_805 {strides = array<i32>} : memref<512xf32, #tpu.memory_space<vmem>>, vector<16xf32>,
    %get3A_808 = arith.constant 288 : index
    %get3A_809 = tpu.vector_load %arg10[%get3A_808] {strides = array<i32>} : memref<512xi32, #tpu.memory_space<vmem>>, vector<16xi32>,
    %gather3A_810 = tpu.vector_load_idx %arg9[%get3A_809] : memref<16384xf32, #tpu.memory_space<vmem>>[vector<16xi32>], vector<16xf32>,
    %swap3A_811 = arith.constant 288 : index
    %swap3A_812 = tpu.vector_load %arg11[%swap3A_811] {strides = array<i32>} : memref<512xf32, #tpu.memory_space<vmem>>, vector<16xf32>,
    tpu.vector_store %arg11[%swap3A_811], %gather3A_810 {strides = array<i32>} : memref<512xf32, #tpu.memory_space<vmem>>, vector<16xf32>,
    %get3A_813 = arith.constant 304 : index
    %get3A_814 = tpu.vector_load %arg10[%get3A_813] {strides = array<i32>} : memref<512xi32, #tpu.memory_space<vmem>>, vector<16xi32>,
    %gather3A_815 = tpu.vector_load_idx %arg9[%get3A_814] : memref<16384xf32, #tpu.memory_space<vmem>>[vector<16xi32>], vector<16xf32>,
    %swap3A_816 = arith.constant 304 : index
    %swap3A_817 = tpu.vector_load %arg11[%swap3A_816] {strides = array<i32>} : memref<512xf32, #tpu.memory_space<vmem>>, vector<16xf32>,
    tpu.vector_store %arg11[%swap3A_816], %gather3A_815 {strides = array<i32>} : memref<512xf32, #tpu.memory_space<vmem>>, vector<16xf32>,
    %get3A_818 = arith.constant 320 : index
    %get3A_819 = tpu.vector_load %arg10[%get3A_818] {strides = array<i32>} : memref<512xi32, #tpu.memory_space<vmem>>, vector<16xi32>,
    %gather3A_820 = tpu.vector_load_idx %arg9[%get3A_819] : memref<16384xf32, #tpu.memory_space<vmem>>[vector<16xi32>], vector<16xf32>,
    %swap3A_821 = arith.constant 320 : index
    %swap3A_822 = tpu.vector_load %arg11[%swap3A_821] {strides = array<i32>} : memref<512xf32, #tpu.memory_space<vmem>>, vector<16xf32>,
    tpu.vector_store %arg11[%swap3A_821], %gather3A_820 {strides = array<i32>} : memref<512xf32, #tpu.memory_space<vmem>>, vector<16xf32>,
    %get3A_823 = arith.constant 336 : index
    %get3A_824 = tpu.vector_load %arg10[%get3A_823] {strides = array<i32>} : memref<512xi32, #tpu.memory_space<vmem>>, vector<16xi32>,
    %gather3A_825 = tpu.vector_load_idx %arg9[%get3A_824] : memref<16384xf32, #tpu.memory_space<vmem>>[vector<16xi32>], vector<16xf32>,
    %swap3A_826 = arith.constant 336 : index
    %swap3A_827 = tpu.vector_load %arg11[%swap3A_826] {strides = array<i32>} : memref<512xf32, #tpu.memory_space<vmem>>, vector<16xf32>,
    tpu.vector_store %arg11[%swap3A_826], %gather3A_825 {strides = array<i32>} : memref<512xf32, #tpu.memory_space<vmem>>, vector<16xf32>,
    %get3A_828 = arith.constant 352 : index
    %get3A_829 = tpu.vector_load %arg10[%get3A_828] {strides = array<i32>} : memref<512xi32, #tpu.memory_space<vmem>>, vector<16xi32>,
    %gather3A_830 = tpu.vector_load_idx %arg9[%get3A_829] : memref<16384xf32, #tpu.memory_space<vmem>>[vector<16xi32>], vector<16xf32>,
    %swap3A_831 = arith.constant 352 : index
    %swap3A_832 = tpu.vector_load %arg11[%swap3A_831] {strides = array<i32>} : memref<512xf32, #tpu.memory_space<vmem>>, vector<16xf32>,
    tpu.vector_store %arg11[%swap3A_831], %gather3A_830 {strides = array<i32>} : memref<512xf32, #tpu.memory_space<vmem>>, vector<16xf32>,
    %get3A_833 = arith.constant 368 : index
    %get3A_834 = tpu.vector_load %arg10[%get3A_833] {strides = array<i32>} : memref<512xi32, #tpu.memory_space<vmem>>, vector<16xi32>,
    %gather3A_835 = tpu.vector_load_idx %arg9[%get3A_834] : memref<16384xf32, #tpu.memory_space<vmem>>[vector<16xi32>], vector<16xf32>,
    %swap3A_836 = arith.constant 368 : index
    %swap3A_837 = tpu.vector_load %arg11[%swap3A_836] {strides = array<i32>} : memref<512xf32, #tpu.memory_space<vmem>>, vector<16xf32>,
    tpu.vector_store %arg11[%swap3A_836], %gather3A_835 {strides = array<i32>} : memref<512xf32, #tpu.memory_space<vmem>>, vector<16xf32>,
    %get3A_838 = arith.constant 384 : index
    %get3A_839 = tpu.vector_load %arg10[%get3A_838] {strides = array<i32>} : memref<512xi32, #tpu.memory_space<vmem>>, vector<16xi32>,
    %gather3A_840 = tpu.vector_load_idx %arg9[%get3A_839] : memref<16384xf32, #tpu.memory_space<vmem>>[vector<16xi32>], vector<16xf32>,
    %swap3A_841 = arith.constant 384 : index
    %swap3A_842 = tpu.vector_load %arg11[%swap3A_841] {strides = array<i32>} : memref<512xf32, #tpu.memory_space<vmem>>, vector<16xf32>,
    tpu.vector_store %arg11[%swap3A_841], %gather3A_840 {strides = array<i32>} : memref<512xf32, #tpu.memory_space<vmem>>, vector<16xf32>,
    %get3A_843 = arith.constant 400 : index
    %get3A_844 = tpu.vector_load %arg10[%get3A_843] {strides = array<i32>} : memref<512xi32, #tpu.memory_space<vmem>>, vector<16xi32>,
    %gather3A_845 = tpu.vector_load_idx %arg9[%get3A_844] : memref<16384xf32, #tpu.memory_space<vmem>>[vector<16xi32>], vector<16xf32>,
    %swap3A_846 = arith.constant 400 : index
    %swap3A_847 = tpu.vector_load %arg11[%swap3A_846] {strides = array<i32>} : memref<512xf32, #tpu.memory_space<vmem>>, vector<16xf32>,
    tpu.vector_store %arg11[%swap3A_846], %gather3A_845 {strides = array<i32>} : memref<512xf32, #tpu.memory_space<vmem>>, vector<16xf32>,
    %get3A_848 = arith.constant 416 : index
    %get3A_849 = tpu.vector_load %arg10[%get3A_848] {strides = array<i32>} : memref<512xi32, #tpu.memory_space<vmem>>, vector<16xi32>,
    %gather3A_850 = tpu.vector_load_idx %arg9[%get3A_849] : memref<16384xf32, #tpu.memory_space<vmem>>[vector<16xi32>], vector<16xf32>,
    %swap3A_851 = arith.constant 416 : index
    %swap3A_852 = tpu.vector_load %arg11[%swap3A_851] {strides = array<i32>} : memref<512xf32, #tpu.memory_space<vmem>>, vector<16xf32>,
    tpu.vector_store %arg11[%swap3A_851], %gather3A_850 {strides = array<i32>} : memref<512xf32, #tpu.memory_space<vmem>>, vector<16xf32>,
    %get3A_853 = arith.constant 432 : index
    %get3A_854 = tpu.vector_load %arg10[%get3A_853] {strides = array<i32>} : memref<512xi32, #tpu.memory_space<vmem>>, vector<16xi32>,
    %gather3A_855 = tpu.vector_load_idx %arg9[%get3A_854] : memref<16384xf32, #tpu.memory_space<vmem>>[vector<16xi32>], vector<16xf32>,
    %swap3A_856 = arith.constant 432 : index
    %swap3A_857 = tpu.vector_load %arg11[%swap3A_856] {strides = array<i32>} : memref<512xf32, #tpu.memory_space<vmem>>, vector<16xf32>,
    tpu.vector_store %arg11[%swap3A_856], %gather3A_855 {strides = array<i32>} : memref<512xf32, #tpu.memory_space<vmem>>, vector<16xf32>,
    %get3A_858 = arith.constant 448 : index
    %get3A_859 = tpu.vector_load %arg10[%get3A_858] {strides = array<i32>} : memref<512xi32, #tpu.memory_space<vmem>>, vector<16xi32>,
    %gather3A_860 = tpu.vector_load_idx %arg9[%get3A_859] : memref<16384xf32, #tpu.memory_space<vmem>>[vector<16xi32>], vector<16xf32>,
    %swap3A_861 = arith.constant 448 : index
    %swap3A_862 = tpu.vector_load %arg11[%swap3A_861] {strides = array<i32>} : memref<512xf32, #tpu.memory_space<vmem>>, vector<16xf32>,
    tpu.vector_store %arg11[%swap3A_861], %gather3A_860 {strides = array<i32>} : memref<512xf32, #tpu.memory_space<vmem>>, vector<16xf32>,
    %get3A_863 = arith.constant 464 : index
    %get3A_864 = tpu.vector_load %arg10[%get3A_863] {strides = array<i32>} : memref<512xi32, #tpu.memory_space<vmem>>, vector<16xi32>,
    %gather3A_865 = tpu.vector_load_idx %arg9[%get3A_864] : memref<16384xf32, #tpu.memory_space<vmem>>[vector<16xi32>], vector<16xf32>,
    %swap3A_866 = arith.constant 464 : index
    %swap3A_867 = tpu.vector_load %arg11[%swap3A_866] {strides = array<i32>} : memref<512xf32, #tpu.memory_space<vmem>>, vector<16xf32>,
    tpu.vector_store %arg11[%swap3A_866], %gather3A_865 {strides = array<i32>} : memref<512xf32, #tpu.memory_space<vmem>>, vector<16xf32>,
    %get3A_868 = arith.constant 480 : index
    %get3A_869 = tpu.vector_load %arg10[%get3A_868] {strides = array<i32>} : memref<512xi32, #tpu.memory_space<vmem>>, vector<16xi32>,
    %gather3A_870 = tpu.vector_load_idx %arg9[%get3A_869] : memref<16384xf32, #tpu.memory_space<vmem>>[vector<16xi32>], vector<16xf32>,
    %swap3A_871 = arith.constant 480 : index
    %swap3A_872 = tpu.vector_load %arg11[%swap3A_871] {strides = array<i32>} : memref<512xf32, #tpu.memory_space<vmem>>, vector<16xf32>,
    tpu.vector_store %arg11[%swap3A_871], %gather3A_870 {strides = array<i32>} : memref<512xf32, #tpu.memory_space<vmem>>, vector<16xf32>,
    %get3A_873 = arith.constant 496 : index
    %get3A_874 = tpu.vector_load %arg10[%get3A_873] {strides = array<i32>} : memref<512xi32, #tpu.memory_space<vmem>>, vector<16xi32>,
    %gather3A_875 = tpu.vector_load_idx %arg9[%get3A_874] : memref<16384xf32, #tpu.memory_space<vmem>>[vector<16xi32>], vector<16xf32>,
    %swap3A_876 = arith.constant 496 : index
    %swap3A_877 = tpu.vector_load %arg11[%swap3A_876] {strides = array<i32>} : memref<512xf32, #tpu.memory_space<vmem>>, vector<16xf32>,
    tpu.vector_store %arg11[%swap3A_876], %gather3A_875 {strides = array<i32>} : memref<512xf32, #tpu.memory_space<vmem>>, vector<16xf32>,
    "tpu.region"() ({
      %run_scoped3A = tpu.sem_alloc : memref<!tpu.dma_semaphore, #tpu.memory_space<semaphore_mem>>
      %dma_start3A = arith.constant 0 : i32
      %dma_start3A_1047 = tpu.memref_slice %arg6[%add3A_717, %dma_start3A] : memref<160x512xf32, #tpu.memory_space<hbm>> -> memref<1x512xf32, #tpu.memory_space<hbm>>
      %dma_start3A_1048 = tpu.memref_squeeze %dma_start3A_1047 : memref<1x512xf32, #tpu.memory_space<hbm>> -> memref<512xf32, #tpu.memory_space<hbm>>
      %dma_start3A_1049 = arith.constant 0 : i32
      %dma_start3A_1050 = tpu.memref_slice %arg6[%add3A_717, %dma_start3A_1049] : memref<160x512xf32, #tpu.memory_space<hbm>> -> memref<1x512xf32, #tpu.memory_space<hbm>>
      %dma_start3A_1051 = tpu.memref_squeeze %dma_start3A_1050 : memref<1x512xf32, #tpu.memory_space<hbm>> -> memref<512xf32, #tpu.memory_space<hbm>>
      tpu.enqueue_dma source(%arg11 : memref<512xf32, #tpu.memory_space<vmem>>) target(%dma_start3A_1051 : memref<512xf32, #tpu.memory_space<hbm>>) target_semaphore(%run_scoped3A : memref<!tpu.dma_semaphore, #tpu.memory_space<semaphore_mem>>)
      %dma_wait3A = arith.constant 0 : i32
      %dma_wait3A_1052 = tpu.memref_slice %arg6[%add3A_717, %dma_wait3A] : memref<160x512xf32, #tpu.memory_space<hbm>> -> memref<1x512xf32, #tpu.memory_space<hbm>>
      %dma_wait3A_1053 = tpu.memref_squeeze %dma_wait3A_1052 : memref<1x512xf32, #tpu.memory_space<hbm>> -> memref<512xf32, #tpu.memory_space<hbm>>
      %dma_wait3A_1054 = arith.constant 0 : i32
      %dma_wait3A_1055 = tpu.memref_slice %arg6[%add3A_717, %dma_wait3A_1054] : memref<160x512xf32, #tpu.memory_space<hbm>> -> memref<1x512xf32, #tpu.memory_space<hbm>>
      %dma_wait3A_1056 = tpu.memref_squeeze %dma_wait3A_1055 : memref<1x512xf32, #tpu.memory_space<hbm>> -> memref<512xf32, #tpu.memory_space<hbm>>
      tpu.wait_dma2 semaphore(%run_scoped3A : memref<!tpu.dma_semaphore, #tpu.memory_space<semaphore_mem>>) src(%arg11 : memref<512xf32, #tpu.memory_space<vmem>>) dst(%dma_wait3A_1056 : memref<512xf32, #tpu.memory_space<hbm>>)
      tpu.yield
    }) : () -> ()
    %mul3A_878 = arith.constant 2 : i32
    %mul3A_879 = arith.muli %select_n3A, %mul3A_878 : i32
    %add3A_880 = arith.addi %mul3A_879, %select_n3A_30 : i32
    %mul3A_881 = arith.constant 2 : i32
    %mul3A_882 = arith.muli %select_n3A, %mul3A_881 : i32
    %add3A_883 = arith.addi %mul3A_882, %select_n3A_30 : i32
    "tpu.region"() ({
      %run_scoped3A = tpu.sem_alloc : memref<!tpu.dma_semaphore, #tpu.memory_space<semaphore_mem>>
      %dma_start3A = arith.constant 0 : i32
      %dma_start3A_1047 = tpu.memref_slice %arg3[%add3A_880, %dma_start3A] : memref<32x16384xf32, #tpu.memory_space<hbm>> -> memref<1x16384xf32, #tpu.memory_space<hbm>>
      %dma_start3A_1048 = tpu.memref_squeeze %dma_start3A_1047 : memref<1x16384xf32, #tpu.memory_space<hbm>> -> memref<16384xf32, #tpu.memory_space<hbm>>
      %dma_start3A_1049 = arith.constant 0 : i32
      %dma_start3A_1050 = tpu.memref_slice %arg3[%add3A_880, %dma_start3A_1049] : memref<32x16384xf32, #tpu.memory_space<hbm>> -> memref<1x16384xf32, #tpu.memory_space<hbm>>
      %dma_start3A_1051 = tpu.memref_squeeze %dma_start3A_1050 : memref<1x16384xf32, #tpu.memory_space<hbm>> -> memref<16384xf32, #tpu.memory_space<hbm>>
      tpu.enqueue_dma source(%dma_start3A_1051 : memref<16384xf32, #tpu.memory_space<hbm>>) target(%arg9 : memref<16384xf32, #tpu.memory_space<vmem>>) target_semaphore(%run_scoped3A : memref<!tpu.dma_semaphore, #tpu.memory_space<semaphore_mem>>)
      %dma_wait3A = arith.constant 0 : i32
      %dma_wait3A_1052 = tpu.memref_slice %arg3[%add3A_880, %dma_wait3A] : memref<32x16384xf32, #tpu.memory_space<hbm>> -> memref<1x16384xf32, #tpu.memory_space<hbm>>
      %dma_wait3A_1053 = tpu.memref_squeeze %dma_wait3A_1052 : memref<1x16384xf32, #tpu.memory_space<hbm>> -> memref<16384xf32, #tpu.memory_space<hbm>>
      %dma_wait3A_1054 = arith.constant 0 : i32
      %dma_wait3A_1055 = tpu.memref_slice %arg3[%add3A_880, %dma_wait3A_1054] : memref<32x16384xf32, #tpu.memory_space<hbm>> -> memref<1x16384xf32, #tpu.memory_space<hbm>>
      %dma_wait3A_1056 = tpu.memref_squeeze %dma_wait3A_1055 : memref<1x16384xf32, #tpu.memory_space<hbm>> -> memref<16384xf32, #tpu.memory_space<hbm>>
      tpu.wait_dma2 semaphore(%run_scoped3A : memref<!tpu.dma_semaphore, #tpu.memory_space<semaphore_mem>>) src(%dma_wait3A_1056 : memref<16384xf32, #tpu.memory_space<hbm>>) dst(%arg9 : memref<16384xf32, #tpu.memory_space<vmem>>)
      tpu.yield
    }) : () -> ()
    %get3A_884 = arith.constant 0 : index
    %get3A_885 = tpu.vector_load %arg10[%get3A_884] {strides = array<i32>} : memref<512xi32, #tpu.memory_space<vmem>>, vector<16xi32>,
    %gather3A_886 = tpu.vector_load_idx %arg9[%get3A_885] : memref<16384xf32, #tpu.memory_space<vmem>>[vector<16xi32>], vector<16xf32>,
    %swap3A_887 = arith.constant 0 : index
    %swap3A_888 = tpu.vector_load %arg11[%swap3A_887] {strides = array<i32>} : memref<512xf32, #tpu.memory_space<vmem>>, vector<16xf32>,
    tpu.vector_store %arg11[%swap3A_887], %gather3A_886 {strides = array<i32>} : memref<512xf32, #tpu.memory_space<vmem>>, vector<16xf32>,
    %get3A_889 = arith.constant 16 : index
    %get3A_890 = tpu.vector_load %arg10[%get3A_889] {strides = array<i32>} : memref<512xi32, #tpu.memory_space<vmem>>, vector<16xi32>,
    %gather3A_891 = tpu.vector_load_idx %arg9[%get3A_890] : memref<16384xf32, #tpu.memory_space<vmem>>[vector<16xi32>], vector<16xf32>,
    %swap3A_892 = arith.constant 16 : index
    %swap3A_893 = tpu.vector_load %arg11[%swap3A_892] {strides = array<i32>} : memref<512xf32, #tpu.memory_space<vmem>>, vector<16xf32>,
    tpu.vector_store %arg11[%swap3A_892], %gather3A_891 {strides = array<i32>} : memref<512xf32, #tpu.memory_space<vmem>>, vector<16xf32>,
    %get3A_894 = arith.constant 32 : index
    %get3A_895 = tpu.vector_load %arg10[%get3A_894] {strides = array<i32>} : memref<512xi32, #tpu.memory_space<vmem>>, vector<16xi32>,
    %gather3A_896 = tpu.vector_load_idx %arg9[%get3A_895] : memref<16384xf32, #tpu.memory_space<vmem>>[vector<16xi32>], vector<16xf32>,
    %swap3A_897 = arith.constant 32 : index
    %swap3A_898 = tpu.vector_load %arg11[%swap3A_897] {strides = array<i32>} : memref<512xf32, #tpu.memory_space<vmem>>, vector<16xf32>,
    tpu.vector_store %arg11[%swap3A_897], %gather3A_896 {strides = array<i32>} : memref<512xf32, #tpu.memory_space<vmem>>, vector<16xf32>,
    %get3A_899 = arith.constant 48 : index
    %get3A_900 = tpu.vector_load %arg10[%get3A_899] {strides = array<i32>} : memref<512xi32, #tpu.memory_space<vmem>>, vector<16xi32>,
    %gather3A_901 = tpu.vector_load_idx %arg9[%get3A_900] : memref<16384xf32, #tpu.memory_space<vmem>>[vector<16xi32>], vector<16xf32>,
    %swap3A_902 = arith.constant 48 : index
    %swap3A_903 = tpu.vector_load %arg11[%swap3A_902] {strides = array<i32>} : memref<512xf32, #tpu.memory_space<vmem>>, vector<16xf32>,
    tpu.vector_store %arg11[%swap3A_902], %gather3A_901 {strides = array<i32>} : memref<512xf32, #tpu.memory_space<vmem>>, vector<16xf32>,
    %get3A_904 = arith.constant 64 : index
    %get3A_905 = tpu.vector_load %arg10[%get3A_904] {strides = array<i32>} : memref<512xi32, #tpu.memory_space<vmem>>, vector<16xi32>,
    %gather3A_906 = tpu.vector_load_idx %arg9[%get3A_905] : memref<16384xf32, #tpu.memory_space<vmem>>[vector<16xi32>], vector<16xf32>,
    %swap3A_907 = arith.constant 64 : index
    %swap3A_908 = tpu.vector_load %arg11[%swap3A_907] {strides = array<i32>} : memref<512xf32, #tpu.memory_space<vmem>>, vector<16xf32>,
    tpu.vector_store %arg11[%swap3A_907], %gather3A_906 {strides = array<i32>} : memref<512xf32, #tpu.memory_space<vmem>>, vector<16xf32>,
    %get3A_909 = arith.constant 80 : index
    %get3A_910 = tpu.vector_load %arg10[%get3A_909] {strides = array<i32>} : memref<512xi32, #tpu.memory_space<vmem>>, vector<16xi32>,
    %gather3A_911 = tpu.vector_load_idx %arg9[%get3A_910] : memref<16384xf32, #tpu.memory_space<vmem>>[vector<16xi32>], vector<16xf32>,
    %swap3A_912 = arith.constant 80 : index
    %swap3A_913 = tpu.vector_load %arg11[%swap3A_912] {strides = array<i32>} : memref<512xf32, #tpu.memory_space<vmem>>, vector<16xf32>,
    tpu.vector_store %arg11[%swap3A_912], %gather3A_911 {strides = array<i32>} : memref<512xf32, #tpu.memory_space<vmem>>, vector<16xf32>,
    %get3A_914 = arith.constant 96 : index
    %get3A_915 = tpu.vector_load %arg10[%get3A_914] {strides = array<i32>} : memref<512xi32, #tpu.memory_space<vmem>>, vector<16xi32>,
    %gather3A_916 = tpu.vector_load_idx %arg9[%get3A_915] : memref<16384xf32, #tpu.memory_space<vmem>>[vector<16xi32>], vector<16xf32>,
    %swap3A_917 = arith.constant 96 : index
    %swap3A_918 = tpu.vector_load %arg11[%swap3A_917] {strides = array<i32>} : memref<512xf32, #tpu.memory_space<vmem>>, vector<16xf32>,
    tpu.vector_store %arg11[%swap3A_917], %gather3A_916 {strides = array<i32>} : memref<512xf32, #tpu.memory_space<vmem>>, vector<16xf32>,
    %get3A_919 = arith.constant 112 : index
    %get3A_920 = tpu.vector_load %arg10[%get3A_919] {strides = array<i32>} : memref<512xi32, #tpu.memory_space<vmem>>, vector<16xi32>,
    %gather3A_921 = tpu.vector_load_idx %arg9[%get3A_920] : memref<16384xf32, #tpu.memory_space<vmem>>[vector<16xi32>], vector<16xf32>,
    %swap3A_922 = arith.constant 112 : index
    %swap3A_923 = tpu.vector_load %arg11[%swap3A_922] {strides = array<i32>} : memref<512xf32, #tpu.memory_space<vmem>>, vector<16xf32>,
    tpu.vector_store %arg11[%swap3A_922], %gather3A_921 {strides = array<i32>} : memref<512xf32, #tpu.memory_space<vmem>>, vector<16xf32>,
    %get3A_924 = arith.constant 128 : index
    %get3A_925 = tpu.vector_load %arg10[%get3A_924] {strides = array<i32>} : memref<512xi32, #tpu.memory_space<vmem>>, vector<16xi32>,
    %gather3A_926 = tpu.vector_load_idx %arg9[%get3A_925] : memref<16384xf32, #tpu.memory_space<vmem>>[vector<16xi32>], vector<16xf32>,
    %swap3A_927 = arith.constant 128 : index
    %swap3A_928 = tpu.vector_load %arg11[%swap3A_927] {strides = array<i32>} : memref<512xf32, #tpu.memory_space<vmem>>, vector<16xf32>,
    tpu.vector_store %arg11[%swap3A_927], %gather3A_926 {strides = array<i32>} : memref<512xf32, #tpu.memory_space<vmem>>, vector<16xf32>,
    %get3A_929 = arith.constant 144 : index
    %get3A_930 = tpu.vector_load %arg10[%get3A_929] {strides = array<i32>} : memref<512xi32, #tpu.memory_space<vmem>>, vector<16xi32>,
    %gather3A_931 = tpu.vector_load_idx %arg9[%get3A_930] : memref<16384xf32, #tpu.memory_space<vmem>>[vector<16xi32>], vector<16xf32>,
    %swap3A_932 = arith.constant 144 : index
    %swap3A_933 = tpu.vector_load %arg11[%swap3A_932] {strides = array<i32>} : memref<512xf32, #tpu.memory_space<vmem>>, vector<16xf32>,
    tpu.vector_store %arg11[%swap3A_932], %gather3A_931 {strides = array<i32>} : memref<512xf32, #tpu.memory_space<vmem>>, vector<16xf32>,
    %get3A_934 = arith.constant 160 : index
    %get3A_935 = tpu.vector_load %arg10[%get3A_934] {strides = array<i32>} : memref<512xi32, #tpu.memory_space<vmem>>, vector<16xi32>,
    %gather3A_936 = tpu.vector_load_idx %arg9[%get3A_935] : memref<16384xf32, #tpu.memory_space<vmem>>[vector<16xi32>], vector<16xf32>,
    %swap3A_937 = arith.constant 160 : index
    %swap3A_938 = tpu.vector_load %arg11[%swap3A_937] {strides = array<i32>} : memref<512xf32, #tpu.memory_space<vmem>>, vector<16xf32>,
    tpu.vector_store %arg11[%swap3A_937], %gather3A_936 {strides = array<i32>} : memref<512xf32, #tpu.memory_space<vmem>>, vector<16xf32>,
    %get3A_939 = arith.constant 176 : index
    %get3A_940 = tpu.vector_load %arg10[%get3A_939] {strides = array<i32>} : memref<512xi32, #tpu.memory_space<vmem>>, vector<16xi32>,
    %gather3A_941 = tpu.vector_load_idx %arg9[%get3A_940] : memref<16384xf32, #tpu.memory_space<vmem>>[vector<16xi32>], vector<16xf32>,
    %swap3A_942 = arith.constant 176 : index
    %swap3A_943 = tpu.vector_load %arg11[%swap3A_942] {strides = array<i32>} : memref<512xf32, #tpu.memory_space<vmem>>, vector<16xf32>,
    tpu.vector_store %arg11[%swap3A_942], %gather3A_941 {strides = array<i32>} : memref<512xf32, #tpu.memory_space<vmem>>, vector<16xf32>,
    %get3A_944 = arith.constant 192 : index
    %get3A_945 = tpu.vector_load %arg10[%get3A_944] {strides = array<i32>} : memref<512xi32, #tpu.memory_space<vmem>>, vector<16xi32>,
    %gather3A_946 = tpu.vector_load_idx %arg9[%get3A_945] : memref<16384xf32, #tpu.memory_space<vmem>>[vector<16xi32>], vector<16xf32>,
    %swap3A_947 = arith.constant 192 : index
    %swap3A_948 = tpu.vector_load %arg11[%swap3A_947] {strides = array<i32>} : memref<512xf32, #tpu.memory_space<vmem>>, vector<16xf32>,
    tpu.vector_store %arg11[%swap3A_947], %gather3A_946 {strides = array<i32>} : memref<512xf32, #tpu.memory_space<vmem>>, vector<16xf32>,
    %get3A_949 = arith.constant 208 : index
    %get3A_950 = tpu.vector_load %arg10[%get3A_949] {strides = array<i32>} : memref<512xi32, #tpu.memory_space<vmem>>, vector<16xi32>,
    %gather3A_951 = tpu.vector_load_idx %arg9[%get3A_950] : memref<16384xf32, #tpu.memory_space<vmem>>[vector<16xi32>], vector<16xf32>,
    %swap3A_952 = arith.constant 208 : index
    %swap3A_953 = tpu.vector_load %arg11[%swap3A_952] {strides = array<i32>} : memref<512xf32, #tpu.memory_space<vmem>>, vector<16xf32>,
    tpu.vector_store %arg11[%swap3A_952], %gather3A_951 {strides = array<i32>} : memref<512xf32, #tpu.memory_space<vmem>>, vector<16xf32>,
    %get3A_954 = arith.constant 224 : index
    %get3A_955 = tpu.vector_load %arg10[%get3A_954] {strides = array<i32>} : memref<512xi32, #tpu.memory_space<vmem>>, vector<16xi32>,
    %gather3A_956 = tpu.vector_load_idx %arg9[%get3A_955] : memref<16384xf32, #tpu.memory_space<vmem>>[vector<16xi32>], vector<16xf32>,
    %swap3A_957 = arith.constant 224 : index
    %swap3A_958 = tpu.vector_load %arg11[%swap3A_957] {strides = array<i32>} : memref<512xf32, #tpu.memory_space<vmem>>, vector<16xf32>,
    tpu.vector_store %arg11[%swap3A_957], %gather3A_956 {strides = array<i32>} : memref<512xf32, #tpu.memory_space<vmem>>, vector<16xf32>,
    %get3A_959 = arith.constant 240 : index
    %get3A_960 = tpu.vector_load %arg10[%get3A_959] {strides = array<i32>} : memref<512xi32, #tpu.memory_space<vmem>>, vector<16xi32>,
    %gather3A_961 = tpu.vector_load_idx %arg9[%get3A_960] : memref<16384xf32, #tpu.memory_space<vmem>>[vector<16xi32>], vector<16xf32>,
    %swap3A_962 = arith.constant 240 : index
    %swap3A_963 = tpu.vector_load %arg11[%swap3A_962] {strides = array<i32>} : memref<512xf32, #tpu.memory_space<vmem>>, vector<16xf32>,
    tpu.vector_store %arg11[%swap3A_962], %gather3A_961 {strides = array<i32>} : memref<512xf32, #tpu.memory_space<vmem>>, vector<16xf32>,
    %get3A_964 = arith.constant 256 : index
    %get3A_965 = tpu.vector_load %arg10[%get3A_964] {strides = array<i32>} : memref<512xi32, #tpu.memory_space<vmem>>, vector<16xi32>,
    %gather3A_966 = tpu.vector_load_idx %arg9[%get3A_965] : memref<16384xf32, #tpu.memory_space<vmem>>[vector<16xi32>], vector<16xf32>,
    %swap3A_967 = arith.constant 256 : index
    %swap3A_968 = tpu.vector_load %arg11[%swap3A_967] {strides = array<i32>} : memref<512xf32, #tpu.memory_space<vmem>>, vector<16xf32>,
    tpu.vector_store %arg11[%swap3A_967], %gather3A_966 {strides = array<i32>} : memref<512xf32, #tpu.memory_space<vmem>>, vector<16xf32>,
    %get3A_969 = arith.constant 272 : index
    %get3A_970 = tpu.vector_load %arg10[%get3A_969] {strides = array<i32>} : memref<512xi32, #tpu.memory_space<vmem>>, vector<16xi32>,
    %gather3A_971 = tpu.vector_load_idx %arg9[%get3A_970] : memref<16384xf32, #tpu.memory_space<vmem>>[vector<16xi32>], vector<16xf32>,
    %swap3A_972 = arith.constant 272 : index
    %swap3A_973 = tpu.vector_load %arg11[%swap3A_972] {strides = array<i32>} : memref<512xf32, #tpu.memory_space<vmem>>, vector<16xf32>,
    tpu.vector_store %arg11[%swap3A_972], %gather3A_971 {strides = array<i32>} : memref<512xf32, #tpu.memory_space<vmem>>, vector<16xf32>,
    %get3A_974 = arith.constant 288 : index
    %get3A_975 = tpu.vector_load %arg10[%get3A_974] {strides = array<i32>} : memref<512xi32, #tpu.memory_space<vmem>>, vector<16xi32>,
    %gather3A_976 = tpu.vector_load_idx %arg9[%get3A_975] : memref<16384xf32, #tpu.memory_space<vmem>>[vector<16xi32>], vector<16xf32>,
    %swap3A_977 = arith.constant 288 : index
    %swap3A_978 = tpu.vector_load %arg11[%swap3A_977] {strides = array<i32>} : memref<512xf32, #tpu.memory_space<vmem>>, vector<16xf32>,
    tpu.vector_store %arg11[%swap3A_977], %gather3A_976 {strides = array<i32>} : memref<512xf32, #tpu.memory_space<vmem>>, vector<16xf32>,
    %get3A_979 = arith.constant 304 : index
    %get3A_980 = tpu.vector_load %arg10[%get3A_979] {strides = array<i32>} : memref<512xi32, #tpu.memory_space<vmem>>, vector<16xi32>,
    %gather3A_981 = tpu.vector_load_idx %arg9[%get3A_980] : memref<16384xf32, #tpu.memory_space<vmem>>[vector<16xi32>], vector<16xf32>,
    %swap3A_982 = arith.constant 304 : index
    %swap3A_983 = tpu.vector_load %arg11[%swap3A_982] {strides = array<i32>} : memref<512xf32, #tpu.memory_space<vmem>>, vector<16xf32>,
    tpu.vector_store %arg11[%swap3A_982], %gather3A_981 {strides = array<i32>} : memref<512xf32, #tpu.memory_space<vmem>>, vector<16xf32>,
    %get3A_984 = arith.constant 320 : index
    %get3A_985 = tpu.vector_load %arg10[%get3A_984] {strides = array<i32>} : memref<512xi32, #tpu.memory_space<vmem>>, vector<16xi32>,
    %gather3A_986 = tpu.vector_load_idx %arg9[%get3A_985] : memref<16384xf32, #tpu.memory_space<vmem>>[vector<16xi32>], vector<16xf32>,
    %swap3A_987 = arith.constant 320 : index
    %swap3A_988 = tpu.vector_load %arg11[%swap3A_987] {strides = array<i32>} : memref<512xf32, #tpu.memory_space<vmem>>, vector<16xf32>,
    tpu.vector_store %arg11[%swap3A_987], %gather3A_986 {strides = array<i32>} : memref<512xf32, #tpu.memory_space<vmem>>, vector<16xf32>,
    %get3A_989 = arith.constant 336 : index
    %get3A_990 = tpu.vector_load %arg10[%get3A_989] {strides = array<i32>} : memref<512xi32, #tpu.memory_space<vmem>>, vector<16xi32>,
    %gather3A_991 = tpu.vector_load_idx %arg9[%get3A_990] : memref<16384xf32, #tpu.memory_space<vmem>>[vector<16xi32>], vector<16xf32>,
    %swap3A_992 = arith.constant 336 : index
    %swap3A_993 = tpu.vector_load %arg11[%swap3A_992] {strides = array<i32>} : memref<512xf32, #tpu.memory_space<vmem>>, vector<16xf32>,
    tpu.vector_store %arg11[%swap3A_992], %gather3A_991 {strides = array<i32>} : memref<512xf32, #tpu.memory_space<vmem>>, vector<16xf32>,
    %get3A_994 = arith.constant 352 : index
    %get3A_995 = tpu.vector_load %arg10[%get3A_994] {strides = array<i32>} : memref<512xi32, #tpu.memory_space<vmem>>, vector<16xi32>,
    %gather3A_996 = tpu.vector_load_idx %arg9[%get3A_995] : memref<16384xf32, #tpu.memory_space<vmem>>[vector<16xi32>], vector<16xf32>,
    %swap3A_997 = arith.constant 352 : index
    %swap3A_998 = tpu.vector_load %arg11[%swap3A_997] {strides = array<i32>} : memref<512xf32, #tpu.memory_space<vmem>>, vector<16xf32>,
    tpu.vector_store %arg11[%swap3A_997], %gather3A_996 {strides = array<i32>} : memref<512xf32, #tpu.memory_space<vmem>>, vector<16xf32>,
    %get3A_999 = arith.constant 368 : index
    %get3A_1000 = tpu.vector_load %arg10[%get3A_999] {strides = array<i32>} : memref<512xi32, #tpu.memory_space<vmem>>, vector<16xi32>,
    %gather3A_1001 = tpu.vector_load_idx %arg9[%get3A_1000] : memref<16384xf32, #tpu.memory_space<vmem>>[vector<16xi32>], vector<16xf32>,
    %swap3A_1002 = arith.constant 368 : index
    %swap3A_1003 = tpu.vector_load %arg11[%swap3A_1002] {strides = array<i32>} : memref<512xf32, #tpu.memory_space<vmem>>, vector<16xf32>,
    tpu.vector_store %arg11[%swap3A_1002], %gather3A_1001 {strides = array<i32>} : memref<512xf32, #tpu.memory_space<vmem>>, vector<16xf32>,
    %get3A_1004 = arith.constant 384 : index
    %get3A_1005 = tpu.vector_load %arg10[%get3A_1004] {strides = array<i32>} : memref<512xi32, #tpu.memory_space<vmem>>, vector<16xi32>,
    %gather3A_1006 = tpu.vector_load_idx %arg9[%get3A_1005] : memref<16384xf32, #tpu.memory_space<vmem>>[vector<16xi32>], vector<16xf32>,
    %swap3A_1007 = arith.constant 384 : index
    %swap3A_1008 = tpu.vector_load %arg11[%swap3A_1007] {strides = array<i32>} : memref<512xf32, #tpu.memory_space<vmem>>, vector<16xf32>,
    tpu.vector_store %arg11[%swap3A_1007], %gather3A_1006 {strides = array<i32>} : memref<512xf32, #tpu.memory_space<vmem>>, vector<16xf32>,
    %get3A_1009 = arith.constant 400 : index
    %get3A_1010 = tpu.vector_load %arg10[%get3A_1009] {strides = array<i32>} : memref<512xi32, #tpu.memory_space<vmem>>, vector<16xi32>,
    %gather3A_1011 = tpu.vector_load_idx %arg9[%get3A_1010] : memref<16384xf32, #tpu.memory_space<vmem>>[vector<16xi32>], vector<16xf32>,
    %swap3A_1012 = arith.constant 400 : index
    %swap3A_1013 = tpu.vector_load %arg11[%swap3A_1012] {strides = array<i32>} : memref<512xf32, #tpu.memory_space<vmem>>, vector<16xf32>,
    tpu.vector_store %arg11[%swap3A_1012], %gather3A_1011 {strides = array<i32>} : memref<512xf32, #tpu.memory_space<vmem>>, vector<16xf32>,
    %get3A_1014 = arith.constant 416 : index
    %get3A_1015 = tpu.vector_load %arg10[%get3A_1014] {strides = array<i32>} : memref<512xi32, #tpu.memory_space<vmem>>, vector<16xi32>,
    %gather3A_1016 = tpu.vector_load_idx %arg9[%get3A_1015] : memref<16384xf32, #tpu.memory_space<vmem>>[vector<16xi32>], vector<16xf32>,
    %swap3A_1017 = arith.constant 416 : index
    %swap3A_1018 = tpu.vector_load %arg11[%swap3A_1017] {strides = array<i32>} : memref<512xf32, #tpu.memory_space<vmem>>, vector<16xf32>,
    tpu.vector_store %arg11[%swap3A_1017], %gather3A_1016 {strides = array<i32>} : memref<512xf32, #tpu.memory_space<vmem>>, vector<16xf32>,
    %get3A_1019 = arith.constant 432 : index
    %get3A_1020 = tpu.vector_load %arg10[%get3A_1019] {strides = array<i32>} : memref<512xi32, #tpu.memory_space<vmem>>, vector<16xi32>,
    %gather3A_1021 = tpu.vector_load_idx %arg9[%get3A_1020] : memref<16384xf32, #tpu.memory_space<vmem>>[vector<16xi32>], vector<16xf32>,
    %swap3A_1022 = arith.constant 432 : index
    %swap3A_1023 = tpu.vector_load %arg11[%swap3A_1022] {strides = array<i32>} : memref<512xf32, #tpu.memory_space<vmem>>, vector<16xf32>,
    tpu.vector_store %arg11[%swap3A_1022], %gather3A_1021 {strides = array<i32>} : memref<512xf32, #tpu.memory_space<vmem>>, vector<16xf32>,
    %get3A_1024 = arith.constant 448 : index
    %get3A_1025 = tpu.vector_load %arg10[%get3A_1024] {strides = array<i32>} : memref<512xi32, #tpu.memory_space<vmem>>, vector<16xi32>,
    %gather3A_1026 = tpu.vector_load_idx %arg9[%get3A_1025] : memref<16384xf32, #tpu.memory_space<vmem>>[vector<16xi32>], vector<16xf32>,
    %swap3A_1027 = arith.constant 448 : index
    %swap3A_1028 = tpu.vector_load %arg11[%swap3A_1027] {strides = array<i32>} : memref<512xf32, #tpu.memory_space<vmem>>, vector<16xf32>,
    tpu.vector_store %arg11[%swap3A_1027], %gather3A_1026 {strides = array<i32>} : memref<512xf32, #tpu.memory_space<vmem>>, vector<16xf32>,
    %get3A_1029 = arith.constant 464 : index
    %get3A_1030 = tpu.vector_load %arg10[%get3A_1029] {strides = array<i32>} : memref<512xi32, #tpu.memory_space<vmem>>, vector<16xi32>,
    %gather3A_1031 = tpu.vector_load_idx %arg9[%get3A_1030] : memref<16384xf32, #tpu.memory_space<vmem>>[vector<16xi32>], vector<16xf32>,
    %swap3A_1032 = arith.constant 464 : index
    %swap3A_1033 = tpu.vector_load %arg11[%swap3A_1032] {strides = array<i32>} : memref<512xf32, #tpu.memory_space<vmem>>, vector<16xf32>,
    tpu.vector_store %arg11[%swap3A_1032], %gather3A_1031 {strides = array<i32>} : memref<512xf32, #tpu.memory_space<vmem>>, vector<16xf32>,
    %get3A_1034 = arith.constant 480 : index
    %get3A_1035 = tpu.vector_load %arg10[%get3A_1034] {strides = array<i32>} : memref<512xi32, #tpu.memory_space<vmem>>, vector<16xi32>,
    %gather3A_1036 = tpu.vector_load_idx %arg9[%get3A_1035] : memref<16384xf32, #tpu.memory_space<vmem>>[vector<16xi32>], vector<16xf32>,
    %swap3A_1037 = arith.constant 480 : index
    %swap3A_1038 = tpu.vector_load %arg11[%swap3A_1037] {strides = array<i32>} : memref<512xf32, #tpu.memory_space<vmem>>, vector<16xf32>,
    tpu.vector_store %arg11[%swap3A_1037], %gather3A_1036 {strides = array<i32>} : memref<512xf32, #tpu.memory_space<vmem>>, vector<16xf32>,
    %get3A_1039 = arith.constant 496 : index
    %get3A_1040 = tpu.vector_load %arg10[%get3A_1039] {strides = array<i32>} : memref<512xi32, #tpu.memory_space<vmem>>, vector<16xi32>,
    %gather3A_1041 = tpu.vector_load_idx %arg9[%get3A_1040] : memref<16384xf32, #tpu.memory_space<vmem>>[vector<16xi32>], vector<16xf32>,
    %swap3A_1042 = arith.constant 496 : index
    %swap3A_1043 = tpu.vector_load %arg11[%swap3A_1042] {strides = array<i32>} : memref<512xf32, #tpu.memory_space<vmem>>, vector<16xf32>,
    tpu.vector_store %arg11[%swap3A_1042], %gather3A_1041 {strides = array<i32>} : memref<512xf32, #tpu.memory_space<vmem>>, vector<16xf32>,
    "tpu.region"() ({
      %run_scoped3A = tpu.sem_alloc : memref<!tpu.dma_semaphore, #tpu.memory_space<semaphore_mem>>
      %dma_start3A = arith.constant 0 : i32
      %dma_start3A_1047 = tpu.memref_slice %arg7[%add3A_883, %dma_start3A] : memref<32x512xf32, #tpu.memory_space<hbm>> -> memref<1x512xf32, #tpu.memory_space<hbm>>
      %dma_start3A_1048 = tpu.memref_squeeze %dma_start3A_1047 : memref<1x512xf32, #tpu.memory_space<hbm>> -> memref<512xf32, #tpu.memory_space<hbm>>
      %dma_start3A_1049 = arith.constant 0 : i32
      %dma_start3A_1050 = tpu.memref_slice %arg7[%add3A_883, %dma_start3A_1049] : memref<32x512xf32, #tpu.memory_space<hbm>> -> memref<1x512xf32, #tpu.memory_space<hbm>>
      %dma_start3A_1051 = tpu.memref_squeeze %dma_start3A_1050 : memref<1x512xf32, #tpu.memory_space<hbm>> -> memref<512xf32, #tpu.memory_space<hbm>>
      tpu.enqueue_dma source(%arg11 : memref<512xf32, #tpu.memory_space<vmem>>) target(%dma_start3A_1051 : memref<512xf32, #tpu.memory_space<hbm>>) target_semaphore(%run_scoped3A : memref<!tpu.dma_semaphore, #tpu.memory_space<semaphore_mem>>)
      %dma_wait3A = arith.constant 0 : i32
      %dma_wait3A_1052 = tpu.memref_slice %arg7[%add3A_883, %dma_wait3A] : memref<32x512xf32, #tpu.memory_space<hbm>> -> memref<1x512xf32, #tpu.memory_space<hbm>>
      %dma_wait3A_1053 = tpu.memref_squeeze %dma_wait3A_1052 : memref<1x512xf32, #tpu.memory_space<hbm>> -> memref<512xf32, #tpu.memory_space<hbm>>
      %dma_wait3A_1054 = arith.constant 0 : i32
      %dma_wait3A_1055 = tpu.memref_slice %arg7[%add3A_883, %dma_wait3A_1054] : memref<32x512xf32, #tpu.memory_space<hbm>> -> memref<1x512xf32, #tpu.memory_space<hbm>>
      %dma_wait3A_1056 = tpu.memref_squeeze %dma_wait3A_1055 : memref<1x512xf32, #tpu.memory_space<hbm>> -> memref<512xf32, #tpu.memory_space<hbm>>
      tpu.wait_dma2 semaphore(%run_scoped3A : memref<!tpu.dma_semaphore, #tpu.memory_space<semaphore_mem>>) src(%arg11 : memref<512xf32, #tpu.memory_space<vmem>>) dst(%dma_wait3A_1056 : memref<512xf32, #tpu.memory_space<hbm>>)
      tpu.yield
    }) : () -> ()
    %eq3A_1044 = arith.constant 0 : i32
    %eq3A_1045 = arith.cmpi eq, %select_n3A_30, %eq3A_1044 : i32
    %convert_element_type3A = arith.extui %eq3A_1045 : i1 to i32
    %cond3A = arith.constant 0 : i32
    %cond3A_1046 = arith.cmpi ne, %convert_element_type3A, %cond3A : i32
    scf.if %cond3A_1046 {
      "tpu.region"() ({
        %run_scoped3A = tpu.sem_alloc : memref<!tpu.dma_semaphore, #tpu.memory_space<semaphore_mem>>
        %dma_start3A = arith.constant 0 : i32
        %dma_start3A_1207 = tpu.memref_slice %arg4[%select_n3A, %dma_start3A] : memref<16x16384xf32, #tpu.memory_space<hbm>> -> memref<1x16384xf32, #tpu.memory_space<hbm>>
        %dma_start3A_1208 = tpu.memref_squeeze %dma_start3A_1207 : memref<1x16384xf32, #tpu.memory_space<hbm>> -> memref<16384xf32, #tpu.memory_space<hbm>>
        %dma_start3A_1209 = arith.constant 0 : i32
        %dma_start3A_1210 = tpu.memref_slice %arg4[%select_n3A, %dma_start3A_1209] : memref<16x16384xf32, #tpu.memory_space<hbm>> -> memref<1x16384xf32, #tpu.memory_space<hbm>>
        %dma_start3A_1211 = tpu.memref_squeeze %dma_start3A_1210 : memref<1x16384xf32, #tpu.memory_space<hbm>> -> memref<16384xf32, #tpu.memory_space<hbm>>
        tpu.enqueue_dma source(%dma_start3A_1211 : memref<16384xf32, #tpu.memory_space<hbm>>) target(%arg9 : memref<16384xf32, #tpu.memory_space<vmem>>) target_semaphore(%run_scoped3A : memref<!tpu.dma_semaphore, #tpu.memory_space<semaphore_mem>>)
        %dma_wait3A = arith.constant 0 : i32
        %dma_wait3A_1212 = tpu.memref_slice %arg4[%select_n3A, %dma_wait3A] : memref<16x16384xf32, #tpu.memory_space<hbm>> -> memref<1x16384xf32, #tpu.memory_space<hbm>>
        %dma_wait3A_1213 = tpu.memref_squeeze %dma_wait3A_1212 : memref<1x16384xf32, #tpu.memory_space<hbm>> -> memref<16384xf32, #tpu.memory_space<hbm>>
        %dma_wait3A_1214 = arith.constant 0 : i32
        %dma_wait3A_1215 = tpu.memref_slice %arg4[%select_n3A, %dma_wait3A_1214] : memref<16x16384xf32, #tpu.memory_space<hbm>> -> memref<1x16384xf32, #tpu.memory_space<hbm>>
        %dma_wait3A_1216 = tpu.memref_squeeze %dma_wait3A_1215 : memref<1x16384xf32, #tpu.memory_space<hbm>> -> memref<16384xf32, #tpu.memory_space<hbm>>
        tpu.wait_dma2 semaphore(%run_scoped3A : memref<!tpu.dma_semaphore, #tpu.memory_space<semaphore_mem>>) src(%dma_wait3A_1216 : memref<16384xf32, #tpu.memory_space<hbm>>) dst(%arg9 : memref<16384xf32, #tpu.memory_space<vmem>>)
        tpu.yield
      }) : () -> ()
      %get3A_1047 = arith.constant 0 : index
      %get3A_1048 = tpu.vector_load %arg10[%get3A_1047] {strides = array<i32>} : memref<512xi32, #tpu.memory_space<vmem>>, vector<16xi32>,
      %gather3A_1049 = tpu.vector_load_idx %arg9[%get3A_1048] : memref<16384xf32, #tpu.memory_space<vmem>>[vector<16xi32>], vector<16xf32>,
      %swap3A_1050 = arith.constant 0 : index
      %swap3A_1051 = tpu.vector_load %arg11[%swap3A_1050] {strides = array<i32>} : memref<512xf32, #tpu.memory_space<vmem>>, vector<16xf32>,
      tpu.vector_store %arg11[%swap3A_1050], %gather3A_1049 {strides = array<i32>} : memref<512xf32, #tpu.memory_space<vmem>>, vector<16xf32>,
      %get3A_1052 = arith.constant 16 : index
      %get3A_1053 = tpu.vector_load %arg10[%get3A_1052] {strides = array<i32>} : memref<512xi32, #tpu.memory_space<vmem>>, vector<16xi32>,
      %gather3A_1054 = tpu.vector_load_idx %arg9[%get3A_1053] : memref<16384xf32, #tpu.memory_space<vmem>>[vector<16xi32>], vector<16xf32>,
      %swap3A_1055 = arith.constant 16 : index
      %swap3A_1056 = tpu.vector_load %arg11[%swap3A_1055] {strides = array<i32>} : memref<512xf32, #tpu.memory_space<vmem>>, vector<16xf32>,
      tpu.vector_store %arg11[%swap3A_1055], %gather3A_1054 {strides = array<i32>} : memref<512xf32, #tpu.memory_space<vmem>>, vector<16xf32>,
      %get3A_1057 = arith.constant 32 : index
      %get3A_1058 = tpu.vector_load %arg10[%get3A_1057] {strides = array<i32>} : memref<512xi32, #tpu.memory_space<vmem>>, vector<16xi32>,
      %gather3A_1059 = tpu.vector_load_idx %arg9[%get3A_1058] : memref<16384xf32, #tpu.memory_space<vmem>>[vector<16xi32>], vector<16xf32>,
      %swap3A_1060 = arith.constant 32 : index
      %swap3A_1061 = tpu.vector_load %arg11[%swap3A_1060] {strides = array<i32>} : memref<512xf32, #tpu.memory_space<vmem>>, vector<16xf32>,
      tpu.vector_store %arg11[%swap3A_1060], %gather3A_1059 {strides = array<i32>} : memref<512xf32, #tpu.memory_space<vmem>>, vector<16xf32>,
      %get3A_1062 = arith.constant 48 : index
      %get3A_1063 = tpu.vector_load %arg10[%get3A_1062] {strides = array<i32>} : memref<512xi32, #tpu.memory_space<vmem>>, vector<16xi32>,
      %gather3A_1064 = tpu.vector_load_idx %arg9[%get3A_1063] : memref<16384xf32, #tpu.memory_space<vmem>>[vector<16xi32>], vector<16xf32>,
      %swap3A_1065 = arith.constant 48 : index
      %swap3A_1066 = tpu.vector_load %arg11[%swap3A_1065] {strides = array<i32>} : memref<512xf32, #tpu.memory_space<vmem>>, vector<16xf32>,
      tpu.vector_store %arg11[%swap3A_1065], %gather3A_1064 {strides = array<i32>} : memref<512xf32, #tpu.memory_space<vmem>>, vector<16xf32>,
      %get3A_1067 = arith.constant 64 : index
      %get3A_1068 = tpu.vector_load %arg10[%get3A_1067] {strides = array<i32>} : memref<512xi32, #tpu.memory_space<vmem>>, vector<16xi32>,
      %gather3A_1069 = tpu.vector_load_idx %arg9[%get3A_1068] : memref<16384xf32, #tpu.memory_space<vmem>>[vector<16xi32>], vector<16xf32>,
      %swap3A_1070 = arith.constant 64 : index
      %swap3A_1071 = tpu.vector_load %arg11[%swap3A_1070] {strides = array<i32>} : memref<512xf32, #tpu.memory_space<vmem>>, vector<16xf32>,
      tpu.vector_store %arg11[%swap3A_1070], %gather3A_1069 {strides = array<i32>} : memref<512xf32, #tpu.memory_space<vmem>>, vector<16xf32>,
      %get3A_1072 = arith.constant 80 : index
      %get3A_1073 = tpu.vector_load %arg10[%get3A_1072] {strides = array<i32>} : memref<512xi32, #tpu.memory_space<vmem>>, vector<16xi32>,
      %gather3A_1074 = tpu.vector_load_idx %arg9[%get3A_1073] : memref<16384xf32, #tpu.memory_space<vmem>>[vector<16xi32>], vector<16xf32>,
      %swap3A_1075 = arith.constant 80 : index
      %swap3A_1076 = tpu.vector_load %arg11[%swap3A_1075] {strides = array<i32>} : memref<512xf32, #tpu.memory_space<vmem>>, vector<16xf32>,
      tpu.vector_store %arg11[%swap3A_1075], %gather3A_1074 {strides = array<i32>} : memref<512xf32, #tpu.memory_space<vmem>>, vector<16xf32>,
      %get3A_1077 = arith.constant 96 : index
      %get3A_1078 = tpu.vector_load %arg10[%get3A_1077] {strides = array<i32>} : memref<512xi32, #tpu.memory_space<vmem>>, vector<16xi32>,
      %gather3A_1079 = tpu.vector_load_idx %arg9[%get3A_1078] : memref<16384xf32, #tpu.memory_space<vmem>>[vector<16xi32>], vector<16xf32>,
      %swap3A_1080 = arith.constant 96 : index
      %swap3A_1081 = tpu.vector_load %arg11[%swap3A_1080] {strides = array<i32>} : memref<512xf32, #tpu.memory_space<vmem>>, vector<16xf32>,
      tpu.vector_store %arg11[%swap3A_1080], %gather3A_1079 {strides = array<i32>} : memref<512xf32, #tpu.memory_space<vmem>>, vector<16xf32>,
      %get3A_1082 = arith.constant 112 : index
      %get3A_1083 = tpu.vector_load %arg10[%get3A_1082] {strides = array<i32>} : memref<512xi32, #tpu.memory_space<vmem>>, vector<16xi32>,
      %gather3A_1084 = tpu.vector_load_idx %arg9[%get3A_1083] : memref<16384xf32, #tpu.memory_space<vmem>>[vector<16xi32>], vector<16xf32>,
      %swap3A_1085 = arith.constant 112 : index
      %swap3A_1086 = tpu.vector_load %arg11[%swap3A_1085] {strides = array<i32>} : memref<512xf32, #tpu.memory_space<vmem>>, vector<16xf32>,
      tpu.vector_store %arg11[%swap3A_1085], %gather3A_1084 {strides = array<i32>} : memref<512xf32, #tpu.memory_space<vmem>>, vector<16xf32>,
      %get3A_1087 = arith.constant 128 : index
      %get3A_1088 = tpu.vector_load %arg10[%get3A_1087] {strides = array<i32>} : memref<512xi32, #tpu.memory_space<vmem>>, vector<16xi32>,
      %gather3A_1089 = tpu.vector_load_idx %arg9[%get3A_1088] : memref<16384xf32, #tpu.memory_space<vmem>>[vector<16xi32>], vector<16xf32>,
      %swap3A_1090 = arith.constant 128 : index
      %swap3A_1091 = tpu.vector_load %arg11[%swap3A_1090] {strides = array<i32>} : memref<512xf32, #tpu.memory_space<vmem>>, vector<16xf32>,
      tpu.vector_store %arg11[%swap3A_1090], %gather3A_1089 {strides = array<i32>} : memref<512xf32, #tpu.memory_space<vmem>>, vector<16xf32>,
      %get3A_1092 = arith.constant 144 : index
      %get3A_1093 = tpu.vector_load %arg10[%get3A_1092] {strides = array<i32>} : memref<512xi32, #tpu.memory_space<vmem>>, vector<16xi32>,
      %gather3A_1094 = tpu.vector_load_idx %arg9[%get3A_1093] : memref<16384xf32, #tpu.memory_space<vmem>>[vector<16xi32>], vector<16xf32>,
      %swap3A_1095 = arith.constant 144 : index
      %swap3A_1096 = tpu.vector_load %arg11[%swap3A_1095] {strides = array<i32>} : memref<512xf32, #tpu.memory_space<vmem>>, vector<16xf32>,
      tpu.vector_store %arg11[%swap3A_1095], %gather3A_1094 {strides = array<i32>} : memref<512xf32, #tpu.memory_space<vmem>>, vector<16xf32>,
      %get3A_1097 = arith.constant 160 : index
      %get3A_1098 = tpu.vector_load %arg10[%get3A_1097] {strides = array<i32>} : memref<512xi32, #tpu.memory_space<vmem>>, vector<16xi32>,
      %gather3A_1099 = tpu.vector_load_idx %arg9[%get3A_1098] : memref<16384xf32, #tpu.memory_space<vmem>>[vector<16xi32>], vector<16xf32>,
      %swap3A_1100 = arith.constant 160 : index
      %swap3A_1101 = tpu.vector_load %arg11[%swap3A_1100] {strides = array<i32>} : memref<512xf32, #tpu.memory_space<vmem>>, vector<16xf32>,
      tpu.vector_store %arg11[%swap3A_1100], %gather3A_1099 {strides = array<i32>} : memref<512xf32, #tpu.memory_space<vmem>>, vector<16xf32>,
      %get3A_1102 = arith.constant 176 : index
      %get3A_1103 = tpu.vector_load %arg10[%get3A_1102] {strides = array<i32>} : memref<512xi32, #tpu.memory_space<vmem>>, vector<16xi32>,
      %gather3A_1104 = tpu.vector_load_idx %arg9[%get3A_1103] : memref<16384xf32, #tpu.memory_space<vmem>>[vector<16xi32>], vector<16xf32>,
      %swap3A_1105 = arith.constant 176 : index
      %swap3A_1106 = tpu.vector_load %arg11[%swap3A_1105] {strides = array<i32>} : memref<512xf32, #tpu.memory_space<vmem>>, vector<16xf32>,
      tpu.vector_store %arg11[%swap3A_1105], %gather3A_1104 {strides = array<i32>} : memref<512xf32, #tpu.memory_space<vmem>>, vector<16xf32>,
      %get3A_1107 = arith.constant 192 : index
      %get3A_1108 = tpu.vector_load %arg10[%get3A_1107] {strides = array<i32>} : memref<512xi32, #tpu.memory_space<vmem>>, vector<16xi32>,
      %gather3A_1109 = tpu.vector_load_idx %arg9[%get3A_1108] : memref<16384xf32, #tpu.memory_space<vmem>>[vector<16xi32>], vector<16xf32>,
      %swap3A_1110 = arith.constant 192 : index
      %swap3A_1111 = tpu.vector_load %arg11[%swap3A_1110] {strides = array<i32>} : memref<512xf32, #tpu.memory_space<vmem>>, vector<16xf32>,
      tpu.vector_store %arg11[%swap3A_1110], %gather3A_1109 {strides = array<i32>} : memref<512xf32, #tpu.memory_space<vmem>>, vector<16xf32>,
      %get3A_1112 = arith.constant 208 : index
      %get3A_1113 = tpu.vector_load %arg10[%get3A_1112] {strides = array<i32>} : memref<512xi32, #tpu.memory_space<vmem>>, vector<16xi32>,
      %gather3A_1114 = tpu.vector_load_idx %arg9[%get3A_1113] : memref<16384xf32, #tpu.memory_space<vmem>>[vector<16xi32>], vector<16xf32>,
      %swap3A_1115 = arith.constant 208 : index
      %swap3A_1116 = tpu.vector_load %arg11[%swap3A_1115] {strides = array<i32>} : memref<512xf32, #tpu.memory_space<vmem>>, vector<16xf32>,
      tpu.vector_store %arg11[%swap3A_1115], %gather3A_1114 {strides = array<i32>} : memref<512xf32, #tpu.memory_space<vmem>>, vector<16xf32>,
      %get3A_1117 = arith.constant 224 : index
      %get3A_1118 = tpu.vector_load %arg10[%get3A_1117] {strides = array<i32>} : memref<512xi32, #tpu.memory_space<vmem>>, vector<16xi32>,
      %gather3A_1119 = tpu.vector_load_idx %arg9[%get3A_1118] : memref<16384xf32, #tpu.memory_space<vmem>>[vector<16xi32>], vector<16xf32>,
      %swap3A_1120 = arith.constant 224 : index
      %swap3A_1121 = tpu.vector_load %arg11[%swap3A_1120] {strides = array<i32>} : memref<512xf32, #tpu.memory_space<vmem>>, vector<16xf32>,
      tpu.vector_store %arg11[%swap3A_1120], %gather3A_1119 {strides = array<i32>} : memref<512xf32, #tpu.memory_space<vmem>>, vector<16xf32>,
      %get3A_1122 = arith.constant 240 : index
      %get3A_1123 = tpu.vector_load %arg10[%get3A_1122] {strides = array<i32>} : memref<512xi32, #tpu.memory_space<vmem>>, vector<16xi32>,
      %gather3A_1124 = tpu.vector_load_idx %arg9[%get3A_1123] : memref<16384xf32, #tpu.memory_space<vmem>>[vector<16xi32>], vector<16xf32>,
      %swap3A_1125 = arith.constant 240 : index
      %swap3A_1126 = tpu.vector_load %arg11[%swap3A_1125] {strides = array<i32>} : memref<512xf32, #tpu.memory_space<vmem>>, vector<16xf32>,
      tpu.vector_store %arg11[%swap3A_1125], %gather3A_1124 {strides = array<i32>} : memref<512xf32, #tpu.memory_space<vmem>>, vector<16xf32>,
      %get3A_1127 = arith.constant 256 : index
      %get3A_1128 = tpu.vector_load %arg10[%get3A_1127] {strides = array<i32>} : memref<512xi32, #tpu.memory_space<vmem>>, vector<16xi32>,
      %gather3A_1129 = tpu.vector_load_idx %arg9[%get3A_1128] : memref<16384xf32, #tpu.memory_space<vmem>>[vector<16xi32>], vector<16xf32>,
      %swap3A_1130 = arith.constant 256 : index
      %swap3A_1131 = tpu.vector_load %arg11[%swap3A_1130] {strides = array<i32>} : memref<512xf32, #tpu.memory_space<vmem>>, vector<16xf32>,
      tpu.vector_store %arg11[%swap3A_1130], %gather3A_1129 {strides = array<i32>} : memref<512xf32, #tpu.memory_space<vmem>>, vector<16xf32>,
      %get3A_1132 = arith.constant 272 : index
      %get3A_1133 = tpu.vector_load %arg10[%get3A_1132] {strides = array<i32>} : memref<512xi32, #tpu.memory_space<vmem>>, vector<16xi32>,
      %gather3A_1134 = tpu.vector_load_idx %arg9[%get3A_1133] : memref<16384xf32, #tpu.memory_space<vmem>>[vector<16xi32>], vector<16xf32>,
      %swap3A_1135 = arith.constant 272 : index
      %swap3A_1136 = tpu.vector_load %arg11[%swap3A_1135] {strides = array<i32>} : memref<512xf32, #tpu.memory_space<vmem>>, vector<16xf32>,
      tpu.vector_store %arg11[%swap3A_1135], %gather3A_1134 {strides = array<i32>} : memref<512xf32, #tpu.memory_space<vmem>>, vector<16xf32>,
      %get3A_1137 = arith.constant 288 : index
      %get3A_1138 = tpu.vector_load %arg10[%get3A_1137] {strides = array<i32>} : memref<512xi32, #tpu.memory_space<vmem>>, vector<16xi32>,
      %gather3A_1139 = tpu.vector_load_idx %arg9[%get3A_1138] : memref<16384xf32, #tpu.memory_space<vmem>>[vector<16xi32>], vector<16xf32>,
      %swap3A_1140 = arith.constant 288 : index
      %swap3A_1141 = tpu.vector_load %arg11[%swap3A_1140] {strides = array<i32>} : memref<512xf32, #tpu.memory_space<vmem>>, vector<16xf32>,
      tpu.vector_store %arg11[%swap3A_1140], %gather3A_1139 {strides = array<i32>} : memref<512xf32, #tpu.memory_space<vmem>>, vector<16xf32>,
      %get3A_1142 = arith.constant 304 : index
      %get3A_1143 = tpu.vector_load %arg10[%get3A_1142] {strides = array<i32>} : memref<512xi32, #tpu.memory_space<vmem>>, vector<16xi32>,
      %gather3A_1144 = tpu.vector_load_idx %arg9[%get3A_1143] : memref<16384xf32, #tpu.memory_space<vmem>>[vector<16xi32>], vector<16xf32>,
      %swap3A_1145 = arith.constant 304 : index
      %swap3A_1146 = tpu.vector_load %arg11[%swap3A_1145] {strides = array<i32>} : memref<512xf32, #tpu.memory_space<vmem>>, vector<16xf32>,
      tpu.vector_store %arg11[%swap3A_1145], %gather3A_1144 {strides = array<i32>} : memref<512xf32, #tpu.memory_space<vmem>>, vector<16xf32>,
      %get3A_1147 = arith.constant 320 : index
      %get3A_1148 = tpu.vector_load %arg10[%get3A_1147] {strides = array<i32>} : memref<512xi32, #tpu.memory_space<vmem>>, vector<16xi32>,
      %gather3A_1149 = tpu.vector_load_idx %arg9[%get3A_1148] : memref<16384xf32, #tpu.memory_space<vmem>>[vector<16xi32>], vector<16xf32>,
      %swap3A_1150 = arith.constant 320 : index
      %swap3A_1151 = tpu.vector_load %arg11[%swap3A_1150] {strides = array<i32>} : memref<512xf32, #tpu.memory_space<vmem>>, vector<16xf32>,
      tpu.vector_store %arg11[%swap3A_1150], %gather3A_1149 {strides = array<i32>} : memref<512xf32, #tpu.memory_space<vmem>>, vector<16xf32>,
      %get3A_1152 = arith.constant 336 : index
      %get3A_1153 = tpu.vector_load %arg10[%get3A_1152] {strides = array<i32>} : memref<512xi32, #tpu.memory_space<vmem>>, vector<16xi32>,
      %gather3A_1154 = tpu.vector_load_idx %arg9[%get3A_1153] : memref<16384xf32, #tpu.memory_space<vmem>>[vector<16xi32>], vector<16xf32>,
      %swap3A_1155 = arith.constant 336 : index
      %swap3A_1156 = tpu.vector_load %arg11[%swap3A_1155] {strides = array<i32>} : memref<512xf32, #tpu.memory_space<vmem>>, vector<16xf32>,
      tpu.vector_store %arg11[%swap3A_1155], %gather3A_1154 {strides = array<i32>} : memref<512xf32, #tpu.memory_space<vmem>>, vector<16xf32>,
      %get3A_1157 = arith.constant 352 : index
      %get3A_1158 = tpu.vector_load %arg10[%get3A_1157] {strides = array<i32>} : memref<512xi32, #tpu.memory_space<vmem>>, vector<16xi32>,
      %gather3A_1159 = tpu.vector_load_idx %arg9[%get3A_1158] : memref<16384xf32, #tpu.memory_space<vmem>>[vector<16xi32>], vector<16xf32>,
      %swap3A_1160 = arith.constant 352 : index
      %swap3A_1161 = tpu.vector_load %arg11[%swap3A_1160] {strides = array<i32>} : memref<512xf32, #tpu.memory_space<vmem>>, vector<16xf32>,
      tpu.vector_store %arg11[%swap3A_1160], %gather3A_1159 {strides = array<i32>} : memref<512xf32, #tpu.memory_space<vmem>>, vector<16xf32>,
      %get3A_1162 = arith.constant 368 : index
      %get3A_1163 = tpu.vector_load %arg10[%get3A_1162] {strides = array<i32>} : memref<512xi32, #tpu.memory_space<vmem>>, vector<16xi32>,
      %gather3A_1164 = tpu.vector_load_idx %arg9[%get3A_1163] : memref<16384xf32, #tpu.memory_space<vmem>>[vector<16xi32>], vector<16xf32>,
      %swap3A_1165 = arith.constant 368 : index
      %swap3A_1166 = tpu.vector_load %arg11[%swap3A_1165] {strides = array<i32>} : memref<512xf32, #tpu.memory_space<vmem>>, vector<16xf32>,
      tpu.vector_store %arg11[%swap3A_1165], %gather3A_1164 {strides = array<i32>} : memref<512xf32, #tpu.memory_space<vmem>>, vector<16xf32>,
      %get3A_1167 = arith.constant 384 : index
      %get3A_1168 = tpu.vector_load %arg10[%get3A_1167] {strides = array<i32>} : memref<512xi32, #tpu.memory_space<vmem>>, vector<16xi32>,
      %gather3A_1169 = tpu.vector_load_idx %arg9[%get3A_1168] : memref<16384xf32, #tpu.memory_space<vmem>>[vector<16xi32>], vector<16xf32>,
      %swap3A_1170 = arith.constant 384 : index
      %swap3A_1171 = tpu.vector_load %arg11[%swap3A_1170] {strides = array<i32>} : memref<512xf32, #tpu.memory_space<vmem>>, vector<16xf32>,
      tpu.vector_store %arg11[%swap3A_1170], %gather3A_1169 {strides = array<i32>} : memref<512xf32, #tpu.memory_space<vmem>>, vector<16xf32>,
      %get3A_1172 = arith.constant 400 : index
      %get3A_1173 = tpu.vector_load %arg10[%get3A_1172] {strides = array<i32>} : memref<512xi32, #tpu.memory_space<vmem>>, vector<16xi32>,
      %gather3A_1174 = tpu.vector_load_idx %arg9[%get3A_1173] : memref<16384xf32, #tpu.memory_space<vmem>>[vector<16xi32>], vector<16xf32>,
      %swap3A_1175 = arith.constant 400 : index
      %swap3A_1176 = tpu.vector_load %arg11[%swap3A_1175] {strides = array<i32>} : memref<512xf32, #tpu.memory_space<vmem>>, vector<16xf32>,
      tpu.vector_store %arg11[%swap3A_1175], %gather3A_1174 {strides = array<i32>} : memref<512xf32, #tpu.memory_space<vmem>>, vector<16xf32>,
      %get3A_1177 = arith.constant 416 : index
      %get3A_1178 = tpu.vector_load %arg10[%get3A_1177] {strides = array<i32>} : memref<512xi32, #tpu.memory_space<vmem>>, vector<16xi32>,
      %gather3A_1179 = tpu.vector_load_idx %arg9[%get3A_1178] : memref<16384xf32, #tpu.memory_space<vmem>>[vector<16xi32>], vector<16xf32>,
      %swap3A_1180 = arith.constant 416 : index
      %swap3A_1181 = tpu.vector_load %arg11[%swap3A_1180] {strides = array<i32>} : memref<512xf32, #tpu.memory_space<vmem>>, vector<16xf32>,
      tpu.vector_store %arg11[%swap3A_1180], %gather3A_1179 {strides = array<i32>} : memref<512xf32, #tpu.memory_space<vmem>>, vector<16xf32>,
      %get3A_1182 = arith.constant 432 : index
      %get3A_1183 = tpu.vector_load %arg10[%get3A_1182] {strides = array<i32>} : memref<512xi32, #tpu.memory_space<vmem>>, vector<16xi32>,
      %gather3A_1184 = tpu.vector_load_idx %arg9[%get3A_1183] : memref<16384xf32, #tpu.memory_space<vmem>>[vector<16xi32>], vector<16xf32>,
      %swap3A_1185 = arith.constant 432 : index
      %swap3A_1186 = tpu.vector_load %arg11[%swap3A_1185] {strides = array<i32>} : memref<512xf32, #tpu.memory_space<vmem>>, vector<16xf32>,
      tpu.vector_store %arg11[%swap3A_1185], %gather3A_1184 {strides = array<i32>} : memref<512xf32, #tpu.memory_space<vmem>>, vector<16xf32>,
      %get3A_1187 = arith.constant 448 : index
      %get3A_1188 = tpu.vector_load %arg10[%get3A_1187] {strides = array<i32>} : memref<512xi32, #tpu.memory_space<vmem>>, vector<16xi32>,
      %gather3A_1189 = tpu.vector_load_idx %arg9[%get3A_1188] : memref<16384xf32, #tpu.memory_space<vmem>>[vector<16xi32>], vector<16xf32>,
      %swap3A_1190 = arith.constant 448 : index
      %swap3A_1191 = tpu.vector_load %arg11[%swap3A_1190] {strides = array<i32>} : memref<512xf32, #tpu.memory_space<vmem>>, vector<16xf32>,
      tpu.vector_store %arg11[%swap3A_1190], %gather3A_1189 {strides = array<i32>} : memref<512xf32, #tpu.memory_space<vmem>>, vector<16xf32>,
      %get3A_1192 = arith.constant 464 : index
      %get3A_1193 = tpu.vector_load %arg10[%get3A_1192] {strides = array<i32>} : memref<512xi32, #tpu.memory_space<vmem>>, vector<16xi32>,
      %gather3A_1194 = tpu.vector_load_idx %arg9[%get3A_1193] : memref<16384xf32, #tpu.memory_space<vmem>>[vector<16xi32>], vector<16xf32>,
      %swap3A_1195 = arith.constant 464 : index
      %swap3A_1196 = tpu.vector_load %arg11[%swap3A_1195] {strides = array<i32>} : memref<512xf32, #tpu.memory_space<vmem>>, vector<16xf32>,
      tpu.vector_store %arg11[%swap3A_1195], %gather3A_1194 {strides = array<i32>} : memref<512xf32, #tpu.memory_space<vmem>>, vector<16xf32>,
      %get3A_1197 = arith.constant 480 : index
      %get3A_1198 = tpu.vector_load %arg10[%get3A_1197] {strides = array<i32>} : memref<512xi32, #tpu.memory_space<vmem>>, vector<16xi32>,
      %gather3A_1199 = tpu.vector_load_idx %arg9[%get3A_1198] : memref<16384xf32, #tpu.memory_space<vmem>>[vector<16xi32>], vector<16xf32>,
      %swap3A_1200 = arith.constant 480 : index
      %swap3A_1201 = tpu.vector_load %arg11[%swap3A_1200] {strides = array<i32>} : memref<512xf32, #tpu.memory_space<vmem>>, vector<16xf32>,
      tpu.vector_store %arg11[%swap3A_1200], %gather3A_1199 {strides = array<i32>} : memref<512xf32, #tpu.memory_space<vmem>>, vector<16xf32>,
      %get3A_1202 = arith.constant 496 : index
      %get3A_1203 = tpu.vector_load %arg10[%get3A_1202] {strides = array<i32>} : memref<512xi32, #tpu.memory_space<vmem>>, vector<16xi32>,
      %gather3A_1204 = tpu.vector_load_idx %arg9[%get3A_1203] : memref<16384xf32, #tpu.memory_space<vmem>>[vector<16xi32>], vector<16xf32>,
      %swap3A_1205 = arith.constant 496 : index
      %swap3A_1206 = tpu.vector_load %arg11[%swap3A_1205] {strides = array<i32>} : memref<512xf32, #tpu.memory_space<vmem>>, vector<16xf32>,
      tpu.vector_store %arg11[%swap3A_1205], %gather3A_1204 {strides = array<i32>} : memref<512xf32, #tpu.memory_space<vmem>>, vector<16xf32>,
      "tpu.region"() ({
        %run_scoped3A = tpu.sem_alloc : memref<!tpu.dma_semaphore, #tpu.memory_space<semaphore_mem>>
        %dma_start3A = arith.constant 0 : i32
        %dma_start3A_1207 = tpu.memref_slice %arg8[%select_n3A, %dma_start3A] : memref<16x512xf32, #tpu.memory_space<hbm>> -> memref<1x512xf32, #tpu.memory_space<hbm>>
        %dma_start3A_1208 = tpu.memref_squeeze %dma_start3A_1207 : memref<1x512xf32, #tpu.memory_space<hbm>> -> memref<512xf32, #tpu.memory_space<hbm>>
        %dma_start3A_1209 = arith.constant 0 : i32
        %dma_start3A_1210 = tpu.memref_slice %arg8[%select_n3A, %dma_start3A_1209] : memref<16x512xf32, #tpu.memory_space<hbm>> -> memref<1x512xf32, #tpu.memory_space<hbm>>
        %dma_start3A_1211 = tpu.memref_squeeze %dma_start3A_1210 : memref<1x512xf32, #tpu.memory_space<hbm>> -> memref<512xf32, #tpu.memory_space<hbm>>
        tpu.enqueue_dma source(%arg11 : memref<512xf32, #tpu.memory_space<vmem>>) target(%dma_start3A_1211 : memref<512xf32, #tpu.memory_space<hbm>>) target_semaphore(%run_scoped3A : memref<!tpu.dma_semaphore, #tpu.memory_space<semaphore_mem>>)
        %dma_wait3A = arith.constant 0 : i32
        %dma_wait3A_1212 = tpu.memref_slice %arg8[%select_n3A, %dma_wait3A] : memref<16x512xf32, #tpu.memory_space<hbm>> -> memref<1x512xf32, #tpu.memory_space<hbm>>
        %dma_wait3A_1213 = tpu.memref_squeeze %dma_wait3A_1212 : memref<1x512xf32, #tpu.memory_space<hbm>> -> memref<512xf32, #tpu.memory_space<hbm>>
        %dma_wait3A_1214 = arith.constant 0 : i32
        %dma_wait3A_1215 = tpu.memref_slice %arg8[%select_n3A, %dma_wait3A_1214] : memref<16x512xf32, #tpu.memory_space<hbm>> -> memref<1x512xf32, #tpu.memory_space<hbm>>
        %dma_wait3A_1216 = tpu.memref_squeeze %dma_wait3A_1215 : memref<1x512xf32, #tpu.memory_space<hbm>> -> memref<512xf32, #tpu.memory_space<hbm>>
        tpu.wait_dma2 semaphore(%run_scoped3A : memref<!tpu.dma_semaphore, #tpu.memory_space<semaphore_mem>>) src(%arg11 : memref<512xf32, #tpu.memory_space<vmem>>) dst(%dma_wait3A_1216 : memref<512xf32, #tpu.memory_space<hbm>>)
        tpu.yield
      }) : () -> ()
    } else {
    }
    return
  }
}

module attributes {stable_mosaic.version = 14 : i64} {
  func.func @_tc_loss_body(%arg0: i32, %arg1: memref<24x16384xf32, #tpu.memory_space<vmem>>, %arg2: memref<24x16384xf32, #tpu.memory_space<vmem>>, %arg3: memref<160x512xf32, #tpu.memory_space<vmem>>, %arg4: memref<160x512xf32, #tpu.memory_space<vmem>>, %arg5: memref<160x512xf32, #tpu.memory_space<vmem>>, %arg6: memref<32x512xf32, #tpu.memory_space<vmem>>, %arg7: memref<32x512xf32, #tpu.memory_space<vmem>>, %arg8: memref<32x512xf32, #tpu.memory_space<vmem>>, %arg9: memref<16x512xf32, #tpu.memory_space<vmem>>, %arg10: memref<16x512xf32, #tpu.memory_space<vmem>>, %arg11: memref<16x512xf32, #tpu.memory_space<vmem>>, %arg12: memref<8xf32, #tpu.memory_space<smem>>) attributes {dimension_semantics = [#tpu.dimension_semantics<arbitrary>], iteration_bounds = array<i64: 10>, scalar_prefetch = 0 : i64, scratch_operands = 0 : i64, tpu.core_type = #tpu.core_type<tc>, window_params = [{transform_indices = @transform_0, window_bounds = array<i64: 24, 16384>}, {transform_indices = @transform_1, window_bounds = array<i64: 24, 16384>}, {pipeline_mode = #tpu.pipeline_mode<synchronous>, transform_indices = @transform_2, window_bounds = array<i64: 160, 512>}, {pipeline_mode = #tpu.pipeline_mode<synchronous>, transform_indices = @transform_3, window_bounds = array<i64: 160, 512>}, {pipeline_mode = #tpu.pipeline_mode<synchronous>, transform_indices = @transform_4, window_bounds = array<i64: 160, 512>}, {pipeline_mode = #tpu.pipeline_mode<synchronous>, transform_indices = @transform_5, window_bounds = array<i64: 32, 512>}, {pipeline_mode = #tpu.pipeline_mode<synchronous>, transform_indices = @transform_6, window_bounds = array<i64: 32, 512>}, {pipeline_mode = #tpu.pipeline_mode<synchronous>, transform_indices = @transform_7, window_bounds = array<i64: 32, 512>}, {pipeline_mode = #tpu.pipeline_mode<synchronous>, transform_indices = @transform_8, window_bounds = array<i64: 16, 512>}, {pipeline_mode = #tpu.pipeline_mode<synchronous>, transform_indices = @transform_9, window_bounds = array<i64: 16, 512>}, {pipeline_mode = #tpu.pipeline_mode<synchronous>, transform_indices = @transform_10, window_bounds = array<i64: 16, 512>}, {transform_indices = @transform_11, window_bounds = array<i64: 8>}]} {
    %eq3A = arith.constant 0 : i32
    %eq3A_0 = arith.cmpi eq, %arg0, %eq3A : i32
    %convert_element_type3A = arith.extui %eq3A_0 : i1 to i32
    %cond3A = arith.constant 0 : i32
    %cond3A_1 = arith.cmpi ne, %convert_element_type3A, %cond3A : i32
    scf.if %cond3A_1 {
      %swap3A_52 = arith.constant 0.000000e+00 : f32
      %swap3A_53 = arith.constant 0 : index
      %swap3A_54 = memref.load %arg12[%swap3A_53] : memref<8xf32, #tpu.memory_space<smem>>
      memref.store %swap3A_52, %arg12[%swap3A_53] : memref<8xf32, #tpu.memory_space<smem>>
      %swap3A_55 = arith.constant 0.000000e+00 : f32
      %swap3A_56 = arith.constant 1 : index
      %swap3A_57 = memref.load %arg12[%swap3A_56] : memref<8xf32, #tpu.memory_space<smem>>
      memref.store %swap3A_55, %arg12[%swap3A_56] : memref<8xf32, #tpu.memory_space<smem>>
      %swap3A_58 = arith.constant 0.000000e+00 : f32
      %swap3A_59 = arith.constant 2 : index
      %swap3A_60 = memref.load %arg12[%swap3A_59] : memref<8xf32, #tpu.memory_space<smem>>
      memref.store %swap3A_58, %arg12[%swap3A_59] : memref<8xf32, #tpu.memory_space<smem>>
      %get3A_61 = arith.constant 0 : index
      %get3A_62 = arith.constant 0 : index
      %get3A_63 = vector.load %arg3[%get3A_61, %get3A_62] : memref<160x512xf32, #tpu.memory_space<vmem>>, vector<160x512xf32>
      %get3A_64 = arith.constant 0 : index
      %get3A_65 = arith.constant 0 : index
      %get3A_66 = vector.load %arg4[%get3A_64, %get3A_65] : memref<160x512xf32, #tpu.memory_space<vmem>>, vector<160x512xf32>
      %get3A_67 = arith.constant 0 : index
      %get3A_68 = arith.constant 0 : index
      %get3A_69 = vector.load %arg5[%get3A_67, %get3A_68] : memref<160x512xf32, #tpu.memory_space<vmem>>, vector<160x512xf32>
      %sub3A_70 = arith.subf %get3A_63, %get3A_66 : vector<160x512xf32>
      %abs3A = math.absf %sub3A_70 : vector<160x512xf32>
      %lt3A = arith.constant 1.000000e+00 : f32
      %lt3A_71 = vector.broadcast %lt3A : f32 to vector<160x512xf32>
      %lt3A_72 = arith.cmpf olt, %abs3A, %lt3A_71 : vector<160x512xf32>
      %mul3A_73 = arith.constant 5.000000e-01 : f32
      %mul3A_74 = vector.broadcast %mul3A_73 : f32 to vector<160x512xf32>
      %mul3A_75 = arith.mulf %mul3A_74, %abs3A : vector<160x512xf32>
      %mul3A_76 = arith.mulf %mul3A_75, %abs3A : vector<160x512xf32>
      %sub3A_77 = arith.constant 5.000000e-01 : f32
      %sub3A_78 = vector.broadcast %sub3A_77 : f32 to vector<160x512xf32>
      %sub3A_79 = arith.subf %abs3A, %sub3A_78 : vector<160x512xf32>
      %select_n3A_80 = arith.select %lt3A_72, %mul3A_76, %sub3A_79 : vector<160x512xi1>, vector<160x512xf32>
      %mul3A_81 = arith.mulf %select_n3A_80, %get3A_69 : vector<160x512xf32>
      %reduce_sum3A_82 = vector.shape_cast %mul3A_81 : vector<160x512xf32> to vector<1x160x512xf32>
      %reduce_sum3A_83 = arith.constant dense<0.000000e+00> : vector<1xf32>
      %reduce_sum3A_84 = vector.multi_reduction <add>, %reduce_sum3A_82, %reduce_sum3A_83 [1, 2] : vector<1x160x512xf32> to vector<1xf32>
      %reduce_sum3A_85 = vector.shape_cast %reduce_sum3A_84 : vector<1xf32> to vector<1x1x1xf32>
      %reduce_sum3A_86 = vector.extract %reduce_sum3A_85[0, 0, 0] : f32 from vector<1x1x1xf32>
      %swap3A_87 = arith.constant 3 : index
      %swap3A_88 = memref.load %arg12[%swap3A_87] : memref<8xf32, #tpu.memory_space<smem>>
      memref.store %reduce_sum3A_86, %arg12[%swap3A_87] : memref<8xf32, #tpu.memory_space<smem>>
      %get3A_89 = arith.constant 0 : index
      %get3A_90 = arith.constant 0 : index
      %get3A_91 = vector.load %arg6[%get3A_89, %get3A_90] : memref<32x512xf32, #tpu.memory_space<vmem>>, vector<32x512xf32>
      %get3A_92 = arith.constant 0 : index
      %get3A_93 = arith.constant 0 : index
      %get3A_94 = vector.load %arg7[%get3A_92, %get3A_93] : memref<32x512xf32, #tpu.memory_space<vmem>>, vector<32x512xf32>
      %get3A_95 = arith.constant 0 : index
      %get3A_96 = arith.constant 0 : index
      %get3A_97 = vector.load %arg8[%get3A_95, %get3A_96] : memref<32x512xf32, #tpu.memory_space<vmem>>, vector<32x512xf32>
      %sub3A_98 = arith.subf %get3A_91, %get3A_94 : vector<32x512xf32>
      %abs3A_99 = math.absf %sub3A_98 : vector<32x512xf32>
      %lt3A_100 = arith.constant 1.000000e+00 : f32
      %lt3A_101 = vector.broadcast %lt3A_100 : f32 to vector<32x512xf32>
      %lt3A_102 = arith.cmpf olt, %abs3A_99, %lt3A_101 : vector<32x512xf32>
      %mul3A_103 = arith.constant 5.000000e-01 : f32
      %mul3A_104 = vector.broadcast %mul3A_103 : f32 to vector<32x512xf32>
      %mul3A_105 = arith.mulf %mul3A_104, %abs3A_99 : vector<32x512xf32>
      %mul3A_106 = arith.mulf %mul3A_105, %abs3A_99 : vector<32x512xf32>
      %sub3A_107 = arith.constant 5.000000e-01 : f32
      %sub3A_108 = vector.broadcast %sub3A_107 : f32 to vector<32x512xf32>
      %sub3A_109 = arith.subf %abs3A_99, %sub3A_108 : vector<32x512xf32>
      %select_n3A_110 = arith.select %lt3A_102, %mul3A_106, %sub3A_109 : vector<32x512xi1>, vector<32x512xf32>
      %mul3A_111 = arith.mulf %select_n3A_110, %get3A_97 : vector<32x512xf32>
      %reduce_sum3A_112 = vector.shape_cast %mul3A_111 : vector<32x512xf32> to vector<1x32x512xf32>
      %reduce_sum3A_113 = arith.constant dense<0.000000e+00> : vector<1xf32>
      %reduce_sum3A_114 = vector.multi_reduction <add>, %reduce_sum3A_112, %reduce_sum3A_113 [1, 2] : vector<1x32x512xf32> to vector<1xf32>
      %reduce_sum3A_115 = vector.shape_cast %reduce_sum3A_114 : vector<1xf32> to vector<1x1x1xf32>
      %reduce_sum3A_116 = vector.extract %reduce_sum3A_115[0, 0, 0] : f32 from vector<1x1x1xf32>
      %swap3A_117 = arith.constant 4 : index
      %swap3A_118 = memref.load %arg12[%swap3A_117] : memref<8xf32, #tpu.memory_space<smem>>
      memref.store %reduce_sum3A_116, %arg12[%swap3A_117] : memref<8xf32, #tpu.memory_space<smem>>
      %get3A_119 = arith.constant 0 : index
      %get3A_120 = arith.constant 0 : index
      %get3A_121 = vector.load %arg9[%get3A_119, %get3A_120] : memref<16x512xf32, #tpu.memory_space<vmem>>, vector<16x512xf32>
      %jit3A = arith.constant 9.99999974E-5 : f32
      %jit3A_122 = arith.constant 0.999899983 : f32
      %max3A = vector.broadcast %jit3A : f32 to vector<16x512xf32>
      %max3A_123 = arith.maximumf %max3A, %get3A_121 : vector<16x512xf32>
      %min3A = vector.broadcast %jit3A_122 : f32 to vector<16x512xf32>
      %min3A_124 = arith.minimumf %min3A, %max3A_123 : vector<16x512xf32>
      %get3A_125 = arith.constant 0 : index
      %get3A_126 = arith.constant 0 : index
      %get3A_127 = vector.load %arg10[%get3A_125, %get3A_126] : memref<16x512xf32, #tpu.memory_space<vmem>>, vector<16x512xf32>
      %log3A_128 = math.log %min3A_124 : vector<16x512xf32>
      %mul3A_129 = arith.mulf %get3A_127, %log3A_128 : vector<16x512xf32>
      %sub3A_130 = arith.constant 1.000000e+00 : f32
      %sub3A_131 = vector.broadcast %sub3A_130 : f32 to vector<16x512xf32>
      %sub3A_132 = arith.subf %sub3A_131, %get3A_127 : vector<16x512xf32>
      %sub3A_133 = arith.constant 1.000000e+00 : f32
      %sub3A_134 = vector.broadcast %sub3A_133 : f32 to vector<16x512xf32>
      %sub3A_135 = arith.subf %sub3A_134, %min3A_124 : vector<16x512xf32>
      %log3A_136 = math.log %sub3A_135 : vector<16x512xf32>
      %mul3A_137 = arith.mulf %sub3A_132, %log3A_136 : vector<16x512xf32>
      %add3A_138 = arith.addf %mul3A_129, %mul3A_137 : vector<16x512xf32>
      %neg3A = arith.constant 0.000000e+00 : f32
      %neg3A_139 = vector.broadcast %neg3A : f32 to vector<16x512xf32>
      %neg3A_140 = arith.subf %neg3A_139, %add3A_138 : vector<16x512xf32>
      %get3A_141 = arith.constant 0 : index
      %get3A_142 = arith.constant 0 : index
      %get3A_143 = vector.load %arg11[%get3A_141, %get3A_142] : memref<16x512xf32, #tpu.memory_space<vmem>>, vector<16x512xf32>
      %mul3A_144 = arith.mulf %neg3A_140, %get3A_143 : vector<16x512xf32>
      %reduce_sum3A_145 = vector.shape_cast %mul3A_144 : vector<16x512xf32> to vector<1x16x512xf32>
      %reduce_sum3A_146 = arith.constant dense<0.000000e+00> : vector<1xf32>
      %reduce_sum3A_147 = vector.multi_reduction <add>, %reduce_sum3A_145, %reduce_sum3A_146 [1, 2] : vector<1x16x512xf32> to vector<1xf32>
      %reduce_sum3A_148 = vector.shape_cast %reduce_sum3A_147 : vector<1xf32> to vector<1x1x1xf32>
      %reduce_sum3A_149 = vector.extract %reduce_sum3A_148[0, 0, 0] : f32 from vector<1x1x1xf32>
      %swap3A_150 = arith.constant 5 : index
      %swap3A_151 = memref.load %arg12[%swap3A_150] : memref<8xf32, #tpu.memory_space<smem>>
      memref.store %reduce_sum3A_149, %arg12[%swap3A_150] : memref<8xf32, #tpu.memory_space<smem>>
      %get3A_152 = arith.constant 0 : index
      %get3A_153 = arith.constant 0 : index
      %get3A_154 = vector.load %arg11[%get3A_152, %get3A_153] : memref<16x512xf32, #tpu.memory_space<vmem>>, vector<16x512xf32>
      %reduce_sum3A_155 = vector.shape_cast %get3A_154 : vector<16x512xf32> to vector<1x16x512xf32>
      %reduce_sum3A_156 = arith.constant dense<0.000000e+00> : vector<1xf32>
      %reduce_sum3A_157 = vector.multi_reduction <add>, %reduce_sum3A_155, %reduce_sum3A_156 [1, 2] : vector<1x16x512xf32> to vector<1xf32>
      %reduce_sum3A_158 = vector.shape_cast %reduce_sum3A_157 : vector<1xf32> to vector<1x1x1xf32>
      %reduce_sum3A_159 = vector.extract %reduce_sum3A_158[0, 0, 0] : f32 from vector<1x1x1xf32>
      %swap3A_160 = arith.constant 6 : index
      %swap3A_161 = memref.load %arg12[%swap3A_160] : memref<8xf32, #tpu.memory_space<smem>>
      memref.store %reduce_sum3A_159, %arg12[%swap3A_160] : memref<8xf32, #tpu.memory_space<smem>>
      %swap3A_162 = arith.constant 0.000000e+00 : f32
      %swap3A_163 = arith.constant 7 : index
      %swap3A_164 = memref.load %arg12[%swap3A_163] : memref<8xf32, #tpu.memory_space<smem>>
      memref.store %swap3A_162, %arg12[%swap3A_163] : memref<8xf32, #tpu.memory_space<smem>>
    } else {
    }
    %get3A = arith.constant 0 : index
    %get3A_2 = arith.constant 0 : index
    %get3A_3 = vector.load %arg1[%get3A, %get3A_2] : memref<24x16384xf32, #tpu.memory_space<vmem>>, vector<24x16384xf32>
    %get3A_4 = arith.constant 0 : index
    %get3A_5 = arith.constant 0 : index
    %get3A_6 = vector.load %arg2[%get3A_4, %get3A_5] : memref<24x16384xf32, #tpu.memory_space<vmem>>, vector<24x16384xf32>
    %eq3A_7 = arith.constant 1.000000e+00 : f32
    %eq3A_8 = vector.broadcast %eq3A_7 : f32 to vector<24x16384xf32>
    %eq3A_9 = arith.cmpf oeq, %get3A_6, %eq3A_8 : vector<24x16384xf32>
    %sub3A = arith.constant 1.000000e+00 : f32
    %sub3A_10 = vector.broadcast %sub3A : f32 to vector<24x16384xf32>
    %sub3A_11 = arith.subf %sub3A_10, %get3A_3 : vector<24x16384xf32>
    %select_n3A = arith.select %eq3A_9, %get3A_3, %sub3A_11 : vector<24x16384xi1>, vector<24x16384xf32>
    %log3A = math.log %select_n3A : vector<24x16384xf32>
    %sub3A_12 = arith.constant 1.000000e+00 : f32
    %sub3A_13 = vector.broadcast %sub3A_12 : f32 to vector<24x16384xf32>
    %sub3A_14 = arith.subf %sub3A_13, %get3A_6 : vector<24x16384xf32>
    %mul3A = arith.mulf %sub3A_14, %sub3A_14 : vector<24x16384xf32>
    %mul3A_15 = arith.mulf %sub3A_11, %sub3A_11 : vector<24x16384xf32>
    %mul3A_16 = arith.mulf %get3A_3, %get3A_3 : vector<24x16384xf32>
    %mul3A_17 = arith.mulf %mul3A, %mul3A : vector<24x16384xf32>
    %mul3A_18 = arith.mulf %mul3A_16, %mul3A_17 : vector<24x16384xf32>
    %select_n3A_19 = arith.select %eq3A_9, %mul3A_15, %mul3A_18 : vector<24x16384xi1>, vector<24x16384xf32>
    %mul3A_20 = arith.mulf %log3A, %select_n3A_19 : vector<24x16384xf32>
    %convert_element_type3A_21 = arith.extui %eq3A_9 : vector<24x16384xi1> to vector<24x16384xi32>
    %convert_element_type3A_22 = arith.sitofp %convert_element_type3A_21 : vector<24x16384xi32> to vector<24x16384xf32>
    %mul3A_23 = arith.mulf %mul3A_20, %convert_element_type3A_22 : vector<24x16384xf32>
    %reduce_sum3A = vector.shape_cast %mul3A_23 : vector<24x16384xf32> to vector<1x24x16384xf32>
    %reduce_sum3A_24 = arith.constant dense<0.000000e+00> : vector<1xf32>
    %reduce_sum3A_25 = vector.multi_reduction <add>, %reduce_sum3A, %reduce_sum3A_24 [1, 2] : vector<1x24x16384xf32> to vector<1xf32>
    %reduce_sum3A_26 = vector.shape_cast %reduce_sum3A_25 : vector<1xf32> to vector<1x1x1xf32>
    %reduce_sum3A_27 = vector.extract %reduce_sum3A_26[0, 0, 0] : f32 from vector<1x1x1xf32>
    %reduce_sum3A_28 = vector.shape_cast %mul3A_20 : vector<24x16384xf32> to vector<1x24x16384xf32>
    %reduce_sum3A_29 = arith.constant dense<0.000000e+00> : vector<1xf32>
    %reduce_sum3A_30 = vector.multi_reduction <add>, %reduce_sum3A_28, %reduce_sum3A_29 [1, 2] : vector<1x24x16384xf32> to vector<1xf32>
    %reduce_sum3A_31 = vector.shape_cast %reduce_sum3A_30 : vector<1xf32> to vector<1x1x1xf32>
    %reduce_sum3A_32 = vector.extract %reduce_sum3A_31[0, 0, 0] : f32 from vector<1x1x1xf32>
    %reduce_sum3A_33 = vector.shape_cast %convert_element_type3A_22 : vector<24x16384xf32> to vector<1x24x16384xf32>
    %reduce_sum3A_34 = arith.constant dense<0.000000e+00> : vector<1xf32>
    %reduce_sum3A_35 = vector.multi_reduction <add>, %reduce_sum3A_33, %reduce_sum3A_34 [1, 2] : vector<1x24x16384xf32> to vector<1xf32>
    %reduce_sum3A_36 = vector.shape_cast %reduce_sum3A_35 : vector<1xf32> to vector<1x1x1xf32>
    %reduce_sum3A_37 = vector.extract %reduce_sum3A_36[0, 0, 0] : f32 from vector<1x1x1xf32>
    %get3A_38 = arith.constant 0 : index
    %get3A_39 = memref.load %arg12[%get3A_38] : memref<8xf32, #tpu.memory_space<smem>>
    %add3A = arith.addf %get3A_39, %reduce_sum3A_27 : f32
    %swap3A = arith.constant 0 : index
    %swap3A_40 = memref.load %arg12[%swap3A] : memref<8xf32, #tpu.memory_space<smem>>
    memref.store %add3A, %arg12[%swap3A] : memref<8xf32, #tpu.memory_space<smem>>
    %get3A_41 = arith.constant 1 : index
    %get3A_42 = memref.load %arg12[%get3A_41] : memref<8xf32, #tpu.memory_space<smem>>
    %sub3A_43 = arith.subf %reduce_sum3A_32, %reduce_sum3A_27 : f32
    %add3A_44 = arith.addf %get3A_42, %sub3A_43 : f32
    %swap3A_45 = arith.constant 1 : index
    %swap3A_46 = memref.load %arg12[%swap3A_45] : memref<8xf32, #tpu.memory_space<smem>>
    memref.store %add3A_44, %arg12[%swap3A_45] : memref<8xf32, #tpu.memory_space<smem>>
    %get3A_47 = arith.constant 2 : index
    %get3A_48 = memref.load %arg12[%get3A_47] : memref<8xf32, #tpu.memory_space<smem>>
    %add3A_49 = arith.addf %get3A_48, %reduce_sum3A_37 : f32
    %swap3A_50 = arith.constant 2 : index
    %swap3A_51 = memref.load %arg12[%swap3A_50] : memref<8xf32, #tpu.memory_space<smem>>
    memref.store %add3A_49, %arg12[%swap3A_50] : memref<8xf32, #tpu.memory_space<smem>>
    return
  }
  func.func @transform_0(%arg0: i32) -> (i32, i32) {
    %c0_i32 = arith.constant 0 : i32
    %c0_i32_0 = arith.constant 0 : i32
    return %arg0, %c0_i32 : i32, i32
  }
  func.func @transform_1(%arg0: i32) -> (i32, i32) {
    %c0_i32 = arith.constant 0 : i32
    %c0_i32_0 = arith.constant 0 : i32
    return %arg0, %c0_i32 : i32, i32
  }
  func.func @transform_2(%arg0: i32) -> (i32, i32) {
    %c0_i32 = arith.constant 0 : i32
    %c0_i32_0 = arith.constant 0 : i32
    %c0_i32_1 = arith.constant 0 : i32
    return %c0_i32, %c0_i32_0 : i32, i32
  }
  func.func @transform_3(%arg0: i32) -> (i32, i32) {
    %c0_i32 = arith.constant 0 : i32
    %c0_i32_0 = arith.constant 0 : i32
    %c0_i32_1 = arith.constant 0 : i32
    return %c0_i32, %c0_i32_0 : i32, i32
  }
  func.func @transform_4(%arg0: i32) -> (i32, i32) {
    %c0_i32 = arith.constant 0 : i32
    %c0_i32_0 = arith.constant 0 : i32
    %c0_i32_1 = arith.constant 0 : i32
    return %c0_i32, %c0_i32_0 : i32, i32
  }
  func.func @transform_5(%arg0: i32) -> (i32, i32) {
    %c0_i32 = arith.constant 0 : i32
    %c0_i32_0 = arith.constant 0 : i32
    %c0_i32_1 = arith.constant 0 : i32
    return %c0_i32, %c0_i32_0 : i32, i32
  }
  func.func @transform_6(%arg0: i32) -> (i32, i32) {
    %c0_i32 = arith.constant 0 : i32
    %c0_i32_0 = arith.constant 0 : i32
    %c0_i32_1 = arith.constant 0 : i32
    return %c0_i32, %c0_i32_0 : i32, i32
  }
  func.func @transform_7(%arg0: i32) -> (i32, i32) {
    %c0_i32 = arith.constant 0 : i32
    %c0_i32_0 = arith.constant 0 : i32
    %c0_i32_1 = arith.constant 0 : i32
    return %c0_i32, %c0_i32_0 : i32, i32
  }
  func.func @transform_8(%arg0: i32) -> (i32, i32) {
    %c0_i32 = arith.constant 0 : i32
    %c0_i32_0 = arith.constant 0 : i32
    %c0_i32_1 = arith.constant 0 : i32
    return %c0_i32, %c0_i32_0 : i32, i32
  }
  func.func @transform_9(%arg0: i32) -> (i32, i32) {
    %c0_i32 = arith.constant 0 : i32
    %c0_i32_0 = arith.constant 0 : i32
    %c0_i32_1 = arith.constant 0 : i32
    return %c0_i32, %c0_i32_0 : i32, i32
  }
  func.func @transform_10(%arg0: i32) -> (i32, i32) {
    %c0_i32 = arith.constant 0 : i32
    %c0_i32_0 = arith.constant 0 : i32
    %c0_i32_1 = arith.constant 0 : i32
    return %c0_i32, %c0_i32_0 : i32, i32
  }
  func.func @transform_11(%arg0: i32) -> i32 {
    %c0_i32 = arith.constant 0 : i32
    %c0_i32_0 = arith.constant 0 : i32
    return %c0_i32 : i32
  }
}

</mosaic_0001>

<sc_bundles>
// kernel: kernel.4.cloned.1.call-start
scs
__scs_entry_jumppad:
0x0: {  	(pc) =	sbr.rel $0x88, $3  }
0x1: {  	(tag) =	ssettag $0x0;
	lr =	simm.s32 $0x1  }
0x2: {  	[smem:$0x3F97] =	sst lr;
	_ =	strace $0xD0000000  }
0x3: {  	_ = 	snop  }
0x4: {  	_ = 	snop  }
0x5: {  	_ = 	snop  }
0x6: {  	_ = 	snop  }
0x7: {  	_ = 	snop  }
__scs_overlays_trampoline_lowered:
0x8: {  	[smem:$0x3FA6] =	sst s0  }
0x9: {  	[smem:$0x3FA7] =	sst s1  }
0xa: {  	[smem:$0x3FA8] =	sst s2  }
0xb: {  	[smem:$0x3FA9] =	sst s3  }
0xc: {  	[smem:$0x3FAA] =	sst s4  }
0xd: {  	[smem:$0x3FAB] =	sst s5  }
0xe: {  	[smem:$0x3FAC] =	sst s6  }
0xf: {  	[smem:$0x3FAD] =	sst s7  }
0x10: {  	[smem:$0x3FAE] =	sst s8  }
0x11: {  	[smem:$0x3FAF] =	sst s9;
	s0 =	simm.s32 @!p0 $0x0  }
0x12: {  	s1 =	sld [smem:$0x3F95];
	s0 =	simm.s32 @p0 $0x1  }
0x13: {  	[smem:$0x3FB0] =	sst s0;
	s0 =	simm.s32 @!p1 $0x0  }
0x14: {  	s2 =	sld [smem:$0x3F94];
	s0 =	simm.s32 @p1 $0x1  }
0x15: {  	[smem:$0x3FB1] =	sst s0;
	s0 =	simm.s32 @!p2 $0x0  }
0x16: {  	s3 =	sld [smem:$0x3FDB];
	s0 =	simm.s32 @p2 $0x1  }
0x17: {  	s4 =	simm.s32 $0x1BF5;
	[smem:$0x3FB3] =	sst s0  }
0x18: {  	s0 =	sld [smem:$0x3F96];
	_ =	swait.ge [sflag:s4], $0x0  }
0x19: {  	s7 =	sld [smem:$0x3F97]  }
0x1a: {  	s8 =	sadd.s32 $0xFFFFE003, lr  }
0x1b: {  	s9 =	sadd.s32 $0xFFFFFEF7, lr;
	s5 =	simm.s32 $0xFFFFFFFF;
	p2 =	slt.u32 s8, $0xFFFFF086  }
0x1c: {  	p1 =	slt.u32 s9, $0xF7A;
	s5 =	simm.s32 @!p2 $0x0  }
0x1d: {  	s5 =	simm.s32 @p1 $0x1;
	p0 =	seq.s32 s7, s2  }
0x1e: {  	s7 =	smul.u32 @!p0 $0xF7A, s2;
	p2 =	seq.s32 @!p0 s5, $0x0  }
0x1f: {  	s9 =	smul.u32 $0xF7A, s1;
	s8 =	simm.s32 @!p0 $0x1BF5;
	p2 =	por !p2, p0  }
0x20: {  	[sflag:s8] =	ssyncset.s32 @!p0 $0xFFFFF086;
	s6 =	sadd.s32 @!p0 s3, s7;
	s7 =	simm.s32 @!p0 $0x108  }
0x21: {  	s3 =	sadd.s32 s3, s9;
	s6 =	sadd.s32 @!p0 $0x88, s6;
	s7 =	simm.s32 @p2 $0x1082  }
0x22: {  	[simem:s7], [sflag:s8] =	dma.local @!p0 [hbm:s6], $0xF7A  }
0x23: {  	s9 =	sor.u32 $0xD0000000, s2;
	s6 =	simm.s32 $0x108;
	_ =	swait.ge @!p0 [sflag:s8], $0x0  }
0x24: {  	s3 =	sadd.s32 $0x88, s3;
	s6 =	simm.s32 @!p1 $0x1082;
	[sflag:s4] =	ssyncset.s32 $0xFFFFF086  }
0x25: {  	[simem:s6], [sflag:s4] =	dma.local [hbm:s3], $0xF7A  }
0x26: {  	[smem:$0x3F97] =	sst s1;
	(tag) =	ssettag s2;
	_ =	strace s9  }
0x27: {  	s1 =	sld [smem:$0x3FA7]  }
0x28: {  	s2 =	sld [smem:$0x3FA8]  }
0x29: {  	s4 =	sld [smem:$0x3FAA]  }
0x2a: {  	p0 =	seq.s32 s5, $0x0;
	s5 =	sld [smem:$0x3FAB]  }
0x2b: {  	s6 =	sld [smem:$0x3FAC]  }
0x2c: {  	s7 =	sld [smem:$0x3FAD]  }
0x2d: {  	s3 =	simm.s32 $0x108;
	s8 =	sld [smem:$0x3FAE]  }
0x2e: {  	s3 =	simm.s32 @!p0 $0x1082;
	s9 =	sld [smem:$0x3FAF]  }
0x2f: {  	lr =	sadd.s32 s0, s3;
	s0 =	sld [smem:$0x3FA6]  }
0x30: {  	s3 =	sld [smem:$0x3FA9]  }
0x31: {  	[smem:$0x3FB2] =	sst s10  }
0x32: {  	s10 =	sld [smem:$0x3FB0];
	_ =	sdelay $0x3  }
0x33: {  	p0 =	seq.s32 s10, $0x1;
	s10 =	sld [smem:$0x3FB2];
	_ =	sdelay $0x3  }
0x34: {  	[smem:$0x3FB2] =	sst s10  }
0x35: {  	s10 =	sld [smem:$0x3FB1];
	_ =	sdelay $0x3  }
0x36: {  	p1 =	seq.s32 s10, $0x1;
	s10 =	sld [smem:$0x3FB2];
	_ =	sdelay $0x3  }
0x37: {  	[smem:$0x3FB2] =	sst s10  }
0x38: {  	s10 =	sld [smem:$0x3FB3]  }
0x39: {  	_ = 	snop;
	(pc) =	sbr.ind lr, $3  }
0x3a: {  	_ = 	snop  }
0x3b: {  	_ = 	snop  }
0x3c: {  	p2 =	seq.s32 s10, $0x1;
	s10 =	sld [smem:$0x3FB2]  }
0x3d: {  	_ =	shalt  }
0x3e: {  	_ =	shalt  }
0x3f: {  	_ =	shalt  }
0x40: {  	_ =	shalt  }
0x41: {  	_ =	shalt  }
0x42: {  	_ =	shalt  }
0x43: {  	_ =	shalt  }
0x44: {  	_ =	shalt  }
0x45: {  	_ =	shalt  }
0x46: {  	_ =	shalt  }
0x47: {  	_ =	shalt  }
0x48: {  	_ =	shalt  }
0x49: {  	_ =	shalt  }
0x4a: {  	_ =	shalt  }
0x4b: {  	_ =	shalt  }
0x4c: {  	_ =	shalt  }
0x4d: {  	_ =	shalt  }
0x4e: {  	_ =	shalt  }
0x4f: {  	_ =	shalt  }
0x50: {  	_ =	shalt  }
0x51: {  	_ =	shalt  }
0x52: {  	_ =	shalt  }
0x53: {  	_ =	shalt  }
0x54: {  	_ =	shalt  }
0x55: {  	_ =	shalt  }
0x56: {  	_ =	shalt  }
0x57: {  	_ =	shalt  }
0x58: {  	_ =	shalt  }
0x59: {  	_ =	shalt  }
0x5a: {  	_ =	shalt  }
0x5b: {  	_ =	shalt  }
0x5c: {  	_ =	shalt  }
0x5d: {  	_ =	shalt  }
0x5e: {  	_ =	shalt  }
0x5f: {  	_ =	shalt  }
0x60: {  	_ =	shalt  }
0x61: {  	_ =	shalt  }
0x62: {  	_ =	shalt  }
0x63: {  	_ =	shalt  }
0x64: {  	_ =	shalt  }
0x65: {  	_ =	shalt  }
0x66: {  	_ =	shalt  }
0x67: {  	_ =	shalt  }
0x68: {  	_ =	shalt  }
0x69: {  	_ =	shalt  }
0x6a: {  	_ =	shalt  }
0x6b: {  	_ =	shalt  }
0x6c: {  	_ =	shalt  }
0x6d: {  	_ =	shalt  }
0x6e: {  	_ =	shalt  }
0x6f: {  	_ =	shalt  }
0x70: {  	_ =	shalt  }
0x71: {  	_ =	shalt  }
0x72: {  	_ =	shalt  }
0x73: {  	_ =	shalt  }
0x74: {  	_ =	shalt  }
0x75: {  	_ =	shalt  }
0x76: {  	_ =	shalt  }
0x77: {  	_ =	shalt  }
0x78: {  	_ =	shalt  }
0x79: {  	_ =	shalt  }
0x7a: {  	_ =	shalt  }
0x7b: {  	_ =	shalt  }
0x7c: {  	_ =	shalt  }
0x7d: {  	_ =	shalt  }
0x7e: {  	_ =	shalt  }
0x7f: {  	_ =	shalt  }
0x80: {  	_ =	shalt  }
0x81: {  	_ =	shalt  }
0x82: {  	_ =	shalt  }
0x83: {  	_ =	shalt  }
0x84: {  	_ =	shalt  }
0x85: {  	_ =	shalt  }
0x86: {  	_ =	shalt  }
0x87: {  	_ =	shalt  }
.Lfunc_end0:
.L_simem_size_0:
called_computation_lowered:
.L_overlay_start_0:
0x88: {  	s2 =	sld [smem:$0x3FD9]  }
0x89: {  	s3 =	sld [smem:$0x3FFE];
	_ =	sdelay $0x1  }
0x8a: {  	s1 =	srdreg.scid  }
0x8b: {  	s0 =	sand.u32 $0x1, s1  }
0x8c: {  	s16 =	sshll.u32 s0, $0xA;
	s2 =	sadd.s32 s3, s2  }
0x8d: {  	s2 =	sadd.s32 s2, s16  }
0x8e: {  	[smem:$0x3FBE] =	sst s2  }
0x8f: {  	_ = 	snop  }
0x90: {  	(tm) =	ssettm $0x1  }
0x91: {  	s17 =	sld [smem:$0x3FFB];
	_ =	sdelay $0x3  }
0x92: {  	_ =	strace s17  }
0x93: {  	s2 =	sld [smem:$0x3FFC];
	_ =	sdelay $0x3  }
0x94: {  	_ =	strace s2  }
0x95: {  	s2 =	sld [smem:$0x3FFD];
	_ =	sdelay $0x3  }
0x96: {  	_ =	strace s2  }
0x97: {  	_ =	strace $0x8FFFFFFF  }
0x98: {  	s18 =	sld [smem:$0x3FDB];
	_ =	sdelay $0x1  }
0x99: {  	s19 =	simm.s32 $_scs_section_size  }
0x9a: {  	s4 =	simm.s32 $_size__tile_overlayer_lowered;
	s5 =	simm.s32 $_tile_overlayer_lowered  }
0x9b: {  	s22 =	simm.s32 $0x1BFF;
	s21 =	sshll.u32 s5, $0x1;
	s2 =	sadd.s32 s19, s18  }
0x9c: {  	s6 =	simm.s32 $0x0;
	s20 =	sshll.u32 s4, $0x1;
	s4 =	sadd.s32 s21, s2  }
0x9d: {  	[timem:s6], [sflag:s22] =	dma.local [hbm:s4], s20  }
0x9e: {  	_ =	swait.ge [sflag:s22], s20  }
0x9f: {  	s3 =	ssub.s32 $0x0, s20;
	[sflag:s22] =	ssyncset.done $0x0  }
0xa0: {  	[sflag:s22] =	ssyncadd.s32 s3;
	_ =	sdelay $0x1  }
0xa1: {  	s23 =	simm.s32 $0x1B8B  }
0xa2: {  	_ =	swait.ge [sflag:s23], $0x1  }
0xa3: {  	[sflag:s23] =	ssyncset.done $0x0  }
0xa4: {  	s25 =	simm.s32 $0x1B8E;
	s24 =	sld [smem:$0x3FFE];
	[sflag:s23] =	ssyncadd.s32 $0xFFFFFFFF  }
0xa5: {  	s26 =	simm.s32 $execute0_lowered;
	[smem:$0x3FD2] =	sst s25  }
0xa6: {  	s4 =	sshll.u32 s26, $0x1;
	_ =	strace $0x80000046;
	[dreg:$0x1] =	wrdreg $0xFFFFFFFF  }
0xa7: {  	s28 =	simm.s32 $_size_execute0_lowered;
	s2 =	sadd.s32 s2, s4;
	[dreg:$0x0] =	wrdreg $0x0  }
0xa8: {  	s4 =	sshll.u32 s28, $0x1;
	[dreg:$0x2] =	wrdreg s2  }
0xa9: {  	[dreg:$0x3] =	wrdreg s4  }
0xaa: {  	[dreg:$0x4] =	wrdreg $0xC0  }
0xab: {  	_ =	task [dreg:s6], $0x5FFFF  }
0xac: {  	[dreg:$0x1] =	wrdreg $0xFFFFFFFF  }
0xad: {  	[dreg:$0x0] =	wrdreg $0x60  }
0xae: {  	[dreg:$0x2] =	wrdreg s24  }
0xaf: {  	[dreg:$0x3] =	wrdreg $0x9  }
0xb0: {  	_ =	task.clear_ibuf [dreg:s6], $0x4FFFF;
	_ =	strace $0x90000046  }
0xb1: {  	s29 =	simm.s32 $0x9;
	_ =	strace $0x80000048  }
0xb2: {  	_ =	swait.ge [sflag:s29], $0x1  }
0xb3: {  	[sflag:s29] =	ssyncadd.s32 $0xFFFFFFFF  }
0xb4: {  	_ =	strace $0x90000048  }
0xb5: {  	_ =	sfence  }
0xb6: {  	s30 =	sld [smem:$0x0];
	_ =	sdelay $0x2  }
0xb7: {  	s31 =	sshll.u32 s1, $0xD;
	s1 =	sshrl.u32 s1, $0x2  }
0xb8: {  	s3 =	sand.u32 $0x4000, s31;
	s1 =	sadd.s32 s1, s30  }
0xb9: {  	s0 =	sor.u32 s3, s0;
	s1 =	sshll.u32 s1, $0x11  }
0xba: {  	s0 =	sor.u32 s1, s0  }
0xbb: {  	s0 =	sadd.s32 $0x8F2B, s0  }
0xbc: {  	[sflag:s0] =	ssyncadd.remote.s32 $0x1  }
0xbd: {  	_ =	sfence.sel $0xFFFF  }
0xbe: {  	[dreg:$0x0] =	wrdreg $0xFFFFFFFF;
	(pc) =	sbr.abs _section_cstart, $3  }
0xbf: {  	[dreg:$0x1] =	wrdreg $0xFFFFFFFF  }
0xc0: {  	_ =	task.clear_ibuf [dreg:s6], $0x2FFFF;
	_ =	strace $0x9FFFFFFF  }
0xc1: {  	(tm) =	ssettm $0x7FFFFFFF  }
tec
execute0_lowered:
.L_overlay_start_1:
0x0: {  	(tag) =	ssettag $0x1  }
0x1: {  	s1 =	srdreg.scid  }
0x2: {  	s0 =	stileid.u32;
	s20 =	sand.u32 $0x1, s1  }
0x3: {  	s1 =	sor.u32 s20, s0  }
0x4: {  	p1 =	seq.s32 s20, $0x1;
	p0 =	seq.s32 s1, $0x0  }
0x5: {  	s4 =	rddreg [dreg:$0x0];
	s2 =	simm.s32 $0x0;
	p0 =	por !p0, !p1  }
0x6: {  	[smem:$0x7FF] =	sst s2;
	s1 =	simm.s32 $0x1;
	p0 =	por !p0, !p0  }
0x7: {  	s13 =	sadd.s32 $0x1AC00, s4;
	s14 =	sadd.s32 $0x6B000, s4;
	s1 =	simm.s32 @!p0 $0x0  }
0x8: {  	s30 =	smul.u32 $0x5, s20;
	p0 =	sne.s32 s20, $0x0;
	s5 =	ssub.s32 s0, s1  }
0x9: {  	s1 =	rddreg [dreg:$0x1];
	_ =	strace $0x80000047;
	s3 =	sshll.u32 s5, $0x1  }
0xa: {  	s8 =	sshrl.u32 s5, $0x3;
	s9 =	sshll.u32 s5, $0x7;
	s5 =	smul.u32 $0xA, s5  }
0xb: {  	s6 =	sshrl.u32 s3, $0x3;
	s3 =	sand.u32 $0x6, s3;
	s9 =	sand.u32 $0x380, s9  }
0xc: {  	s28 =	sshll.u32 s8, $0x11;
	s29 =	sshll.u32 s8, $0xC;
	s7 =	sshll.u32 s6, $0x11  }
0xd: {  	s3 =	sor.u32 s20, s3;
	s11 =	sor.u32 s9, s28;
	s6 =	sshll.u32 s6, $0xC  }
0xe: {  	s12 =	sadd.s32 s30, s5;
	s10 =	sshll.u32 s3, $0x7;
	s3 =	simm.s32 $0x1  }
0xf: {  	s11 =	sshrl.u32 s11, $0x3;
	s23 =	sadd.s32 $0x2, s12;
	s7 =	sor.u32 s7, s10  }
0x10: {  	s17 =	sadd.s32 s11, s4;
	s6 =	sor.u32 s6, s10;
	s10 =	sshll.u32 s12, $0x7  }
0x11: {  	s24 =	sshrl.u32 s23, $0x3;
	s7 =	sshrl.u32 s7, $0x3;
	s6 =	sshrl.u32 s6, $0x3  }
0x12: {  	s25 =	sshll.u32 s24, $0x11;
	s17 =	sadd.s32 $0x2C00, s17;
	s15 =	sadd.s32 s7, s4  }
0x13: {  	s7 =	sor.u32 s9, s29;
	s16 =	sadd.s32 s6, s4;
	s9 =	sshrl.u32 s12, $0x3  }
0x14: {  	s31 =	sshrl.u32 s7, $0x3;
	s7 =	ssub.s32 $0x2, s20;
	s11 =	sshll.u32 s9, $0x11  }
0x15: {  	s6 =	sshll.u32 s9, $0xC;
	s15 =	sadd.s32 $0xAC00, s15;
	s16 =	sadd.s32 $0x6D800, s16  }
0x16: {  	s20 =	simm.s32 $0x80;
	s18 =	sadd.s32 s31, s4;
	s8 =	sshrl.u32 s7, $0x1  }
0x17: {  	s19 =	ssub.s32 s7, s8;
	s7 =	sand.u32 $0x380, s10;
	s4 =	sadd.s32 $0x6AC00, s18  }
0x18: {  	s8 =	sadd.s32 $0x1, s12;
	s10 =	sshll.u32 s23, $0x7;
	s18 =	sadd.s32 $0x6E000, s18  }
0x19: {  	s5 =	sor.u32 s7, s11;
	s21 =	sshrl.u32 s8, $0x3;
	s8 =	sshll.u32 s8, $0x7  }
0x1a: {  	s6 =	sor.u32 s7, s6;
	s10 =	sand.u32 $0x380, s10;
	s19 =	smax.u32 s19, $0x1  }
0x1b: {  	s22 =	sshll.u32 s21, $0x11;
	s8 =	sand.u32 $0x380, s8;
	s5 =	sshrl.u32 s5, $0x3  }
0x1c: {  	s6 =	sshrl.u32 s6, $0x3;
	s9 =	sshll.u32 s21, $0xC;
	s11 =	sor.u32 s10, s25  }
0x1d: {  	s21 =	sadd.s32 $0x3, s12;
	s12 =	sadd.s32 $0x4, s12;
	s7 =	sor.u32 s8, s22  }
0x1e: {  	s5 =	sadd.s32 s13, s5;
	s6 =	sadd.s32 s14, s6;
	s8 =	sor.u32 s8, s9  }
0x1f: {  	s9 =	sshll.u32 s24, $0xC;
	s22 =	sshrl.u32 s21, $0x3;
	s21 =	sshll.u32 s21, $0x7  }
0x20: {  	s11 =	sshrl.u32 s11, $0x3;
	s29 =	sshrl.u32 s12, $0x3;
	s12 =	sshll.u32 s12, $0x7  }
0x21: {  	s7 =	sshrl.u32 s7, $0x3;
	s8 =	sshrl.u32 s8, $0x3;
	s9 =	sor.u32 s10, s9  }
0x22: {  	s26 =	sshll.u32 s22, $0x11;
	s21 =	sand.u32 $0x380, s21;
	s22 =	sshll.u32 s22, $0xC  }
0x23: {  	s30 =	sshll.u32 s29, $0x11;
	s12 =	sand.u32 $0x380, s12;
	s7 =	sadd.s32 s13, s7  }
0x24: {  	s8 =	sadd.s32 s14, s8;
	s23 =	sshrl.u32 s9, $0x3;
	s24 =	sor.u32 s21, s26  }
0x25: {  	s9 =	sadd.s32 s13, s11;
	s21 =	sor.u32 s21, s22;
	s22 =	sshll.u32 s29, $0xC  }
.Ltmp0:
0x26: {  	s10 =	sadd.s32 s14, s23;
	s28 =	sshrl.u32 s24, $0x3;
	(pc) =	sbr.rel .LBB2_1-.Ltmp0, $4  }
0x27: {  	s21 =	sshrl.u32 s21, $0x3;
	s23 =	sor.u32 s12, s30;
	s22 =	sor.u32 s12, s22  }
0x28: {  	s11 =	sadd.s32 s13, s28;
	s12 =	sadd.s32 s14, s21;
	s31 =	sshrl.u32 s23, $0x3  }
0x29: {  	s22 =	sshrl.u32 s22, $0x3;
	s21 =	simm.s32 $0x400;
	s23 =	simm.s32 $0x4200  }
0x2a: {  	s13 =	sadd.s32 s13, s31;
	s14 =	sadd.s32 s14, s22;
	s22 =	simm.s32 $0x4000  }
.LBB2_3:
0x2b: {  	s19 =	sadd.s32 $0xFFFFFFFF, s19  }
0x2c: {  	p1 =	sne.s32 s19, $0x0  }
.Ltmp1:
0x2d: {  	_ = 	snop;
	(pc) =	sbr.rel @!p1 .LBB2_4-.Ltmp1, $1  }
0x2e: {  	_ =	sdelay $0x3  }
.LBB2_1:
0x2f: {  	[tilespmem:s22], [sflag:$0x1] =	stream.strided.gather [hbm4b:s4+s20], $0x200, s21, s20, $0x38;
	[tilespmem:$0x4400] =	vst v63  }
0x30: {  	_ =	swait.ge [sflag:s3], $0x200  }
0x31: {  	[sflag:s3] =	ssyncset.done $0x0  }
0x32: {  	[sflag:s3] =	ssyncadd.s32 $0xFFFFFE00  }
0x33: {  	[tilespmem:s2], [sflag:$0x1] =	stream.strided.gather [hbm4b:s5+s20], $0x4000, s21, s20, $0x38;
	[tilespmem:$0x4400] =	vst v63  }
0x34: {  	_ =	swait.ge [sflag:s3], $0x4000  }
0x35: {  	[sflag:s3] =	ssyncset.done $0x0  }
0x36: {  	[sflag:s3] =	ssyncadd.s32 $0xFFFFC000  }
0x37: {  	v0 =	vld [tilespmem:$0x4000];
	_ =	sdelay $0x5  }
0x38: {  	v1 =	vld [tilespmem:$0x4010];
	_ =	sdelay $0x1  }
0x39: {  	v0 =	vld.idx.msk [tilespmem:v0+s2+$0x0], $0xffff;
	_ =	sdelay $0x3  }
0x3a: {  	v2 =	vld [tilespmem:$0x4020]  }
0x3b: {  	[tilespmem:$0x4200] =	vst v0  }
0x3c: {  	v0 =	vld.idx.msk [tilespmem:v1+s2+$0x0], $0xffff;
	_ =	sdelay $0x3  }
0x3d: {  	v56 =	vld [tilespmem:$0x4030]  }
0x3e: {  	[tilespmem:$0x4210] =	vst v0  }
0x3f: {  	v0 =	vld.idx.msk [tilespmem:v2+s2+$0x0], $0xffff;
	_ =	sdelay $0x3  }
0x40: {  	v57 =	vld [tilespmem:$0x4040]  }
0x41: {  	[tilespmem:$0x4220] =	vst v0  }
0x42: {  	v0 =	vld.idx.msk [tilespmem:v56+s2+$0x0], $0xffff;
	_ =	sdelay $0x3  }
0x43: {  	v58 =	vld [tilespmem:$0x4050]  }
0x44: {  	[tilespmem:$0x4230] =	vst v0  }
0x45: {  	v0 =	vld.idx.msk [tilespmem:v57+s2+$0x0], $0xffff;
	_ =	sdelay $0x3  }
0x46: {  	v59 =	vld [tilespmem:$0x4060]  }
0x47: {  	[tilespmem:$0x4240] =	vst v0  }
0x48: {  	v0 =	vld.idx.msk [tilespmem:v58+s2+$0x0], $0xffff;
	_ =	sdelay $0x3  }
0x49: {  	v60 =	vld [tilespmem:$0x4070]  }
0x4a: {  	[tilespmem:$0x4250] =	vst v0  }
0x4b: {  	v0 =	vld.idx.msk [tilespmem:v59+s2+$0x0], $0xffff;
	_ =	sdelay $0x3  }
0x4c: {  	v61 =	vld [tilespmem:$0x4080]  }
0x4d: {  	[tilespmem:$0x4260] =	vst v0  }
0x4e: {  	v0 =	vld.idx.msk [tilespmem:v60+s2+$0x0], $0xffff;
	_ =	sdelay $0x3  }
0x4f: {  	v62 =	vld [tilespmem:$0x4090]  }
0x50: {  	[tilespmem:$0x4270] =	vst v0  }
0x51: {  	v0 =	vld.idx.msk [tilespmem:v61+s2+$0x0], $0xffff;
	_ =	sdelay $0x3  }
0x52: {  	v63 =	vld [tilespmem:$0x40A0]  }
0x53: {  	[tilespmem:$0x4280] =	vst v0  }
0x54: {  	v0 =	vld.idx.msk [tilespmem:v62+s2+$0x0], $0xffff;
	_ =	sdelay $0x3  }
0x55: {  	v4 =	vld [tilespmem:$0x40B0]  }
0x56: {  	[tilespmem:$0x4290] =	vst v0  }
0x57: {  	v0 =	vld.idx.msk [tilespmem:v63+s2+$0x0], $0xffff;
	_ =	sdelay $0x3  }
0x58: {  	v5 =	vld [tilespmem:$0x40C0]  }
0x59: {  	[tilespmem:$0x42A0] =	vst v0  }
0x5a: {  	v0 =	vld.idx.msk [tilespmem:v4+s2+$0x0], $0xffff;
	_ =	sdelay $0x3  }
0x5b: {  	v6 =	vld [tilespmem:$0x40D0]  }
0x5c: {  	[tilespmem:$0x42B0] =	vst v0  }
0x5d: {  	v0 =	vld.idx.msk [tilespmem:v5+s2+$0x0], $0xffff;
	_ =	sdelay $0x3  }
0x5e: {  	v7 =	vld [tilespmem:$0x40E0]  }
0x5f: {  	[tilespmem:$0x42C0] =	vst v0  }
0x60: {  	v0 =	vld.idx.msk [tilespmem:v6+s2+$0x0], $0xffff;
	_ =	sdelay $0x3  }
0x61: {  	v8 =	vld [tilespmem:$0x40F0]  }
0x62: {  	[tilespmem:$0x42D0] =	vst v0  }
0x63: {  	v0 =	vld.idx.msk [tilespmem:v7+s2+$0x0], $0xffff;
	_ =	sdelay $0x3  }
0x64: {  	v9 =	vld [tilespmem:$0x4100]  }
0x65: {  	[tilespmem:$0x42E0] =	vst v0  }
0x66: {  	v0 =	vld.idx.msk [tilespmem:v8+s2+$0x0], $0xffff;
	_ =	sdelay $0x3  }
0x67: {  	v10 =	vld [tilespmem:$0x4110]  }
0x68: {  	[tilespmem:$0x42F0] =	vst v0  }
0x69: {  	v0 =	vld.idx.msk [tilespmem:v9+s2+$0x0], $0xffff;
	_ =	sdelay $0x3  }
0x6a: {  	v11 =	vld [tilespmem:$0x4120]  }
0x6b: {  	[tilespmem:$0x4300] =	vst v0  }
0x6c: {  	v0 =	vld.idx.msk [tilespmem:v10+s2+$0x0], $0xffff;
	_ =	sdelay $0x3  }
0x6d: {  	v12 =	vld [tilespmem:$0x4130]  }
0x6e: {  	[tilespmem:$0x4310] =	vst v0  }
0x6f: {  	v0 =	vld.idx.msk [tilespmem:v11+s2+$0x0], $0xffff;
	_ =	sdelay $0x3  }
0x70: {  	v13 =	vld [tilespmem:$0x4140]  }
0x71: {  	[tilespmem:$0x4320] =	vst v0  }
0x72: {  	v0 =	vld.idx.msk [tilespmem:v12+s2+$0x0], $0xffff;
	_ =	sdelay $0x3  }
0x73: {  	v14 =	vld [tilespmem:$0x4150]  }
0x74: {  	[tilespmem:$0x4330] =	vst v0  }
0x75: {  	v0 =	vld.idx.msk [tilespmem:v13+s2+$0x0], $0xffff;
	_ =	sdelay $0x3  }
0x76: {  	v15 =	vld [tilespmem:$0x4160]  }
0x77: {  	[tilespmem:$0x4340] =	vst v0  }
0x78: {  	v0 =	vld.idx.msk [tilespmem:v14+s2+$0x0], $0xffff;
	_ =	sdelay $0x3  }
0x79: {  	v16 =	vld [tilespmem:$0x4170]  }
0x7a: {  	[tilespmem:$0x4350] =	vst v0  }
0x7b: {  	v0 =	vld.idx.msk [tilespmem:v15+s2+$0x0], $0xffff;
	_ =	sdelay $0x3  }
0x7c: {  	v17 =	vld [tilespmem:$0x4180]  }
0x7d: {  	[tilespmem:$0x4360] =	vst v0  }
0x7e: {  	v0 =	vld.idx.msk [tilespmem:v16+s2+$0x0], $0xffff;
	_ =	sdelay $0x3  }
0x7f: {  	v18 =	vld [tilespmem:$0x4190]  }
0x80: {  	[tilespmem:$0x4370] =	vst v0  }
0x81: {  	v0 =	vld.idx.msk [tilespmem:v17+s2+$0x0], $0xffff;
	_ =	sdelay $0x3  }
0x82: {  	v19 =	vld [tilespmem:$0x41A0]  }
0x83: {  	[tilespmem:$0x4380] =	vst v0  }
0x84: {  	v0 =	vld.idx.msk [tilespmem:v18+s2+$0x0], $0xffff;
	_ =	sdelay $0x3  }
0x85: {  	v20 =	vld [tilespmem:$0x41B0]  }
0x86: {  	[tilespmem:$0x4390] =	vst v0  }
0x87: {  	v0 =	vld.idx.msk [tilespmem:v19+s2+$0x0], $0xffff;
	_ =	sdelay $0x3  }
0x88: {  	v21 =	vld [tilespmem:$0x41C0]  }
0x89: {  	[tilespmem:$0x43A0] =	vst v0  }
0x8a: {  	v0 =	vld.idx.msk [tilespmem:v20+s2+$0x0], $0xffff;
	_ =	sdelay $0x3  }
0x8b: {  	v22 =	vld [tilespmem:$0x41D0]  }
0x8c: {  	[tilespmem:$0x43B0] =	vst v0  }
0x8d: {  	v0 =	vld.idx.msk [tilespmem:v21+s2+$0x0], $0xffff;
	_ =	sdelay $0x3  }
0x8e: {  	v23 =	vld [tilespmem:$0x41E0]  }
0x8f: {  	[tilespmem:$0x43C0] =	vst v0  }
0x90: {  	v0 =	vld.idx.msk [tilespmem:v22+s2+$0x0], $0xffff;
	_ =	sdelay $0x3  }
0x91: {  	v24 =	vld [tilespmem:$0x41F0]  }
0x92: {  	[tilespmem:$0x43D0] =	vst v0  }
0x93: {  	v0 =	vld.idx.msk [tilespmem:v23+s2+$0x0], $0xffff;
	_ =	sdelay $0x4  }
0x94: {  	[tilespmem:$0x43E0] =	vst v0  }
0x95: {  	v0 =	vld.idx.msk [tilespmem:v24+s2+$0x0], $0xffff;
	_ =	sdelay $0x4  }
0x96: {  	[tilespmem:$0x43F0] =	vst v0  }
0x97: {  	[hbm4b:s6+s20] =	stream.strided.scatter [tilespmem:s23], [sflag:$0x1], $0x200, s21, s20, $0x38;
	[tilespmem:$0x4400] =	vst v63  }
0x98: {  	_ =	swait.ge [sflag:s3], $0x200  }
0x99: {  	[sflag:s3] =	ssyncset.done $0x0  }
0x9a: {  	[sflag:s3] =	ssyncadd.s32 $0xFFFFFE00  }
0x9b: {  	[tilespmem:s2], [sflag:$0x1] =	stream.strided.gather [hbm4b:s7+s20], $0x4000, s21, s20, $0x38;
	[tilespmem:$0x4400] =	vst v63  }
0x9c: {  	_ =	swait.ge [sflag:s3], $0x4000  }
0x9d: {  	[sflag:s3] =	ssyncset.done $0x0  }
0x9e: {  	[sflag:s3] =	ssyncadd.s32 $0xFFFFC000  }
0x9f: {  	v25 =	vld [tilespmem:$0x4000];
	_ =	sdelay $0x5  }
0xa0: {  	v26 =	vld [tilespmem:$0x4010];
	_ =	sdelay $0x1  }
0xa1: {  	v0 =	vld.idx.msk [tilespmem:v25+s2+$0x0], $0xffff;
	_ =	sdelay $0x3  }
0xa2: {  	v27 =	vld [tilespmem:$0x4020]  }
0xa3: {  	[tilespmem:$0x4200] =	vst v0  }
0xa4: {  	v0 =	vld.idx.msk [tilespmem:v26+s2+$0x0], $0xffff;
	_ =	sdelay $0x4  }
0xa5: {  	[tilespmem:$0x4210] =	vst v0  }
0xa6: {  	v0 =	vld.idx.msk [tilespmem:v27+s2+$0x0], $0xffff  }
0xa7: {  	v28 =	vld [tilespmem:$0x4030];
	_ =	sdelay $0x5  }
0xa8: {  	v2 =	vld [tilespmem:$0x4040]  }
0xa9: {  	[tilespmem:$0x4220] =	vst v0  }
0xaa: {  	v0 =	vld.idx.msk [tilespmem:v28+s2+$0x0], $0xffff;
	_ =	sdelay $0x3  }
0xab: {  	v29 =	vld [tilespmem:$0x4050]  }
0xac: {  	[tilespmem:$0x4230] =	vst v0  }
0xad: {  	v0 =	vld.idx.msk [tilespmem:v2+s2+$0x0], $0xffff;
	_ =	sdelay $0x3  }
0xae: {  	v30 =	vld [tilespmem:$0x4060]  }
0xaf: {  	[tilespmem:$0x4240] =	vst v0  }
0xb0: {  	v0 =	vld.idx.msk [tilespmem:v29+s2+$0x0], $0xffff;
	_ =	sdelay $0x3  }
0xb1: {  	v31 =	vld [tilespmem:$0x4070]  }
0xb2: {  	[tilespmem:$0x4250] =	vst v0  }
0xb3: {  	v0 =	vld.idx.msk [tilespmem:v30+s2+$0x0], $0xffff;
	_ =	sdelay $0x3  }
0xb4: {  	v32 =	vld [tilespmem:$0x4080]  }
0xb5: {  	[tilespmem:$0x4260] =	vst v0  }
0xb6: {  	v0 =	vld.idx.msk [tilespmem:v31+s2+$0x0], $0xffff;
	_ =	sdelay $0x3  }
0xb7: {  	v33 =	vld [tilespmem:$0x4090]  }
0xb8: {  	[tilespmem:$0x4270] =	vst v0  }
0xb9: {  	v0 =	vld.idx.msk [tilespmem:v32+s2+$0x0], $0xffff;
	_ =	sdelay $0x3  }
0xba: {  	v34 =	vld [tilespmem:$0x40A0]  }
0xbb: {  	[tilespmem:$0x4280] =	vst v0  }
0xbc: {  	v0 =	vld.idx.msk [tilespmem:v33+s2+$0x0], $0xffff;
	_ =	sdelay $0x3  }
0xbd: {  	v35 =	vld [tilespmem:$0x40B0]  }
0xbe: {  	[tilespmem:$0x4290] =	vst v0  }
0xbf: {  	v0 =	vld.idx.msk [tilespmem:v34+s2+$0x0], $0xffff;
	_ =	sdelay $0x3  }
0xc0: {  	v36 =	vld [tilespmem:$0x40C0]  }
0xc1: {  	[tilespmem:$0x42A0] =	vst v0  }
0xc2: {  	v0 =	vld.idx.msk [tilespmem:v35+s2+$0x0], $0xffff;
	_ =	sdelay $0x3  }
0xc3: {  	v37 =	vld [tilespmem:$0x40D0]  }
0xc4: {  	[tilespmem:$0x42B0] =	vst v0  }
0xc5: {  	v0 =	vld.idx.msk [tilespmem:v36+s2+$0x0], $0xffff;
	_ =	sdelay $0x3  }
0xc6: {  	v38 =	vld [tilespmem:$0x40E0]  }
0xc7: {  	[tilespmem:$0x42C0] =	vst v0  }
0xc8: {  	v0 =	vld.idx.msk [tilespmem:v37+s2+$0x0], $0xffff;
	_ =	sdelay $0x3  }
0xc9: {  	v39 =	vld [tilespmem:$0x40F0]  }
0xca: {  	[tilespmem:$0x42D0] =	vst v0  }
0xcb: {  	v0 =	vld.idx.msk [tilespmem:v38+s2+$0x0], $0xffff;
	_ =	sdelay $0x3  }
0xcc: {  	v40 =	vld [tilespmem:$0x4100]  }
0xcd: {  	[tilespmem:$0x42E0] =	vst v0  }
0xce: {  	v0 =	vld.idx.msk [tilespmem:v39+s2+$0x0], $0xffff;
	_ =	sdelay $0x3  }
0xcf: {  	v41 =	vld [tilespmem:$0x4110]  }
0xd0: {  	[tilespmem:$0x42F0] =	vst v0  }
0xd1: {  	v0 =	vld.idx.msk [tilespmem:v40+s2+$0x0], $0xffff;
	_ =	sdelay $0x3  }
0xd2: {  	v42 =	vld [tilespmem:$0x4120]  }
0xd3: {  	[tilespmem:$0x4300] =	vst v0  }
0xd4: {  	v0 =	vld.idx.msk [tilespmem:v41+s2+$0x0], $0xffff;
	_ =	sdelay $0x3  }
0xd5: {  	v43 =	vld [tilespmem:$0x4130]  }
0xd6: {  	[tilespmem:$0x4310] =	vst v0  }
0xd7: {  	v0 =	vld.idx.msk [tilespmem:v42+s2+$0x0], $0xffff;
	_ =	sdelay $0x3  }
0xd8: {  	v44 =	vld [tilespmem:$0x4140]  }
0xd9: {  	[tilespmem:$0x4320] =	vst v0  }
0xda: {  	v0 =	vld.idx.msk [tilespmem:v43+s2+$0x0], $0xffff;
	_ =	sdelay $0x3  }
0xdb: {  	v45 =	vld [tilespmem:$0x4150]  }
0xdc: {  	[tilespmem:$0x4330] =	vst v0  }
0xdd: {  	v0 =	vld.idx.msk [tilespmem:v44+s2+$0x0], $0xffff;
	_ =	sdelay $0x3  }
0xde: {  	v46 =	vld [tilespmem:$0x4160]  }
0xdf: {  	[tilespmem:$0x4340] =	vst v0  }
0xe0: {  	v0 =	vld.idx.msk [tilespmem:v45+s2+$0x0], $0xffff;
	_ =	sdelay $0x3  }
0xe1: {  	v47 =	vld [tilespmem:$0x4170]  }
0xe2: {  	[tilespmem:$0x4350] =	vst v0  }
0xe3: {  	v0 =	vld.idx.msk [tilespmem:v46+s2+$0x0], $0xffff;
	_ =	sdelay $0x3  }
0xe4: {  	v48 =	vld [tilespmem:$0x4180]  }
0xe5: {  	[tilespmem:$0x4360] =	vst v0  }
0xe6: {  	v0 =	vld.idx.msk [tilespmem:v47+s2+$0x0], $0xffff;
	_ =	sdelay $0x3  }
0xe7: {  	v49 =	vld [tilespmem:$0x4190]  }
0xe8: {  	[tilespmem:$0x4370] =	vst v0  }
0xe9: {  	v0 =	vld.idx.msk [tilespmem:v48+s2+$0x0], $0xffff;
	_ =	sdelay $0x3  }
0xea: {  	v50 =	vld [tilespmem:$0x41A0]  }
0xeb: {  	[tilespmem:$0x4380] =	vst v0  }
0xec: {  	v0 =	vld.idx.msk [tilespmem:v49+s2+$0x0], $0xffff;
	_ =	sdelay $0x3  }
0xed: {  	v51 =	vld [tilespmem:$0x41B0]  }
0xee: {  	[tilespmem:$0x4390] =	vst v0  }
0xef: {  	v0 =	vld.idx.msk [tilespmem:v50+s2+$0x0], $0xffff;
	_ =	sdelay $0x3  }
0xf0: {  	v52 =	vld [tilespmem:$0x41C0]  }
0xf1: {  	[tilespmem:$0x43A0] =	vst v0  }
0xf2: {  	v0 =	vld.idx.msk [tilespmem:v51+s2+$0x0], $0xffff;
	_ =	sdelay $0x3  }
0xf3: {  	v53 =	vld [tilespmem:$0x41D0]  }
0xf4: {  	[tilespmem:$0x43B0] =	vst v0  }
0xf5: {  	v0 =	vld.idx.msk [tilespmem:v52+s2+$0x0], $0xffff;
	_ =	sdelay $0x3  }
0xf6: {  	v54 =	vld [tilespmem:$0x41E0]  }
0xf7: {  	[tilespmem:$0x43C0] =	vst v0  }
0xf8: {  	v0 =	vld.idx.msk [tilespmem:v53+s2+$0x0], $0xffff;
	_ =	sdelay $0x3  }
0xf9: {  	v55 =	vld [tilespmem:$0x41F0]  }
0xfa: {  	[tilespmem:$0x43D0] =	vst v0  }
0xfb: {  	v0 =	vld.idx.msk [tilespmem:v54+s2+$0x0], $0xffff;
	_ =	sdelay $0x4  }
0xfc: {  	[tilespmem:$0x43E0] =	vst v0  }
0xfd: {  	v0 =	vld.idx.msk [tilespmem:v55+s2+$0x0], $0xffff;
	_ =	sdelay $0x4  }
0xfe: {  	[tilespmem:$0x43F0] =	vst v0  }
0xff: {  	[hbm4b:s8+s20] =	stream.strided.scatter [tilespmem:s23], [sflag:$0x1], $0x200, s21, s20, $0x38;
	[tilespmem:$0x4400] =	vst v63  }
0x100: {  	_ =	swait.ge [sflag:s3], $0x200  }
0x101: {  	[sflag:s3] =	ssyncset.done $0x0  }
0x102: {  	[sflag:s3] =	ssyncadd.s32 $0xFFFFFE00  }
0x103: {  	[tilespmem:s2], [sflag:$0x1] =	stream.strided.gather [hbm4b:s9+s20], $0x4000, s21, s20, $0x38;
	[tilespmem:$0x4400] =	vst v63  }
0x104: {  	_ =	swait.ge [sflag:s3], $0x4000  }
0x105: {  	[sflag:s3] =	ssyncset.done $0x0  }
0x106: {  	[sflag:s3] =	ssyncadd.s32 $0xFFFFC000  }
0x107: {  	v56 =	vld [tilespmem:$0x4000];
	_ =	sdelay $0x5  }
0x108: {  	v57 =	vld [tilespmem:$0x4010];
	_ =	sdelay $0x1  }
0x109: {  	v0 =	vld.idx.msk [tilespmem:v56+s2+$0x0], $0xffff;
	_ =	sdelay $0x3  }
0x10a: {  	v58 =	vld [tilespmem:$0x4020]  }
0x10b: {  	[tilespmem:$0x4200] =	vst v0  }
0x10c: {  	v0 =	vld.idx.msk [tilespmem:v57+s2+$0x0], $0xffff;
	_ =	sdelay $0x3  }
0x10d: {  	v59 =	vld [tilespmem:$0x4030]  }
0x10e: {  	[tilespmem:$0x4210] =	vst v0  }
0x10f: {  	v0 =	vld.idx.msk [tilespmem:v58+s2+$0x0], $0xffff;
	_ =	sdelay $0x3  }
0x110: {  	v60 =	vld [tilespmem:$0x4040]  }
0x111: {  	[tilespmem:$0x4220] =	vst v0  }
0x112: {  	v0 =	vld.idx.msk [tilespmem:v59+s2+$0x0], $0xffff;
	_ =	sdelay $0x3  }
0x113: {  	v61 =	vld [tilespmem:$0x4050]  }
0x114: {  	[tilespmem:$0x4230] =	vst v0  }
0x115: {  	v0 =	vld.idx.msk [tilespmem:v60+s2+$0x0], $0xffff;
	_ =	sdelay $0x3  }
0x116: {  	v62 =	vld [tilespmem:$0x4060]  }
0x117: {  	[tilespmem:$0x4240] =	vst v0  }
0x118: {  	v0 =	vld.idx.msk [tilespmem:v61+s2+$0x0], $0xffff;
	_ =	sdelay $0x3  }
0x119: {  	v63 =	vld [tilespmem:$0x4070]  }
0x11a: {  	[tilespmem:$0x4250] =	vst v0  }
0x11b: {  	v0 =	vld.idx.msk [tilespmem:v62+s2+$0x0], $0xffff;
	_ =	sdelay $0x3  }
0x11c: {  	v4 =	vld [tilespmem:$0x4080]  }
0x11d: {  	[tilespmem:$0x4260] =	vst v0  }
0x11e: {  	v0 =	vld.idx.msk [tilespmem:v63+s2+$0x0], $0xffff;
	_ =	sdelay $0x3  }
0x11f: {  	v5 =	vld [tilespmem:$0x4090]  }
0x120: {  	[tilespmem:$0x4270] =	vst v0  }
0x121: {  	v0 =	vld.idx.msk [tilespmem:v4+s2+$0x0], $0xffff;
	_ =	sdelay $0x3  }
0x122: {  	v6 =	vld [tilespmem:$0x40A0]  }
0x123: {  	[tilespmem:$0x4280] =	vst v0  }
0x124: {  	v0 =	vld.idx.msk [tilespmem:v5+s2+$0x0], $0xffff;
	_ =	sdelay $0x3  }
0x125: {  	v7 =	vld [tilespmem:$0x40B0]  }
0x126: {  	[tilespmem:$0x4290] =	vst v0  }
0x127: {  	v0 =	vld.idx.msk [tilespmem:v6+s2+$0x0], $0xffff;
	_ =	sdelay $0x3  }
0x128: {  	v8 =	vld [tilespmem:$0x40C0]  }
0x129: {  	[tilespmem:$0x42A0] =	vst v0  }
0x12a: {  	v0 =	vld.idx.msk [tilespmem:v7+s2+$0x0], $0xffff;
	_ =	sdelay $0x3  }
0x12b: {  	v9 =	vld [tilespmem:$0x40D0]  }
0x12c: {  	[tilespmem:$0x42B0] =	vst v0  }
0x12d: {  	v0 =	vld.idx.msk [tilespmem:v8+s2+$0x0], $0xffff;
	_ =	sdelay $0x3  }
0x12e: {  	v10 =	vld [tilespmem:$0x40E0]  }
0x12f: {  	[tilespmem:$0x42C0] =	vst v0  }
0x130: {  	v0 =	vld.idx.msk [tilespmem:v9+s2+$0x0], $0xffff;
	_ =	sdelay $0x3  }
0x131: {  	v11 =	vld [tilespmem:$0x40F0]  }
0x132: {  	[tilespmem:$0x42D0] =	vst v0  }
0x133: {  	v0 =	vld.idx.msk [tilespmem:v10+s2+$0x0], $0xffff;
	_ =	sdelay $0x3  }
0x134: {  	v12 =	vld [tilespmem:$0x4100]  }
0x135: {  	[tilespmem:$0x42E0] =	vst v0  }
0x136: {  	v0 =	vld.idx.msk [tilespmem:v11+s2+$0x0], $0xffff;
	_ =	sdelay $0x3  }
0x137: {  	v13 =	vld [tilespmem:$0x4110]  }
0x138: {  	[tilespmem:$0x42F0] =	vst v0  }
0x139: {  	v0 =	vld.idx.msk [tilespmem:v12+s2+$0x0], $0xffff;
	_ =	sdelay $0x3  }
0x13a: {  	v14 =	vld [tilespmem:$0x4120]  }
0x13b: {  	[tilespmem:$0x4300] =	vst v0  }
0x13c: {  	v0 =	vld.idx.msk [tilespmem:v13+s2+$0x0], $0xffff;
	_ =	sdelay $0x3  }
0x13d: {  	v15 =	vld [tilespmem:$0x4130]  }
0x13e: {  	[tilespmem:$0x4310] =	vst v0  }
0x13f: {  	v0 =	vld.idx.msk [tilespmem:v14+s2+$0x0], $0xffff;
	_ =	sdelay $0x3  }
0x140: {  	v16 =	vld [tilespmem:$0x4140]  }
0x141: {  	[tilespmem:$0x4320] =	vst v0  }
0x142: {  	v0 =	vld.idx.msk [tilespmem:v15+s2+$0x0], $0xffff;
	_ =	sdelay $0x3  }
0x143: {  	v17 =	vld [tilespmem:$0x4150]  }
0x144: {  	[tilespmem:$0x4330] =	vst v0  }
0x145: {  	v0 =	vld.idx.msk [tilespmem:v16+s2+$0x0], $0xffff;
	_ =	sdelay $0x3  }
0x146: {  	v18 =	vld [tilespmem:$0x4160]  }
0x147: {  	[tilespmem:$0x4340] =	vst v0  }
0x148: {  	v0 =	vld.idx.msk [tilespmem:v17+s2+$0x0], $0xffff;
	_ =	sdelay $0x3  }
0x149: {  	v19 =	vld [tilespmem:$0x4170]  }
0x14a: {  	[tilespmem:$0x4350] =	vst v0  }
0x14b: {  	v0 =	vld.idx.msk [tilespmem:v18+s2+$0x0], $0xffff;
	_ =	sdelay $0x3  }
0x14c: {  	v20 =	vld [tilespmem:$0x4180]  }
0x14d: {  	[tilespmem:$0x4360] =	vst v0  }
0x14e: {  	v0 =	vld.idx.msk [tilespmem:v19+s2+$0x0], $0xffff;
	_ =	sdelay $0x3  }
0x14f: {  	v21 =	vld [tilespmem:$0x4190]  }
0x150: {  	[tilespmem:$0x4370] =	vst v0  }
0x151: {  	v0 =	vld.idx.msk [tilespmem:v20+s2+$0x0], $0xffff;
	_ =	sdelay $0x3  }
0x152: {  	v22 =	vld [tilespmem:$0x41A0]  }
0x153: {  	[tilespmem:$0x4380] =	vst v0  }
0x154: {  	v0 =	vld.idx.msk [tilespmem:v21+s2+$0x0], $0xffff;
	_ =	sdelay $0x3  }
0x155: {  	v23 =	vld [tilespmem:$0x41B0]  }
0x156: {  	[tilespmem:$0x4390] =	vst v0  }
0x157: {  	v0 =	vld.idx.msk [tilespmem:v22+s2+$0x0], $0xffff;
	_ =	sdelay $0x3  }
0x158: {  	v24 =	vld [tilespmem:$0x41C0]  }
0x159: {  	[tilespmem:$0x43A0] =	vst v0  }
0x15a: {  	v0 =	vld.idx.msk [tilespmem:v23+s2+$0x0], $0xffff;
	_ =	sdelay $0x3  }
0x15b: {  	v25 =	vld [tilespmem:$0x41D0]  }
0x15c: {  	[tilespmem:$0x43B0] =	vst v0  }
0x15d: {  	v0 =	vld.idx.msk [tilespmem:v24+s2+$0x0], $0xffff;
	_ =	sdelay $0x3  }
0x15e: {  	v26 =	vld [tilespmem:$0x41E0]  }
0x15f: {  	[tilespmem:$0x43C0] =	vst v0  }
0x160: {  	v0 =	vld.idx.msk [tilespmem:v25+s2+$0x0], $0xffff;
	_ =	sdelay $0x3  }
0x161: {  	v27 =	vld [tilespmem:$0x41F0]  }
0x162: {  	[tilespmem:$0x43D0] =	vst v0  }
0x163: {  	v0 =	vld.idx.msk [tilespmem:v26+s2+$0x0], $0xffff;
	_ =	sdelay $0x4  }
0x164: {  	[tilespmem:$0x43E0] =	vst v0  }
0x165: {  	v0 =	vld.idx.msk [tilespmem:v27+s2+$0x0], $0xffff;
	_ =	sdelay $0x4  }
0x166: {  	[tilespmem:$0x43F0] =	vst v0  }
0x167: {  	[hbm4b:s10+s20] =	stream.strided.scatter [tilespmem:s23], [sflag:$0x1], $0x200, s21, s20, $0x38;
	[tilespmem:$0x4400] =	vst v63  }
0x168: {  	_ =	swait.ge [sflag:s3], $0x200  }
0x169: {  	[sflag:s3] =	ssyncset.done $0x0  }
0x16a: {  	[sflag:s3] =	ssyncadd.s32 $0xFFFFFE00  }
0x16b: {  	[tilespmem:s2], [sflag:$0x1] =	stream.strided.gather [hbm4b:s11+s20], $0x4000, s21, s20, $0x38;
	[tilespmem:$0x4400] =	vst v63  }
0x16c: {  	_ =	swait.ge [sflag:s3], $0x4000  }
0x16d: {  	[sflag:s3] =	ssyncset.done $0x0  }
0x16e: {  	[sflag:s3] =	ssyncadd.s32 $0xFFFFC000  }
0x16f: {  	v28 =	vld [tilespmem:$0x4000];
	_ =	sdelay $0x5  }
0x170: {  	v29 =	vld [tilespmem:$0x4010];
	_ =	sdelay $0x1  }
0x171: {  	v0 =	vld.idx.msk [tilespmem:v28+s2+$0x0], $0xffff;
	_ =	sdelay $0x3  }
0x172: {  	v30 =	vld [tilespmem:$0x4020]  }
0x173: {  	[tilespmem:$0x4200] =	vst v0  }
0x174: {  	v0 =	vld.idx.msk [tilespmem:v29+s2+$0x0], $0xffff;
	_ =	sdelay $0x3  }
0x175: {  	v31 =	vld [tilespmem:$0x4030]  }
0x176: {  	[tilespmem:$0x4210] =	vst v0  }
0x177: {  	v0 =	vld.idx.msk [tilespmem:v30+s2+$0x0], $0xffff;
	_ =	sdelay $0x3  }
0x178: {  	v32 =	vld [tilespmem:$0x4040]  }
0x179: {  	[tilespmem:$0x4220] =	vst v0  }
0x17a: {  	v0 =	vld.idx.msk [tilespmem:v31+s2+$0x0], $0xffff;
	_ =	sdelay $0x3  }
0x17b: {  	v33 =	vld [tilespmem:$0x4050]  }
0x17c: {  	[tilespmem:$0x4230] =	vst v0  }
0x17d: {  	v0 =	vld.idx.msk [tilespmem:v32+s2+$0x0], $0xffff;
	_ =	sdelay $0x3  }
0x17e: {  	v34 =	vld [tilespmem:$0x4060]  }
0x17f: {  	[tilespmem:$0x4240] =	vst v0  }
0x180: {  	v0 =	vld.idx.msk [tilespmem:v33+s2+$0x0], $0xffff;
	_ =	sdelay $0x3  }
0x181: {  	v35 =	vld [tilespmem:$0x4070]  }
0x182: {  	[tilespmem:$0x4250] =	vst v0  }
0x183: {  	v0 =	vld.idx.msk [tilespmem:v34+s2+$0x0], $0xffff;
	_ =	sdelay $0x3  }
0x184: {  	v36 =	vld [tilespmem:$0x4080]  }
0x185: {  	[tilespmem:$0x4260] =	vst v0  }
0x186: {  	v0 =	vld.idx.msk [tilespmem:v35+s2+$0x0], $0xffff;
	_ =	sdelay $0x3  }
0x187: {  	v37 =	vld [tilespmem:$0x4090]  }
0x188: {  	[tilespmem:$0x4270] =	vst v0  }
0x189: {  	v0 =	vld.idx.msk [tilespmem:v36+s2+$0x0], $0xffff;
	_ =	sdelay $0x3  }
0x18a: {  	v38 =	vld [tilespmem:$0x40A0]  }
0x18b: {  	[tilespmem:$0x4280] =	vst v0  }
0x18c: {  	v0 =	vld.idx.msk [tilespmem:v37+s2+$0x0], $0xffff;
	_ =	sdelay $0x3  }
0x18d: {  	v39 =	vld [tilespmem:$0x40B0]  }
0x18e: {  	[tilespmem:$0x4290] =	vst v0  }
0x18f: {  	v0 =	vld.idx.msk [tilespmem:v38+s2+$0x0], $0xffff;
	_ =	sdelay $0x3  }
0x190: {  	v40 =	vld [tilespmem:$0x40C0]  }
0x191: {  	[tilespmem:$0x42A0] =	vst v0  }
0x192: {  	v0 =	vld.idx.msk [tilespmem:v39+s2+$0x0], $0xffff;
	_ =	sdelay $0x3  }
0x193: {  	v41 =	vld [tilespmem:$0x40D0]  }
0x194: {  	[tilespmem:$0x42B0] =	vst v0  }
0x195: {  	v0 =	vld.idx.msk [tilespmem:v40+s2+$0x0], $0xffff;
	_ =	sdelay $0x3  }
0x196: {  	v42 =	vld [tilespmem:$0x40E0]  }
0x197: {  	[tilespmem:$0x42C0] =	vst v0  }
0x198: {  	v0 =	vld.idx.msk [tilespmem:v41+s2+$0x0], $0xffff;
	_ =	sdelay $0x3  }
0x199: {  	v43 =	vld [tilespmem:$0x40F0]  }
0x19a: {  	[tilespmem:$0x42D0] =	vst v0  }
0x19b: {  	v0 =	vld.idx.msk [tilespmem:v42+s2+$0x0], $0xffff;
	_ =	sdelay $0x3  }
0x19c: {  	v44 =	vld [tilespmem:$0x4100]  }
0x19d: {  	[tilespmem:$0x42E0] =	vst v0  }
0x19e: {  	v0 =	vld.idx.msk [tilespmem:v43+s2+$0x0], $0xffff;
	_ =	sdelay $0x3  }
0x19f: {  	v45 =	vld [tilespmem:$0x4110]  }
0x1a0: {  	[tilespmem:$0x42F0] =	vst v0  }
0x1a1: {  	v0 =	vld.idx.msk [tilespmem:v44+s2+$0x0], $0xffff;
	_ =	sdelay $0x3  }
0x1a2: {  	v46 =	vld [tilespmem:$0x4120]  }
0x1a3: {  	[tilespmem:$0x4300] =	vst v0  }
0x1a4: {  	v0 =	vld.idx.msk [tilespmem:v45+s2+$0x0], $0xffff;
	_ =	sdelay $0x3  }
0x1a5: {  	v47 =	vld [tilespmem:$0x4130]  }
0x1a6: {  	[tilespmem:$0x4310] =	vst v0  }
0x1a7: {  	v0 =	vld.idx.msk [tilespmem:v46+s2+$0x0], $0xffff;
	_ =	sdelay $0x3  }
0x1a8: {  	v48 =	vld [tilespmem:$0x4140]  }
0x1a9: {  	[tilespmem:$0x4320] =	vst v0  }
0x1aa: {  	v0 =	vld.idx.msk [tilespmem:v47+s2+$0x0], $0xffff;
	_ =	sdelay $0x3  }
0x1ab: {  	v49 =	vld [tilespmem:$0x4150]  }
0x1ac: {  	[tilespmem:$0x4330] =	vst v0  }
0x1ad: {  	v0 =	vld.idx.msk [tilespmem:v48+s2+$0x0], $0xffff;
	_ =	sdelay $0x3  }
0x1ae: {  	v50 =	vld [tilespmem:$0x4160]  }
0x1af: {  	[tilespmem:$0x4340] =	vst v0  }
0x1b0: {  	v0 =	vld.idx.msk [tilespmem:v49+s2+$0x0], $0xffff;
	_ =	sdelay $0x3  }
0x1b1: {  	v51 =	vld [tilespmem:$0x4170]  }
0x1b2: {  	[tilespmem:$0x4350] =	vst v0  }
0x1b3: {  	v0 =	vld.idx.msk [tilespmem:v50+s2+$0x0], $0xffff;
	_ =	sdelay $0x3  }
0x1b4: {  	v52 =	vld [tilespmem:$0x4180]  }
0x1b5: {  	[tilespmem:$0x4360] =	vst v0  }
0x1b6: {  	v0 =	vld.idx.msk [tilespmem:v51+s2+$0x0], $0xffff;
	_ =	sdelay $0x3  }
0x1b7: {  	v53 =	vld [tilespmem:$0x4190]  }
0x1b8: {  	[tilespmem:$0x4370] =	vst v0  }
0x1b9: {  	v0 =	vld.idx.msk [tilespmem:v52+s2+$0x0], $0xffff;
	_ =	sdelay $0x3  }
0x1ba: {  	v54 =	vld [tilespmem:$0x41A0]  }
0x1bb: {  	[tilespmem:$0x4380] =	vst v0  }
0x1bc: {  	v0 =	vld.idx.msk [tilespmem:v53+s2+$0x0], $0xffff;
	_ =	sdelay $0x3  }
0x1bd: {  	v55 =	vld [tilespmem:$0x41B0]  }
0x1be: {  	[tilespmem:$0x4390] =	vst v0  }
0x1bf: {  	v0 =	vld.idx.msk [tilespmem:v54+s2+$0x0], $0xffff;
	_ =	sdelay $0x3  }
0x1c0: {  	v56 =	vld [tilespmem:$0x41C0]  }
0x1c1: {  	[tilespmem:$0x43A0] =	vst v0  }
0x1c2: {  	v0 =	vld.idx.msk [tilespmem:v55+s2+$0x0], $0xffff;
	_ =	sdelay $0x3  }
0x1c3: {  	v57 =	vld [tilespmem:$0x41D0]  }
0x1c4: {  	[tilespmem:$0x43B0] =	vst v0  }
0x1c5: {  	v0 =	vld.idx.msk [tilespmem:v56+s2+$0x0], $0xffff;
	_ =	sdelay $0x3  }
0x1c6: {  	v58 =	vld [tilespmem:$0x41E0]  }
0x1c7: {  	[tilespmem:$0x43C0] =	vst v0  }
0x1c8: {  	v0 =	vld.idx.msk [tilespmem:v57+s2+$0x0], $0xffff;
	_ =	sdelay $0x3  }
0x1c9: {  	v59 =	vld [tilespmem:$0x41F0]  }
0x1ca: {  	[tilespmem:$0x43D0] =	vst v0  }
0x1cb: {  	v0 =	vld.idx.msk [tilespmem:v58+s2+$0x0], $0xffff;
	_ =	sdelay $0x4  }
0x1cc: {  	[tilespmem:$0x43E0] =	vst v0  }
0x1cd: {  	v0 =	vld.idx.msk [tilespmem:v59+s2+$0x0], $0xffff;
	_ =	sdelay $0x4  }
0x1ce: {  	[tilespmem:$0x43F0] =	vst v0  }
0x1cf: {  	[hbm4b:s12+s20] =	stream.strided.scatter [tilespmem:s23], [sflag:$0x1], $0x200, s21, s20, $0x38;
	[tilespmem:$0x4400] =	vst v63  }
0x1d0: {  	_ =	swait.ge [sflag:s3], $0x200  }
0x1d1: {  	[sflag:s3] =	ssyncset.done $0x0  }
0x1d2: {  	[sflag:s3] =	ssyncadd.s32 $0xFFFFFE00  }
0x1d3: {  	[tilespmem:s2], [sflag:$0x1] =	stream.strided.gather [hbm4b:s13+s20], $0x4000, s21, s20, $0x38;
	[tilespmem:$0x4400] =	vst v63  }
0x1d4: {  	_ =	swait.ge [sflag:s3], $0x4000  }
0x1d5: {  	[sflag:s3] =	ssyncset.done $0x0  }
0x1d6: {  	[sflag:s3] =	ssyncadd.s32 $0xFFFFC000  }
0x1d7: {  	v60 =	vld [tilespmem:$0x4000];
	_ =	sdelay $0x5  }
0x1d8: {  	v61 =	vld [tilespmem:$0x4010];
	_ =	sdelay $0x1  }
0x1d9: {  	v0 =	vld.idx.msk [tilespmem:v60+s2+$0x0], $0xffff;
	_ =	sdelay $0x3  }
0x1da: {  	v62 =	vld [tilespmem:$0x4020]  }
0x1db: {  	[tilespmem:$0x4200] =	vst v0  }
0x1dc: {  	v0 =	vld.idx.msk [tilespmem:v61+s2+$0x0], $0xffff;
	_ =	sdelay $0x3  }
0x1dd: {  	v63 =	vld [tilespmem:$0x4030]  }
0x1de: {  	[tilespmem:$0x4210] =	vst v0  }
0x1df: {  	v0 =	vld.idx.msk [tilespmem:v62+s2+$0x0], $0xffff;
	_ =	sdelay $0x3  }
0x1e0: {  	v4 =	vld [tilespmem:$0x4040]  }
0x1e1: {  	[tilespmem:$0x4220] =	vst v0  }
0x1e2: {  	v0 =	vld.idx.msk [tilespmem:v63+s2+$0x0], $0xffff;
	_ =	sdelay $0x3  }
0x1e3: {  	v5 =	vld [tilespmem:$0x4050]  }
0x1e4: {  	[tilespmem:$0x4230] =	vst v0  }
0x1e5: {  	v0 =	vld.idx.msk [tilespmem:v4+s2+$0x0], $0xffff;
	_ =	sdelay $0x3  }
0x1e6: {  	v6 =	vld [tilespmem:$0x4060]  }
0x1e7: {  	[tilespmem:$0x4240] =	vst v0  }
0x1e8: {  	v0 =	vld.idx.msk [tilespmem:v5+s2+$0x0], $0xffff;
	_ =	sdelay $0x3  }
0x1e9: {  	v7 =	vld [tilespmem:$0x4070]  }
0x1ea: {  	[tilespmem:$0x4250] =	vst v0  }
0x1eb: {  	v0 =	vld.idx.msk [tilespmem:v6+s2+$0x0], $0xffff;
	_ =	sdelay $0x3  }
0x1ec: {  	v8 =	vld [tilespmem:$0x4080]  }
0x1ed: {  	[tilespmem:$0x4260] =	vst v0  }
0x1ee: {  	v0 =	vld.idx.msk [tilespmem:v7+s2+$0x0], $0xffff;
	_ =	sdelay $0x3  }
0x1ef: {  	v9 =	vld [tilespmem:$0x4090]  }
0x1f0: {  	[tilespmem:$0x4270] =	vst v0  }
0x1f1: {  	v0 =	vld.idx.msk [tilespmem:v8+s2+$0x0], $0xffff;
	_ =	sdelay $0x3  }
0x1f2: {  	v10 =	vld [tilespmem:$0x40A0]  }
0x1f3: {  	[tilespmem:$0x4280] =	vst v0  }
0x1f4: {  	v0 =	vld.idx.msk [tilespmem:v9+s2+$0x0], $0xffff;
	_ =	sdelay $0x3  }
0x1f5: {  	v11 =	vld [tilespmem:$0x40B0]  }
0x1f6: {  	[tilespmem:$0x4290] =	vst v0  }
0x1f7: {  	v0 =	vld.idx.msk [tilespmem:v10+s2+$0x0], $0xffff;
	_ =	sdelay $0x3  }
0x1f8: {  	v12 =	vld [tilespmem:$0x40C0]  }
0x1f9: {  	[tilespmem:$0x42A0] =	vst v0  }
0x1fa: {  	v0 =	vld.idx.msk [tilespmem:v11+s2+$0x0], $0xffff;
	_ =	sdelay $0x3  }
0x1fb: {  	v13 =	vld [tilespmem:$0x40D0]  }
0x1fc: {  	[tilespmem:$0x42B0] =	vst v0  }
0x1fd: {  	v0 =	vld.idx.msk [tilespmem:v12+s2+$0x0], $0xffff;
	_ =	sdelay $0x3  }
0x1fe: {  	v14 =	vld [tilespmem:$0x40E0]  }
0x1ff: {  	[tilespmem:$0x42C0] =	vst v0  }
0x200: {  	v0 =	vld.idx.msk [tilespmem:v13+s2+$0x0], $0xffff;
	_ =	sdelay $0x3  }
0x201: {  	v15 =	vld [tilespmem:$0x40F0]  }
0x202: {  	[tilespmem:$0x42D0] =	vst v0  }
0x203: {  	v0 =	vld.idx.msk [tilespmem:v14+s2+$0x0], $0xffff;
	_ =	sdelay $0x3  }
0x204: {  	v16 =	vld [tilespmem:$0x4100]  }
0x205: {  	[tilespmem:$0x42E0] =	vst v0  }
0x206: {  	v0 =	vld.idx.msk [tilespmem:v15+s2+$0x0], $0xffff;
	_ =	sdelay $0x3  }
0x207: {  	v17 =	vld [tilespmem:$0x4110]  }
0x208: {  	[tilespmem:$0x42F0] =	vst v0  }
0x209: {  	v0 =	vld.idx.msk [tilespmem:v16+s2+$0x0], $0xffff;
	_ =	sdelay $0x3  }
0x20a: {  	v18 =	vld [tilespmem:$0x4120]  }
0x20b: {  	[tilespmem:$0x4300] =	vst v0  }
0x20c: {  	v0 =	vld.idx.msk [tilespmem:v17+s2+$0x0], $0xffff;
	_ =	sdelay $0x3  }
0x20d: {  	v19 =	vld [tilespmem:$0x4130]  }
0x20e: {  	[tilespmem:$0x4310] =	vst v0  }
0x20f: {  	v0 =	vld.idx.msk [tilespmem:v18+s2+$0x0], $0xffff;
	_ =	sdelay $0x3  }
0x210: {  	v20 =	vld [tilespmem:$0x4140]  }
0x211: {  	[tilespmem:$0x4320] =	vst v0  }
0x212: {  	v0 =	vld.idx.msk [tilespmem:v19+s2+$0x0], $0xffff;
	_ =	sdelay $0x3  }
0x213: {  	v21 =	vld [tilespmem:$0x4150]  }
0x214: {  	[tilespmem:$0x4330] =	vst v0  }
0x215: {  	v0 =	vld.idx.msk [tilespmem:v20+s2+$0x0], $0xffff;
	_ =	sdelay $0x3  }
0x216: {  	v22 =	vld [tilespmem:$0x4160]  }
0x217: {  	[tilespmem:$0x4340] =	vst v0  }
0x218: {  	v0 =	vld.idx.msk [tilespmem:v21+s2+$0x0], $0xffff;
	_ =	sdelay $0x3  }
0x219: {  	v23 =	vld [tilespmem:$0x4170]  }
0x21a: {  	[tilespmem:$0x4350] =	vst v0  }
0x21b: {  	v0 =	vld.idx.msk [tilespmem:v22+s2+$0x0], $0xffff;
	_ =	sdelay $0x3  }
0x21c: {  	v24 =	vld [tilespmem:$0x4180]  }
0x21d: {  	[tilespmem:$0x4360] =	vst v0  }
0x21e: {  	v0 =	vld.idx.msk [tilespmem:v23+s2+$0x0], $0xffff;
	_ =	sdelay $0x3  }
0x21f: {  	v25 =	vld [tilespmem:$0x4190]  }
0x220: {  	[tilespmem:$0x4370] =	vst v0  }
0x221: {  	v0 =	vld.idx.msk [tilespmem:v24+s2+$0x0], $0xffff;
	_ =	sdelay $0x3  }
0x222: {  	v26 =	vld [tilespmem:$0x41A0]  }
0x223: {  	[tilespmem:$0x4380] =	vst v0  }
0x224: {  	v0 =	vld.idx.msk [tilespmem:v25+s2+$0x0], $0xffff;
	_ =	sdelay $0x3  }
0x225: {  	v27 =	vld [tilespmem:$0x41B0]  }
0x226: {  	[tilespmem:$0x4390] =	vst v0  }
0x227: {  	v0 =	vld.idx.msk [tilespmem:v26+s2+$0x0], $0xffff;
	_ =	sdelay $0x3  }
0x228: {  	v28 =	vld [tilespmem:$0x41C0]  }
0x229: {  	[tilespmem:$0x43A0] =	vst v0  }
0x22a: {  	v0 =	vld.idx.msk [tilespmem:v27+s2+$0x0], $0xffff;
	_ =	sdelay $0x3  }
0x22b: {  	v29 =	vld [tilespmem:$0x41D0]  }
0x22c: {  	[tilespmem:$0x43B0] =	vst v0  }
0x22d: {  	v0 =	vld.idx.msk [tilespmem:v28+s2+$0x0], $0xffff;
	_ =	sdelay $0x3  }
0x22e: {  	v30 =	vld [tilespmem:$0x41E0]  }
0x22f: {  	[tilespmem:$0x43C0] =	vst v0  }
0x230: {  	v0 =	vld.idx.msk [tilespmem:v29+s2+$0x0], $0xffff;
	_ =	sdelay $0x3  }
0x231: {  	v31 =	vld [tilespmem:$0x41F0]  }
0x232: {  	[tilespmem:$0x43D0] =	vst v0  }
0x233: {  	v0 =	vld.idx.msk [tilespmem:v30+s2+$0x0], $0xffff;
	_ =	sdelay $0x4  }
0x234: {  	[tilespmem:$0x43E0] =	vst v0  }
0x235: {  	v0 =	vld.idx.msk [tilespmem:v31+s2+$0x0], $0xffff;
	_ =	sdelay $0x4  }
0x236: {  	[tilespmem:$0x43F0] =	vst v0  }
0x237: {  	[hbm4b:s14+s20] =	stream.strided.scatter [tilespmem:s23], [sflag:$0x1], $0x200, s21, s20, $0x38;
	[tilespmem:$0x4400] =	vst v63  }
0x238: {  	_ =	swait.ge [sflag:s3], $0x200  }
0x239: {  	[sflag:s3] =	ssyncset.done $0x0  }
0x23a: {  	[sflag:s3] =	ssyncadd.s32 $0xFFFFFE00  }
0x23b: {  	[tilespmem:s2], [sflag:$0x1] =	stream.strided.gather [hbm4b:s15+s20], $0x4000, s21, s20, $0x38;
	[tilespmem:$0x4400] =	vst v63  }
0x23c: {  	_ =	swait.ge [sflag:s3], $0x4000  }
0x23d: {  	[sflag:s3] =	ssyncset.done $0x0  }
0x23e: {  	[sflag:s3] =	ssyncadd.s32 $0xFFFFC000  }
0x23f: {  	v32 =	vld [tilespmem:$0x4000];
	_ =	sdelay $0x5  }
0x240: {  	v33 =	vld [tilespmem:$0x4010];
	_ =	sdelay $0x1  }
0x241: {  	v0 =	vld.idx.msk [tilespmem:v32+s2+$0x0], $0xffff;
	_ =	sdelay $0x3  }
0x242: {  	v34 =	vld [tilespmem:$0x4020]  }
0x243: {  	[tilespmem:$0x4200] =	vst v0  }
0x244: {  	v0 =	vld.idx.msk [tilespmem:v33+s2+$0x0], $0xffff;
	_ =	sdelay $0x3  }
0x245: {  	v35 =	vld [tilespmem:$0x4030]  }
0x246: {  	[tilespmem:$0x4210] =	vst v0  }
0x247: {  	v0 =	vld.idx.msk [tilespmem:v34+s2+$0x0], $0xffff;
	_ =	sdelay $0x3  }
0x248: {  	v36 =	vld [tilespmem:$0x4040]  }
0x249: {  	[tilespmem:$0x4220] =	vst v0  }
0x24a: {  	v0 =	vld.idx.msk [tilespmem:v35+s2+$0x0], $0xffff;
	_ =	sdelay $0x3  }
0x24b: {  	v37 =	vld [tilespmem:$0x4050]  }
0x24c: {  	[tilespmem:$0x4230] =	vst v0  }
0x24d: {  	v0 =	vld.idx.msk [tilespmem:v36+s2+$0x0], $0xffff;
	_ =	sdelay $0x3  }
0x24e: {  	v38 =	vld [tilespmem:$0x4060]  }
0x24f: {  	[tilespmem:$0x4240] =	vst v0  }
0x250: {  	v0 =	vld.idx.msk [tilespmem:v37+s2+$0x0], $0xffff;
	_ =	sdelay $0x3  }
0x251: {  	v39 =	vld [tilespmem:$0x4070]  }
0x252: {  	[tilespmem:$0x4250] =	vst v0  }
0x253: {  	v0 =	vld.idx.msk [tilespmem:v38+s2+$0x0], $0xffff;
	_ =	sdelay $0x3  }
0x254: {  	v40 =	vld [tilespmem:$0x4080]  }
0x255: {  	[tilespmem:$0x4260] =	vst v0  }
0x256: {  	v0 =	vld.idx.msk [tilespmem:v39+s2+$0x0], $0xffff;
	_ =	sdelay $0x3  }
0x257: {  	v41 =	vld [tilespmem:$0x4090]  }
0x258: {  	[tilespmem:$0x4270] =	vst v0  }
0x259: {  	v0 =	vld.idx.msk [tilespmem:v40+s2+$0x0], $0xffff;
	_ =	sdelay $0x3  }
0x25a: {  	v42 =	vld [tilespmem:$0x40A0]  }
0x25b: {  	[tilespmem:$0x4280] =	vst v0  }
0x25c: {  	v0 =	vld.idx.msk [tilespmem:v41+s2+$0x0], $0xffff;
	_ =	sdelay $0x3  }
0x25d: {  	v43 =	vld [tilespmem:$0x40B0]  }
0x25e: {  	[tilespmem:$0x4290] =	vst v0  }
0x25f: {  	v0 =	vld.idx.msk [tilespmem:v42+s2+$0x0], $0xffff;
	_ =	sdelay $0x3  }
0x260: {  	v44 =	vld [tilespmem:$0x40C0]  }
0x261: {  	[tilespmem:$0x42A0] =	vst v0  }
0x262: {  	v0 =	vld.idx.msk [tilespmem:v43+s2+$0x0], $0xffff;
	_ =	sdelay $0x3  }
0x263: {  	v45 =	vld [tilespmem:$0x40D0]  }
0x264: {  	[tilespmem:$0x42B0] =	vst v0  }
0x265: {  	v0 =	vld.idx.msk [tilespmem:v44+s2+$0x0], $0xffff;
	_ =	sdelay $0x3  }
0x266: {  	v46 =	vld [tilespmem:$0x40E0]  }
0x267: {  	[tilespmem:$0x42C0] =	vst v0  }
0x268: {  	v0 =	vld.idx.msk [tilespmem:v45+s2+$0x0], $0xffff;
	_ =	sdelay $0x3  }
0x269: {  	v47 =	vld [tilespmem:$0x40F0]  }
0x26a: {  	[tilespmem:$0x42D0] =	vst v0  }
0x26b: {  	v0 =	vld.idx.msk [tilespmem:v46+s2+$0x0], $0xffff;
	_ =	sdelay $0x3  }
0x26c: {  	v48 =	vld [tilespmem:$0x4100]  }
0x26d: {  	[tilespmem:$0x42E0] =	vst v0  }
0x26e: {  	v0 =	vld.idx.msk [tilespmem:v47+s2+$0x0], $0xffff;
	_ =	sdelay $0x3  }
0x26f: {  	v49 =	vld [tilespmem:$0x4110]  }
0x270: {  	[tilespmem:$0x42F0] =	vst v0  }
0x271: {  	v0 =	vld.idx.msk [tilespmem:v48+s2+$0x0], $0xffff;
	_ =	sdelay $0x3  }
0x272: {  	v50 =	vld [tilespmem:$0x4120]  }
0x273: {  	[tilespmem:$0x4300] =	vst v0  }
0x274: {  	v0 =	vld.idx.msk [tilespmem:v49+s2+$0x0], $0xffff;
	_ =	sdelay $0x3  }
0x275: {  	v51 =	vld [tilespmem:$0x4130]  }
0x276: {  	[tilespmem:$0x4310] =	vst v0  }
0x277: {  	v0 =	vld.idx.msk [tilespmem:v50+s2+$0x0], $0xffff;
	_ =	sdelay $0x3  }
0x278: {  	v52 =	vld [tilespmem:$0x4140]  }
0x279: {  	[tilespmem:$0x4320] =	vst v0  }
0x27a: {  	v0 =	vld.idx.msk [tilespmem:v51+s2+$0x0], $0xffff;
	_ =	sdelay $0x3  }
0x27b: {  	v53 =	vld [tilespmem:$0x4150]  }
0x27c: {  	[tilespmem:$0x4330] =	vst v0  }
0x27d: {  	v0 =	vld.idx.msk [tilespmem:v52+s2+$0x0], $0xffff;
	_ =	sdelay $0x3  }
0x27e: {  	v54 =	vld [tilespmem:$0x4160]  }
0x27f: {  	[tilespmem:$0x4340] =	vst v0  }
0x280: {  	v0 =	vld.idx.msk [tilespmem:v53+s2+$0x0], $0xffff;
	_ =	sdelay $0x3  }
0x281: {  	v55 =	vld [tilespmem:$0x4170]  }
0x282: {  	[tilespmem:$0x4350] =	vst v0  }
0x283: {  	v0 =	vld.idx.msk [tilespmem:v54+s2+$0x0], $0xffff;
	_ =	sdelay $0x3  }
0x284: {  	v56 =	vld [tilespmem:$0x4180]  }
0x285: {  	[tilespmem:$0x4360] =	vst v0  }
0x286: {  	v0 =	vld.idx.msk [tilespmem:v55+s2+$0x0], $0xffff;
	_ =	sdelay $0x3  }
0x287: {  	v57 =	vld [tilespmem:$0x4190]  }
0x288: {  	[tilespmem:$0x4370] =	vst v0  }
0x289: {  	v0 =	vld.idx.msk [tilespmem:v56+s2+$0x0], $0xffff;
	_ =	sdelay $0x3  }
0x28a: {  	v58 =	vld [tilespmem:$0x41A0]  }
0x28b: {  	[tilespmem:$0x4380] =	vst v0  }
0x28c: {  	v0 =	vld.idx.msk [tilespmem:v57+s2+$0x0], $0xffff;
	_ =	sdelay $0x3  }
0x28d: {  	v59 =	vld [tilespmem:$0x41B0]  }
0x28e: {  	[tilespmem:$0x4390] =	vst v0  }
0x28f: {  	v0 =	vld.idx.msk [tilespmem:v58+s2+$0x0], $0xffff;
	_ =	sdelay $0x3  }
0x290: {  	v60 =	vld [tilespmem:$0x41C0]  }
0x291: {  	[tilespmem:$0x43A0] =	vst v0  }
0x292: {  	v0 =	vld.idx.msk [tilespmem:v59+s2+$0x0], $0xffff;
	_ =	sdelay $0x3  }
0x293: {  	v61 =	vld [tilespmem:$0x41D0]  }
0x294: {  	[tilespmem:$0x43B0] =	vst v0  }
0x295: {  	v0 =	vld.idx.msk [tilespmem:v60+s2+$0x0], $0xffff;
	_ =	sdelay $0x3  }
0x296: {  	v62 =	vld [tilespmem:$0x41E0]  }
0x297: {  	[tilespmem:$0x43C0] =	vst v0  }
0x298: {  	v0 =	vld.idx.msk [tilespmem:v61+s2+$0x0], $0xffff;
	_ =	sdelay $0x3  }
0x299: {  	v63 =	vld [tilespmem:$0x41F0]  }
0x29a: {  	[tilespmem:$0x43D0] =	vst v0  }
0x29b: {  	v0 =	vld.idx.msk [tilespmem:v62+s2+$0x0], $0xffff;
	_ =	sdelay $0x4  }
0x29c: {  	[tilespmem:$0x43E0] =	vst v0  }
0x29d: {  	v0 =	vld.idx.msk [tilespmem:v63+s2+$0x0], $0xffff;
	_ =	sdelay $0x4  }
.Ltmp2:
0x29e: {  	[tilespmem:$0x43F0] =	vst v0;
	(pc) =	sbr.rel @p0 .LBB2_3-.Ltmp2, $4  }
0x29f: {  	[hbm4b:s16+s20] =	stream.strided.scatter [tilespmem:s23], [sflag:$0x1], $0x200, s21, s20, $0x38;
	[tilespmem:$0x4400] =	vst v63  }
0x2a0: {  	_ =	swait.ge [sflag:s3], $0x200  }
0x2a1: {  	[sflag:s3] =	ssyncset.done $0x0  }
0x2a2: {  	[sflag:s3] =	ssyncadd.s32 $0xFFFFFE00  }
0x2a3: {  	[tilespmem:s2], [sflag:$0x1] =	stream.strided.gather [hbm4b:s17+s20], $0x4000, s21, s20, $0x38;
	[tilespmem:$0x4400] =	vst v63  }
0x2a4: {  	_ =	swait.ge [sflag:s3], $0x4000  }
0x2a5: {  	[sflag:s3] =	ssyncset.done $0x0  }
0x2a6: {  	[sflag:s3] =	ssyncadd.s32 $0xFFFFC000  }
0x2a7: {  	v0 =	vld [tilespmem:$0x4000];
	_ =	sdelay $0x5  }
0x2a8: {  	v1 =	vld [tilespmem:$0x4010];
	_ =	sdelay $0x1  }
0x2a9: {  	v0 =	vld.idx.msk [tilespmem:v0+s2+$0x0], $0xffff;
	_ =	sdelay $0x3  }
0x2aa: {  	v2 =	vld [tilespmem:$0x4020]  }
0x2ab: {  	[tilespmem:$0x4200] =	vst v0  }
0x2ac: {  	v0 =	vld.idx.msk [tilespmem:v1+s2+$0x0], $0xffff;
	_ =	sdelay $0x3  }
0x2ad: {  	v35 =	vld [tilespmem:$0x4030]  }
0x2ae: {  	[tilespmem:$0x4210] =	vst v0  }
0x2af: {  	v0 =	vld.idx.msk [tilespmem:v2+s2+$0x0], $0xffff;
	_ =	sdelay $0x3  }
0x2b0: {  	v36 =	vld [tilespmem:$0x4040]  }
0x2b1: {  	[tilespmem:$0x4220] =	vst v0  }
0x2b2: {  	v0 =	vld.idx.msk [tilespmem:v35+s2+$0x0], $0xffff;
	_ =	sdelay $0x3  }
0x2b3: {  	v37 =	vld [tilespmem:$0x4050]  }
0x2b4: {  	[tilespmem:$0x4230] =	vst v0  }
0x2b5: {  	v0 =	vld.idx.msk [tilespmem:v36+s2+$0x0], $0xffff;
	_ =	sdelay $0x3  }
0x2b6: {  	v38 =	vld [tilespmem:$0x4060]  }
0x2b7: {  	[tilespmem:$0x4240] =	vst v0  }
0x2b8: {  	v0 =	vld.idx.msk [tilespmem:v37+s2+$0x0], $0xffff;
	_ =	sdelay $0x3  }
0x2b9: {  	v39 =	vld [tilespmem:$0x4070]  }
0x2ba: {  	[tilespmem:$0x4250] =	vst v0  }
0x2bb: {  	v0 =	vld.idx.msk [tilespmem:v38+s2+$0x0], $0xffff;
	_ =	sdelay $0x3  }
0x2bc: {  	v40 =	vld [tilespmem:$0x4080]  }
0x2bd: {  	[tilespmem:$0x4260] =	vst v0  }
0x2be: {  	v0 =	vld.idx.msk [tilespmem:v39+s2+$0x0], $0xffff;
	_ =	sdelay $0x3  }
0x2bf: {  	v41 =	vld [tilespmem:$0x4090]  }
0x2c0: {  	[tilespmem:$0x4270] =	vst v0  }
0x2c1: {  	v0 =	vld.idx.msk [tilespmem:v40+s2+$0x0], $0xffff;
	_ =	sdelay $0x3  }
0x2c2: {  	v42 =	vld [tilespmem:$0x40A0]  }
0x2c3: {  	[tilespmem:$0x4280] =	vst v0  }
0x2c4: {  	v0 =	vld.idx.msk [tilespmem:v41+s2+$0x0], $0xffff;
	_ =	sdelay $0x3  }
0x2c5: {  	v43 =	vld [tilespmem:$0x40B0]  }
0x2c6: {  	[tilespmem:$0x4290] =	vst v0  }
0x2c7: {  	v0 =	vld.idx.msk [tilespmem:v42+s2+$0x0], $0xffff;
	_ =	sdelay $0x3  }
0x2c8: {  	v44 =	vld [tilespmem:$0x40C0]  }
0x2c9: {  	[tilespmem:$0x42A0] =	vst v0  }
0x2ca: {  	v0 =	vld.idx.msk [tilespmem:v43+s2+$0x0], $0xffff;
	_ =	sdelay $0x3  }
0x2cb: {  	v45 =	vld [tilespmem:$0x40D0]  }
0x2cc: {  	[tilespmem:$0x42B0] =	vst v0  }
0x2cd: {  	v0 =	vld.idx.msk [tilespmem:v44+s2+$0x0], $0xffff;
	_ =	sdelay $0x3  }
0x2ce: {  	v46 =	vld [tilespmem:$0x40E0]  }
0x2cf: {  	[tilespmem:$0x42C0] =	vst v0  }
0x2d0: {  	v0 =	vld.idx.msk [tilespmem:v45+s2+$0x0], $0xffff;
	_ =	sdelay $0x3  }
0x2d1: {  	v47 =	vld [tilespmem:$0x40F0]  }
0x2d2: {  	[tilespmem:$0x42D0] =	vst v0  }
0x2d3: {  	v0 =	vld.idx.msk [tilespmem:v46+s2+$0x0], $0xffff;
	_ =	sdelay $0x3  }
0x2d4: {  	v48 =	vld [tilespmem:$0x4100]  }
0x2d5: {  	[tilespmem:$0x42E0] =	vst v0  }
0x2d6: {  	v0 =	vld.idx.msk [tilespmem:v47+s2+$0x0], $0xffff;
	_ =	sdelay $0x3  }
0x2d7: {  	v49 =	vld [tilespmem:$0x4110]  }
0x2d8: {  	[tilespmem:$0x42F0] =	vst v0  }
0x2d9: {  	v0 =	vld.idx.msk [tilespmem:v48+s2+$0x0], $0xffff;
	_ =	sdelay $0x3  }
0x2da: {  	v50 =	vld [tilespmem:$0x4120]  }
0x2db: {  	[tilespmem:$0x4300] =	vst v0  }
0x2dc: {  	v0 =	vld.idx.msk [tilespmem:v49+s2+$0x0], $0xffff;
	_ =	sdelay $0x3  }
0x2dd: {  	v51 =	vld [tilespmem:$0x4130]  }
0x2de: {  	[tilespmem:$0x4310] =	vst v0  }
0x2df: {  	v0 =	vld.idx.msk [tilespmem:v50+s2+$0x0], $0xffff;
	_ =	sdelay $0x3  }
0x2e0: {  	v52 =	vld [tilespmem:$0x4140]  }
0x2e1: {  	[tilespmem:$0x4320] =	vst v0  }
0x2e2: {  	v0 =	vld.idx.msk [tilespmem:v51+s2+$0x0], $0xffff;
	_ =	sdelay $0x3  }
0x2e3: {  	v53 =	vld [tilespmem:$0x4150]  }
0x2e4: {  	[tilespmem:$0x4330] =	vst v0  }
0x2e5: {  	v0 =	vld.idx.msk [tilespmem:v52+s2+$0x0], $0xffff;
	_ =	sdelay $0x3  }
0x2e6: {  	v54 =	vld [tilespmem:$0x4160]  }
0x2e7: {  	[tilespmem:$0x4340] =	vst v0  }
0x2e8: {  	v0 =	vld.idx.msk [tilespmem:v53+s2+$0x0], $0xffff;
	_ =	sdelay $0x3  }
0x2e9: {  	v55 =	vld [tilespmem:$0x4170]  }
0x2ea: {  	[tilespmem:$0x4350] =	vst v0  }
0x2eb: {  	v0 =	vld.idx.msk [tilespmem:v54+s2+$0x0], $0xffff;
	_ =	sdelay $0x3  }
0x2ec: {  	v56 =	vld [tilespmem:$0x4180]  }
0x2ed: {  	[tilespmem:$0x4360] =	vst v0  }
0x2ee: {  	v0 =	vld.idx.msk [tilespmem:v55+s2+$0x0], $0xffff;
	_ =	sdelay $0x3  }
0x2ef: {  	v57 =	vld [tilespmem:$0x4190]  }
0x2f0: {  	[tilespmem:$0x4370] =	vst v0  }
0x2f1: {  	v0 =	vld.idx.msk [tilespmem:v56+s2+$0x0], $0xffff;
	_ =	sdelay $0x3  }
0x2f2: {  	v58 =	vld [tilespmem:$0x41A0]  }
0x2f3: {  	[tilespmem:$0x4380] =	vst v0  }
0x2f4: {  	v0 =	vld.idx.msk [tilespmem:v57+s2+$0x0], $0xffff;
	_ =	sdelay $0x3  }
0x2f5: {  	v59 =	vld [tilespmem:$0x41B0]  }
0x2f6: {  	[tilespmem:$0x4390] =	vst v0  }
0x2f7: {  	v0 =	vld.idx.msk [tilespmem:v58+s2+$0x0], $0xffff;
	_ =	sdelay $0x3  }
0x2f8: {  	v60 =	vld [tilespmem:$0x41C0]  }
0x2f9: {  	[tilespmem:$0x43A0] =	vst v0  }
0x2fa: {  	v0 =	vld.idx.msk [tilespmem:v59+s2+$0x0], $0xffff;
	_ =	sdelay $0x3  }
0x2fb: {  	v61 =	vld [tilespmem:$0x41D0]  }
0x2fc: {  	[tilespmem:$0x43B0] =	vst v0  }
0x2fd: {  	v0 =	vld.idx.msk [tilespmem:v60+s2+$0x0], $0xffff;
	_ =	sdelay $0x3  }
0x2fe: {  	v62 =	vld [tilespmem:$0x41E0]  }
0x2ff: {  	[tilespmem:$0x43C0] =	vst v0  }
0x300: {  	v0 =	vld.idx.msk [tilespmem:v61+s2+$0x0], $0xffff;
	_ =	sdelay $0x3  }
0x301: {  	v63 =	vld [tilespmem:$0x41F0]  }
0x302: {  	[tilespmem:$0x43D0] =	vst v0  }
0x303: {  	v0 =	vld.idx.msk [tilespmem:v62+s2+$0x0], $0xffff;
	_ =	sdelay $0x4  }
0x304: {  	[tilespmem:$0x43E0] =	vst v0  }
0x305: {  	v0 =	vld.idx.msk [tilespmem:v63+s2+$0x0], $0xffff;
	_ =	sdelay $0x4  }
.Ltmp3:
0x306: {  	[tilespmem:$0x43F0] =	vst v0;
	(pc) =	sbr.rel .LBB2_3-.Ltmp3, $4  }
0x307: {  	[hbm4b:s18+s20] =	stream.strided.scatter [tilespmem:s23], [sflag:$0x1], $0x200, s21, s20, $0x38;
	[tilespmem:$0x4400] =	vst v63  }
0x308: {  	_ =	swait.ge [sflag:s3], $0x200  }
0x309: {  	[sflag:s3] =	ssyncset.done $0x0  }
0x30a: {  	[sflag:s3] =	ssyncadd.s32 $0xFFFFFE00  }
.LBB2_4:
0x30b: {  	_ =	sfence.sel $0x180000  }
0x30c: {  	[bflag:$0x0] =	sbarrier.arrive $0xFFFF  }
0x30d: {  	p0 =	sne.s32 s0, $0x0;
	_ =	strace $0x90000047  }
0x30e: {  	s0 =	sadd.s32 @!p0 $0x100000, s1;
	[bflag:$0x2] =	sbarrier.arrive $0xFFFF  }
0x30f: {  	[sflag:s0] =	ssyncadd.tile.s32 @!p0 $0x1;
	_ =	shalt  }
.Lfunc_end2:
_tile_overlayer_lowered:
.L_overlay_start_2:
0x310: {  	(tag) =	ssettag $0x2  }
0x311: {  	s0 =	rddreg [dreg:$0x0];
	s2 =	stileid.u32  }
0x312: {  	s1 =	rddreg [dreg:$0x1];
	p0 =	sne.s32 s2, $0x0  }
0x313: {  	s3 =	rddreg [dreg:$0x2];
	[bflag:$0x3] =	sbarrier.arrive $0xFFFF;
	s2 =	simm.s32 @!p0 $0x1C01  }
0x314: {  	[timem:s3], [sflag:s2] =	dma.local @!p0 [hbm:s0], s1  }
0x315: {  	s0 =	simm.s32 @!p0 $0x1  }
0x316: {  	_ =	swait.ge @!p0 [sflag:s0], s1  }
0x317: {  	s1 =	ssub.s32 @!p0 $0x0, s1;
	[sflag:s0] =	ssyncset.done @!p0 $0x0  }
0x318: {  	[sflag:s0] =	ssyncadd.s32 @!p0 s1  }
0x319: {  	[bflag:$0x3] =	sbarrier.arrive $0xFFFF  }
0x31a: {  	_ =	shalt  }

</sc_bundles>
